<compile_context>
chip_gen: v7x
topology: tpu7x:2x2x1
jax: 0.10.2.dev20260603
libtpu: 0.0.44.dev20260713+nightly
codegen_flags: <defaults>
</compile_context>

<pallas_src>
import functools

import jax
import jax.numpy as jnp
from jax import lax
from jax.experimental import pallas as pl
from jax.experimental.pallas import tpu as pltpu
from jax.experimental.pallas import tpu_sc as plsc

MAX_M = 0.5
S = 30.0

P = 4096
C = 16
NPIX = 8 * 512 * 512
PLANE = 512 * 512
NW = 32
PPW = NPIX // NW
CH = 1024
NCHUNK = PPW // CH
L = 16
UB = 4
SENT = 0x7FFFFFFF
TR = 8
TCOL = 128


def _stage1_body(pred_hbm, parcel_hbm, target_hbm,
                 sums_out, cnt_out, floc_out, ftgt_out,
                 acc, cnt, floc, ftgt, pbuf, pidbuf, tbuf, sem):
    cid = lax.axis_index("c")
    sid = lax.axis_index("s")
    wid = sid * 2 + cid
    n = wid // 4
    q = wid % 4

    iota16 = lax.iota(jnp.int32, L)
    ones16 = jnp.ones((L,), jnp.float32)
    zero16f = jnp.zeros((L,), jnp.float32)
    zero16i = jnp.zeros((L,), jnp.int32)
    sent16 = jnp.full((L,), SENT, jnp.int32)

    def init_small(j, carry):
        cnt[pl.ds(j * L, L)] = zero16f
        floc[pl.ds(j * L, L)] = sent16
        ftgt[pl.ds(j * L, L)] = zero16i
        return carry

    lax.fori_loop(0, P // L, init_small, 0)

    def init_acc(j, carry):
        for c in range(C):
            acc[c, pl.ds(j * L, L)] = zero16f
        return carry

    lax.fori_loop(0, P // L, init_acc, 0)

    def start(k, b):
        h0 = q * 128 + (k // 4) * TR
        w0 = (k % 4) * TCOL
        pltpu.async_copy(pred_hbm.at[n, :, pl.ds(h0, TR), pl.ds(w0, TCOL)],
                         pbuf.at[b], sem.at[b])
        pltpu.async_copy(parcel_hbm.at[n, pl.ds(h0, TR), pl.ds(w0, TCOL)],
                         pidbuf.at[b], sem.at[b])
        pltpu.async_copy(target_hbm.at[n, pl.ds(h0, TR), pl.ds(w0, TCOL)],
                         tbuf.at[b], sem.at[b])

    def wait(b):
        pltpu.make_async_copy(pred_hbm.at[0, :, pl.ds(0, TR), pl.ds(0, TCOL)],
                              pbuf.at[b], sem.at[b]).wait()
        pltpu.make_async_copy(parcel_hbm.at[0, pl.ds(0, TR), pl.ds(0, TCOL)],
                              pidbuf.at[b], sem.at[b]).wait()
        pltpu.make_async_copy(target_hbm.at[0, pl.ds(0, TR), pl.ds(0, TCOL)],
                              tbuf.at[b], sem.at[b]).wait()

    def process(k, b):
        @plsc.parallel_loop(0, CH // L, step=1, unroll=2)
        def _pass_a(gg):
            r = gg // 8
            col = (gg % 8) * L
            pids = pidbuf[b, r, pl.ds(col, L)]
            plsc.addupdate_scatter(cnt, [pids], ones16)
            for c in range(C):
                vals = pbuf[b, c, r, pl.ds(col, L)]
                plsc.addupdate_scatter(acc, [jnp.full((L,), c, jnp.int32),
                                             pids], vals)

        hw_base = (q * 128 + (k // 4) * TR) * 512 + (k % 4) * TCOL \
            - q * PPW

        def _pass_b(g, gcarry):
            for u in range(UB):
                gg = g * UB + u
                r = gg // 8
                col = (gg % 8) * L
                pids = pidbuf[b, r, pl.ds(col, L)]
                tv = tbuf[b, r, pl.ds(col, L)]
                rp = lax.rev(pids, (0,))
                _, rlast = plsc.scan_count(rp)
                firstocc = lax.rev(jnp.where(rlast, 1, 0), (0,)) == 1
                flat = hw_base + r * 512 + col + iota16
                cur = plsc.load_gather(floc, [pids])
                m2 = jnp.logical_and(firstocc, flat < cur)
                plsc.store_scatter(floc, [pids], flat, mask=m2)
                plsc.store_scatter(ftgt, [pids], tv, mask=m2)
            return gcarry

        lax.fori_loop(0, CH // (L * UB), _pass_b, 0)

    start(0, 0)

    def pair_body(j, carry):
        k0 = 2 * j
        start(k0 + 1, 1)
        wait(0)
        process(k0, 0)

        @pl.when(j < NCHUNK // 2 - 1)
        def _():
            start(k0 + 2, 0)

        wait(1)
        process(k0 + 1, 1)
        return carry

    lax.fori_loop(0, NCHUNK // 2, pair_body, 0)

    pltpu.sync_copy(acc, sums_out.at[wid])
    pltpu.sync_copy(cnt, cnt_out.at[wid])
    pltpu.sync_copy(floc, floc_out.at[wid])
    pltpu.sync_copy(ftgt, ftgt_out.at[wid])


_stage1 = functools.partial(
    pl.kernel,
    out_type=(
        jax.ShapeDtypeStruct((NW, C, P), jnp.float32),
        jax.ShapeDtypeStruct((NW, P), jnp.float32),
        jax.ShapeDtypeStruct((NW, P), jnp.int32),
        jax.ShapeDtypeStruct((NW, P), jnp.int32),
    ),
    mesh=plsc.VectorSubcoreMesh(core_axis_name="c", subcore_axis_name="s"),
    scratch_types=[
        pltpu.VMEM((C, P), jnp.float32),
        pltpu.VMEM((P,), jnp.float32),
        pltpu.VMEM((P,), jnp.int32),
        pltpu.VMEM((P,), jnp.int32),
        pltpu.VMEM((2, C, TR, TCOL), jnp.float32),
        pltpu.VMEM((2, TR, TCOL), jnp.int32),
        pltpu.VMEM((2, TR, TCOL), jnp.int32),
        pltpu.SemaphoreType.DMA((2,)),
    ],
    compiler_params=pltpu.CompilerParams(needs_layout_passes=False,
                                         use_tc_tiling_on_sc=True),
)(_stage1_body)


def _stage2_body(sums_ref, cnt_ref, floc_ref, ftgt_ref, cls_ref, out_ref):
    clsf = cls_ref[...].astype(jnp.float32)
    m0 = 1.0 / jnp.sqrt(jnp.sqrt(clsf))
    m = m0 * (MAX_M / jnp.max(m0))

    sums = jnp.sum(sums_ref[...], axis=0)
    counts = jnp.sum(cnt_ref[...], axis=0, keepdims=True)
    present = counts > 0.0
    safe = jnp.where(present, counts, 1.0)
    avg = sums / safe

    floc = floc_ref[...]
    w = lax.broadcasted_iota(jnp.int32, (NW, P), 0)
    glob = jnp.where(floc == SENT, SENT, w * PPW + floc)
    best = jnp.min(glob, axis=0, keepdims=True)
    cand = jnp.where(glob == best, ftgt_ref[...], -1)
    tgt = jnp.max(cand, axis=0, keepdims=True)

    oh = lax.broadcasted_iota(jnp.int32, (C, P), 0) == tgt
    ohf = jnp.where(oh, 1.0, 0.0)
    mt = jnp.sum(ohf * m, axis=0, keepdims=True)
    logits = S * (avg - ohf * mt)
    mx = jnp.max(logits, axis=0, keepdims=True)
    lse = jnp.log(jnp.sum(jnp.exp(logits - mx), axis=0, keepdims=True)) + mx
    lt = jnp.sum(jnp.where(oh, logits, 0.0), axis=0, keepdims=True)
    nll = jnp.where(present, lse - lt, 0.0)
    loss = jnp.sum(nll) / jnp.sum(jnp.where(present, 1.0, 0.0))
    out_ref[...] = loss.reshape(1, 1)


def kernel(pred, target, parcel, cls_num_list):
    sums3, cnt_p, floc_p, ftgt_p = _stage1(pred, parcel, target)
    cls2 = cls_num_list.reshape(C, 1)
    loss = pl.pallas_call(
        _stage2_body,
        out_shape=jax.ShapeDtypeStruct((1, 1), jnp.float32),
    )(sums3, cnt_p, floc_p, ftgt_p, cls2)
    return loss[0, 0]

# --- scband reference (transcript-rebuilt; emitter-appended) ---
"""Pipeline reference for scband-parcel-rebalanced-ldam-13477607375414 (READ-ONLY COPY).

The authoritative reference and input builder live on the scoring server;
editing this copy changes nothing except your own understanding.
"""

import jax, jax.numpy as jnp
import numpy as np

MAX_M = 0.5
S = 30.0
IGNORE_INDEX = 255


def setup_inputs(seed: int = 0):
    key = jax.random.key(seed)
    k1, k2, k3, k4 = jax.random.split(key, 4)
    pred = jax.random.normal(k1, (8, 16, 512, 512), dtype=jnp.float32)
    target = jax.random.randint(k2, (8, 512, 512), 0, 16, dtype=jnp.int32)
    parcel = jax.random.randint(k3, (8, 512, 512), 0, 4096, dtype=jnp.int32)
    cls_num_list = jax.random.randint(k4, (16,), 0, 100000, dtype=jnp.int32)
    return {"pred": pred, "target": target, "parcel": parcel, "cls_num_list": cls_num_list}


def _forward(pred, target, parcel, cls_num_list):
    # per-class margins
    m_list = 1.0 / jnp.sqrt(jnp.sqrt(cls_num_list.astype(jnp.float32)))
    m_list = m_list * (MAX_M / jnp.max(m_list))
    n, c, h, w = pred.shape
    # rearrange 'n c h w -> (n h w) c'
    pred2 = jnp.transpose(pred, (0, 2, 3, 1)).reshape(-1, c)
    t = target.reshape(-1)
    p = parcel.reshape(-1)
    # ignore_index pixels expressed as a validity weight (fixed shape)
    valid = t != IGNORE_INDEX
    vf = valid.astype(jnp.float32)
    # dense segmentation over the full static parcel id range
    num_parcels = 4096
    seg = p
    # per-parcel mean prediction (segment reduce over ~2.1M rows)
    counts = jax.ops.segment_sum(vf, seg, num_segments=num_parcels)
    sums = jax.ops.segment_sum(pred2 * vf[:, None], seg, num_segments=num_parcels)
    present = counts > 0
    safe_counts = jnp.where(present, counts, 1.0)
    parcel_pred_avg = sums / safe_counts[:, None]
    # target of the first valid pixel of each parcel (torch takes target[parcel_mask][0])
    row_idx = jnp.where(valid, jnp.arange(p.shape[0]), p.shape[0])
    first_idx = jax.ops.segment_min(row_idx, seg, num_segments=num_parcels)
    first_idx = jnp.minimum(first_idx, p.shape[0] - 1)
    target_parcel = jnp.take(t, first_idx)
    # LDAM margin subtraction on the true-class logit
    onehot = jax.nn.one_hot(target_parcel, c, dtype=jnp.float32)
    batch_m = jnp.sum(onehot * m_list[None, :], axis=1, keepdims=True)
    p_m = parcel_pred_avg - batch_m
    output = jnp.where(onehot > 0, p_m, parcel_pred_avg)
    # cross entropy on scaled logits
    logits = S * output
    logp = logits - jax.nn.logsumexp(logits, axis=1, keepdims=True)
    nll = -jnp.take_along_axis(logp, target_parcel[:, None].astype(jnp.int32), axis=1)[:, 0]
    nll = jnp.where(present, nll, 0.0)
    return jnp.sum(nll) / jnp.sum(present.astype(jnp.float32))


def reference(pred, target, parcel, cls_num_list):
    return _forward(pred, target, parcel, cls_num_list)

if __name__ == "__main__":
    import jax
    _d = setup_inputs()
    print(jax.jit(kernel)(*tuple(_d.values())))

</pallas_src>

<mosaic_0001>
#map = affine_map<(d0, d1) -> (0, 0, 0, 0)>
#map1 = affine_map<(d0, d1) -> (0, 0, 0)>
#map2 = affine_map<(d0, d1) -> (0, 0)>
module attributes {stable_mosaic.version = 14 : i64} {
  func.func @_stage1_body(%arg0: i32, %arg1: i32, %arg2: memref<8x16x512x512xf32, #tpu.memory_space<hbm>>, %arg3: memref<8x512x512xi32, #tpu.memory_space<hbm>>, %arg4: memref<8x512x512xi32, #tpu.memory_space<hbm>>, %arg5: memref<32x16x4096xf32, #tpu.memory_space<hbm>>, %arg6: memref<32x4096xf32, #tpu.memory_space<hbm>>, %arg7: memref<32x4096xi32, #tpu.memory_space<hbm>>, %arg8: memref<32x4096xi32, #tpu.memory_space<hbm>>, %arg9: memref<16x4096xf32, #tpu.memory_space<vmem>>, %arg10: memref<4096xf32, #tpu.memory_space<vmem>>, %arg11: memref<4096xi32, #tpu.memory_space<vmem>>, %arg12: memref<4096xi32, #tpu.memory_space<vmem>>, %arg13: memref<2x16x8x128xf32, #tpu.memory_space<vmem>>, %arg14: memref<2x8x128xi32, #tpu.memory_space<vmem>>, %arg15: memref<2x8x128xi32, #tpu.memory_space<vmem>>, %arg16: memref<2x!tpu.dma_semaphore, #tpu.memory_space<semaphore_mem>>) attributes {dimension_semantics = [#tpu.dimension_semantics<core_parallel>, #tpu.dimension_semantics<subcore_parallel>], iteration_bounds = array<i64: 2, 16>, scalar_prefetch = 0 : i64, scratch_operands = 8 : i64, tpu.core_type = #tpu.core_type<sc_vector_subcore>, window_params = [{transform_indices = #map}, {transform_indices = #map1}, {transform_indices = #map1}, {transform_indices = #map1}, {transform_indices = #map2}, {transform_indices = #map2}, {transform_indices = #map2}]} {
    %mul3A = arith.constant 2 : i32
    %mul3A_0 = arith.muli %arg1, %mul3A : i32
    %add3A = arith.addi %mul3A_0, %arg0 : i32
    %jit3A = arith.constant 4 : i32
    %div3A = arith.divsi %add3A, %jit3A : i32
    %sign3A = arith.constant 0 : i32
    %sign3A_1 = arith.cmpi sgt, %add3A, %sign3A : i32
    %sign3A_2 = arith.extui %sign3A_1 : i1 to i32
    %sign3A_3 = arith.constant 0 : i32
    %sign3A_4 = arith.cmpi slt, %add3A, %sign3A_3 : i32
    %sign3A_5 = arith.extui %sign3A_4 : i1 to i32
    %sign3A_6 = arith.subi %sign3A_2, %sign3A_5 : i32
    %sign3A_7 = arith.constant 0 : i32
    %sign3A_8 = arith.cmpi sgt, %jit3A, %sign3A_7 : i32
    %sign3A_9 = arith.extui %sign3A_8 : i1 to i32
    %sign3A_10 = arith.constant 0 : i32
    %sign3A_11 = arith.cmpi slt, %jit3A, %sign3A_10 : i32
    %sign3A_12 = arith.extui %sign3A_11 : i1 to i32
    %sign3A_13 = arith.subi %sign3A_9, %sign3A_12 : i32
    %ne3A = arith.cmpi ne, %sign3A_6, %sign3A_13 : i32
    %rem3A = arith.remsi %add3A, %jit3A : i32
    %ne3A_14 = arith.constant 0 : i32
    %ne3A_15 = arith.cmpi ne, %rem3A, %ne3A_14 : i32
    %and3A = arith.andi %ne3A, %ne3A_15 : i1
    %sub3A = arith.constant 1 : i32
    %sub3A_16 = arith.subi %div3A, %sub3A : i32
    %select_n3A = arith.select %and3A, %sub3A_16, %div3A : i32
    %jit3A_17 = arith.constant 4 : i32
    %eq3A = arith.constant 0 : i32
    %eq3A_18 = arith.cmpi eq, %jit3A_17, %eq3A : i32
    %jit3A_19 = arith.constant 1 : i32
    %select_n3A_20 = arith.select %eq3A_18, %jit3A_19, %jit3A_17 : i32
    %rem3A_21 = arith.remsi %add3A, %select_n3A_20 : i32
    %ne3A_22 = arith.constant 0 : i32
    %ne3A_23 = arith.cmpi ne, %rem3A_21, %ne3A_22 : i32
    %lt3A = arith.constant 0 : i32
    %lt3A_24 = arith.cmpi slt, %rem3A_21, %lt3A : i32
    %lt3A_25 = arith.constant 0 : i32
    %lt3A_26 = arith.cmpi slt, %select_n3A_20, %lt3A_25 : i32
    %ne3A_27 = arith.xori %lt3A_24, %lt3A_26 : i1
    %and3A_28 = arith.andi %ne3A_27, %ne3A_23 : i1
    %add3A_29 = arith.addi %rem3A_21, %select_n3A_20 : i32
    %select_n3A_30 = arith.select %and3A_28, %add3A_29, %rem3A_21 : i32
    %iota3A = tpu.iota {dimensions = array<i32: 0>} : vector<16xi32>
    %broadcast_in_dim3A = arith.constant 1.000000e+00 : f32
    %broadcast_in_dim3A_31 = vector.broadcast %broadcast_in_dim3A : f32 to vector<16xf32>
    %broadcast_in_dim3A_32 = arith.constant 0.000000e+00 : f32
    %broadcast_in_dim3A_33 = vector.broadcast %broadcast_in_dim3A_32 : f32 to vector<16xf32>
    %broadcast_in_dim3A_34 = arith.constant 0 : i32
    %broadcast_in_dim3A_35 = vector.broadcast %broadcast_in_dim3A_34 : i32 to vector<16xi32>
    %broadcast_in_dim3A_36 = arith.constant 2147483647 : i32
    %broadcast_in_dim3A_37 = vector.broadcast %broadcast_in_dim3A_36 : i32 to vector<16xi32>
    %scan3A = arith.constant 0 : i32
    %scan3A_38 = arith.constant 0 : i32
    %scan3A_39 = arith.constant 256 : i32
    %scan3A_40 = arith.addi %scan3A_38, %scan3A_39 : i32
    %scan3A_41 = arith.constant 1 : i32
    scf.for %scan3A_116 = %scan3A_38 to %scan3A_40 step %scan3A_41  : i32 {
      %mul3A_117 = arith.constant 16 : i32
      %mul3A_118 = arith.muli %scan3A_116, %mul3A_117 : i32
      %swap3A = arith.index_cast %mul3A_118 : i32 to index
      %swap3A_119 = tpu.vector_load %arg10[%swap3A] {strides = array<i32>} : memref<4096xf32, #tpu.memory_space<vmem>>, vector<16xf32>,
      tpu.vector_store %arg10[%swap3A], %broadcast_in_dim3A_33 {strides = array<i32>} : memref<4096xf32, #tpu.memory_space<vmem>>, vector<16xf32>,
      %mul3A_120 = arith.constant 16 : i32
      %mul3A_121 = arith.muli %scan3A_116, %mul3A_120 : i32
      %swap3A_122 = arith.index_cast %mul3A_121 : i32 to index
      %swap3A_123 = tpu.vector_load %arg11[%swap3A_122] {strides = array<i32>} : memref<4096xi32, #tpu.memory_space<vmem>>, vector<16xi32>,
      tpu.vector_store %arg11[%swap3A_122], %broadcast_in_dim3A_37 {strides = array<i32>} : memref<4096xi32, #tpu.memory_space<vmem>>, vector<16xi32>,
      %mul3A_124 = arith.constant 16 : i32
      %mul3A_125 = arith.muli %scan3A_116, %mul3A_124 : i32
      %swap3A_126 = arith.index_cast %mul3A_125 : i32 to index
      %swap3A_127 = tpu.vector_load %arg12[%swap3A_126] {strides = array<i32>} : memref<4096xi32, #tpu.memory_space<vmem>>, vector<16xi32>,
      tpu.vector_store %arg12[%swap3A_126], %broadcast_in_dim3A_35 {strides = array<i32>} : memref<4096xi32, #tpu.memory_space<vmem>>, vector<16xi32>,
    }
    %scan3A_42 = arith.constant 256 : i32
    %scan3A_43 = arith.constant 0 : i32
    %scan3A_44 = arith.constant 0 : i32
    %scan3A_45 = arith.constant 256 : i32
    %scan3A_46 = arith.addi %scan3A_44, %scan3A_45 : i32
    %scan3A_47 = arith.constant 1 : i32
    scf.for %scan3A_116 = %scan3A_44 to %scan3A_46 step %scan3A_47  : i32 {
      %mul3A_117 = arith.constant 16 : i32
      %mul3A_118 = arith.muli %scan3A_116, %mul3A_117 : i32
      %swap3A = arith.constant 0 : i32
      %swap3A_119 = arith.index_cast %swap3A : i32 to index
      %swap3A_120 = arith.index_cast %mul3A_118 : i32 to index
      %swap3A_121 = tpu.vector_load %arg9[%swap3A_119, %swap3A_120] {strides = array<i32>} : memref<16x4096xf32, #tpu.memory_space<vmem>>, vector<16xf32>,
      tpu.vector_store %arg9[%swap3A_119, %swap3A_120], %broadcast_in_dim3A_33 {strides = array<i32>} : memref<16x4096xf32, #tpu.memory_space<vmem>>, vector<16xf32>,
      %mul3A_122 = arith.constant 16 : i32
      %mul3A_123 = arith.muli %scan3A_116, %mul3A_122 : i32
      %swap3A_124 = arith.constant 1 : i32
      %swap3A_125 = arith.index_cast %swap3A_124 : i32 to index
      %swap3A_126 = arith.index_cast %mul3A_123 : i32 to index
      %swap3A_127 = tpu.vector_load %arg9[%swap3A_125, %swap3A_126] {strides = array<i32>} : memref<16x4096xf32, #tpu.memory_space<vmem>>, vector<16xf32>,
      tpu.vector_store %arg9[%swap3A_125, %swap3A_126], %broadcast_in_dim3A_33 {strides = array<i32>} : memref<16x4096xf32, #tpu.memory_space<vmem>>, vector<16xf32>,
      %mul3A_128 = arith.constant 16 : i32
      %mul3A_129 = arith.muli %scan3A_116, %mul3A_128 : i32
      %swap3A_130 = arith.constant 2 : i32
      %swap3A_131 = arith.index_cast %swap3A_130 : i32 to index
      %swap3A_132 = arith.index_cast %mul3A_129 : i32 to index
      %swap3A_133 = tpu.vector_load %arg9[%swap3A_131, %swap3A_132] {strides = array<i32>} : memref<16x4096xf32, #tpu.memory_space<vmem>>, vector<16xf32>,
      tpu.vector_store %arg9[%swap3A_131, %swap3A_132], %broadcast_in_dim3A_33 {strides = array<i32>} : memref<16x4096xf32, #tpu.memory_space<vmem>>, vector<16xf32>,
      %mul3A_134 = arith.constant 16 : i32
      %mul3A_135 = arith.muli %scan3A_116, %mul3A_134 : i32
      %swap3A_136 = arith.constant 3 : i32
      %swap3A_137 = arith.index_cast %swap3A_136 : i32 to index
      %swap3A_138 = arith.index_cast %mul3A_135 : i32 to index
      %swap3A_139 = tpu.vector_load %arg9[%swap3A_137, %swap3A_138] {strides = array<i32>} : memref<16x4096xf32, #tpu.memory_space<vmem>>, vector<16xf32>,
      tpu.vector_store %arg9[%swap3A_137, %swap3A_138], %broadcast_in_dim3A_33 {strides = array<i32>} : memref<16x4096xf32, #tpu.memory_space<vmem>>, vector<16xf32>,
      %mul3A_140 = arith.constant 16 : i32
      %mul3A_141 = arith.muli %scan3A_116, %mul3A_140 : i32
      %swap3A_142 = arith.constant 4 : i32
      %swap3A_143 = arith.index_cast %swap3A_142 : i32 to index
      %swap3A_144 = arith.index_cast %mul3A_141 : i32 to index
      %swap3A_145 = tpu.vector_load %arg9[%swap3A_143, %swap3A_144] {strides = array<i32>} : memref<16x4096xf32, #tpu.memory_space<vmem>>, vector<16xf32>,
      tpu.vector_store %arg9[%swap3A_143, %swap3A_144], %broadcast_in_dim3A_33 {strides = array<i32>} : memref<16x4096xf32, #tpu.memory_space<vmem>>, vector<16xf32>,
      %mul3A_146 = arith.constant 16 : i32
      %mul3A_147 = arith.muli %scan3A_116, %mul3A_146 : i32
      %swap3A_148 = arith.constant 5 : i32
      %swap3A_149 = arith.index_cast %swap3A_148 : i32 to index
      %swap3A_150 = arith.index_cast %mul3A_147 : i32 to index
      %swap3A_151 = tpu.vector_load %arg9[%swap3A_149, %swap3A_150] {strides = array<i32>} : memref<16x4096xf32, #tpu.memory_space<vmem>>, vector<16xf32>,
      tpu.vector_store %arg9[%swap3A_149, %swap3A_150], %broadcast_in_dim3A_33 {strides = array<i32>} : memref<16x4096xf32, #tpu.memory_space<vmem>>, vector<16xf32>,
      %mul3A_152 = arith.constant 16 : i32
      %mul3A_153 = arith.muli %scan3A_116, %mul3A_152 : i32
      %swap3A_154 = arith.constant 6 : i32
      %swap3A_155 = arith.index_cast %swap3A_154 : i32 to index
      %swap3A_156 = arith.index_cast %mul3A_153 : i32 to index
      %swap3A_157 = tpu.vector_load %arg9[%swap3A_155, %swap3A_156] {strides = array<i32>} : memref<16x4096xf32, #tpu.memory_space<vmem>>, vector<16xf32>,
      tpu.vector_store %arg9[%swap3A_155, %swap3A_156], %broadcast_in_dim3A_33 {strides = array<i32>} : memref<16x4096xf32, #tpu.memory_space<vmem>>, vector<16xf32>,
      %mul3A_158 = arith.constant 16 : i32
      %mul3A_159 = arith.muli %scan3A_116, %mul3A_158 : i32
      %swap3A_160 = arith.constant 7 : i32
      %swap3A_161 = arith.index_cast %swap3A_160 : i32 to index
      %swap3A_162 = arith.index_cast %mul3A_159 : i32 to index
      %swap3A_163 = tpu.vector_load %arg9[%swap3A_161, %swap3A_162] {strides = array<i32>} : memref<16x4096xf32, #tpu.memory_space<vmem>>, vector<16xf32>,
      tpu.vector_store %arg9[%swap3A_161, %swap3A_162], %broadcast_in_dim3A_33 {strides = array<i32>} : memref<16x4096xf32, #tpu.memory_space<vmem>>, vector<16xf32>,
      %mul3A_164 = arith.constant 16 : i32
      %mul3A_165 = arith.muli %scan3A_116, %mul3A_164 : i32
      %swap3A_166 = arith.constant 8 : i32
      %swap3A_167 = arith.index_cast %swap3A_166 : i32 to index
      %swap3A_168 = arith.index_cast %mul3A_165 : i32 to index
      %swap3A_169 = tpu.vector_load %arg9[%swap3A_167, %swap3A_168] {strides = array<i32>} : memref<16x4096xf32, #tpu.memory_space<vmem>>, vector<16xf32>,
      tpu.vector_store %arg9[%swap3A_167, %swap3A_168], %broadcast_in_dim3A_33 {strides = array<i32>} : memref<16x4096xf32, #tpu.memory_space<vmem>>, vector<16xf32>,
      %mul3A_170 = arith.constant 16 : i32
      %mul3A_171 = arith.muli %scan3A_116, %mul3A_170 : i32
      %swap3A_172 = arith.constant 9 : i32
      %swap3A_173 = arith.index_cast %swap3A_172 : i32 to index
      %swap3A_174 = arith.index_cast %mul3A_171 : i32 to index
      %swap3A_175 = tpu.vector_load %arg9[%swap3A_173, %swap3A_174] {strides = array<i32>} : memref<16x4096xf32, #tpu.memory_space<vmem>>, vector<16xf32>,
      tpu.vector_store %arg9[%swap3A_173, %swap3A_174], %broadcast_in_dim3A_33 {strides = array<i32>} : memref<16x4096xf32, #tpu.memory_space<vmem>>, vector<16xf32>,
      %mul3A_176 = arith.constant 16 : i32
      %mul3A_177 = arith.muli %scan3A_116, %mul3A_176 : i32
      %swap3A_178 = arith.constant 10 : i32
      %swap3A_179 = arith.index_cast %swap3A_178 : i32 to index
      %swap3A_180 = arith.index_cast %mul3A_177 : i32 to index
      %swap3A_181 = tpu.vector_load %arg9[%swap3A_179, %swap3A_180] {strides = array<i32>} : memref<16x4096xf32, #tpu.memory_space<vmem>>, vector<16xf32>,
      tpu.vector_store %arg9[%swap3A_179, %swap3A_180], %broadcast_in_dim3A_33 {strides = array<i32>} : memref<16x4096xf32, #tpu.memory_space<vmem>>, vector<16xf32>,
      %mul3A_182 = arith.constant 16 : i32
      %mul3A_183 = arith.muli %scan3A_116, %mul3A_182 : i32
      %swap3A_184 = arith.constant 11 : i32
      %swap3A_185 = arith.index_cast %swap3A_184 : i32 to index
      %swap3A_186 = arith.index_cast %mul3A_183 : i32 to index
      %swap3A_187 = tpu.vector_load %arg9[%swap3A_185, %swap3A_186] {strides = array<i32>} : memref<16x4096xf32, #tpu.memory_space<vmem>>, vector<16xf32>,
      tpu.vector_store %arg9[%swap3A_185, %swap3A_186], %broadcast_in_dim3A_33 {strides = array<i32>} : memref<16x4096xf32, #tpu.memory_space<vmem>>, vector<16xf32>,
      %mul3A_188 = arith.constant 16 : i32
      %mul3A_189 = arith.muli %scan3A_116, %mul3A_188 : i32
      %swap3A_190 = arith.constant 12 : i32
      %swap3A_191 = arith.index_cast %swap3A_190 : i32 to index
      %swap3A_192 = arith.index_cast %mul3A_189 : i32 to index
      %swap3A_193 = tpu.vector_load %arg9[%swap3A_191, %swap3A_192] {strides = array<i32>} : memref<16x4096xf32, #tpu.memory_space<vmem>>, vector<16xf32>,
      tpu.vector_store %arg9[%swap3A_191, %swap3A_192], %broadcast_in_dim3A_33 {strides = array<i32>} : memref<16x4096xf32, #tpu.memory_space<vmem>>, vector<16xf32>,
      %mul3A_194 = arith.constant 16 : i32
      %mul3A_195 = arith.muli %scan3A_116, %mul3A_194 : i32
      %swap3A_196 = arith.constant 13 : i32
      %swap3A_197 = arith.index_cast %swap3A_196 : i32 to index
      %swap3A_198 = arith.index_cast %mul3A_195 : i32 to index
      %swap3A_199 = tpu.vector_load %arg9[%swap3A_197, %swap3A_198] {strides = array<i32>} : memref<16x4096xf32, #tpu.memory_space<vmem>>, vector<16xf32>,
      tpu.vector_store %arg9[%swap3A_197, %swap3A_198], %broadcast_in_dim3A_33 {strides = array<i32>} : memref<16x4096xf32, #tpu.memory_space<vmem>>, vector<16xf32>,
      %mul3A_200 = arith.constant 16 : i32
      %mul3A_201 = arith.muli %scan3A_116, %mul3A_200 : i32
      %swap3A_202 = arith.constant 14 : i32
      %swap3A_203 = arith.index_cast %swap3A_202 : i32 to index
      %swap3A_204 = arith.index_cast %mul3A_201 : i32 to index
      %swap3A_205 = tpu.vector_load %arg9[%swap3A_203, %swap3A_204] {strides = array<i32>} : memref<16x4096xf32, #tpu.memory_space<vmem>>, vector<16xf32>,
      tpu.vector_store %arg9[%swap3A_203, %swap3A_204], %broadcast_in_dim3A_33 {strides = array<i32>} : memref<16x4096xf32, #tpu.memory_space<vmem>>, vector<16xf32>,
      %mul3A_206 = arith.constant 16 : i32
      %mul3A_207 = arith.muli %scan3A_116, %mul3A_206 : i32
      %swap3A_208 = arith.constant 15 : i32
      %swap3A_209 = arith.index_cast %swap3A_208 : i32 to index
      %swap3A_210 = arith.index_cast %mul3A_207 : i32 to index
      %swap3A_211 = tpu.vector_load %arg9[%swap3A_209, %swap3A_210] {strides = array<i32>} : memref<16x4096xf32, #tpu.memory_space<vmem>>, vector<16xf32>,
      tpu.vector_store %arg9[%swap3A_209, %swap3A_210], %broadcast_in_dim3A_33 {strides = array<i32>} : memref<16x4096xf32, #tpu.memory_space<vmem>>, vector<16xf32>,
    }
    %scan3A_48 = arith.constant 256 : i32
    %mul3A_49 = arith.constant 128 : i32
    %mul3A_50 = arith.muli %select_n3A_30, %mul3A_49 : i32
    %add3A_51 = arith.constant 0 : i32
    %add3A_52 = arith.addi %mul3A_50, %add3A_51 : i32
    %dma_start3A = arith.constant 0 : i32
    %dma_start3A_53 = arith.constant 0 : i32
    %dma_start3A_54 = arith.constant 0 : i32
    %dma_start3A_55 = arith.constant 0 : i32
    %dma_start3A_56 = arith.constant 0 : i32
    %dma_start3A_57 = tpu.memref_slice %arg13[%dma_start3A, %dma_start3A_54, %dma_start3A_55, %dma_start3A_56] : memref<2x16x8x128xf32, #tpu.memory_space<vmem>> -> memref<1x16x8x128xf32, #tpu.memory_space<vmem>>
    %dma_start3A_58 = tpu.memref_squeeze %dma_start3A_57 : memref<1x16x8x128xf32, #tpu.memory_space<vmem>> -> memref<16x8x128xf32, #tpu.memory_space<vmem>>
    %dma_start3A_59 = arith.constant 0 : i32
    %dma_start3A_60 = arith.constant 0 : i32
    %dma_start3A_61 = tpu.memref_slice %arg2[%select_n3A, %dma_start3A_59, %add3A_52, %dma_start3A_60] : memref<8x16x512x512xf32, #tpu.memory_space<hbm>> -> memref<1x16x8x128xf32, #tpu.memory_space<hbm>>
    %dma_start3A_62 = tpu.memref_squeeze %dma_start3A_61 : memref<1x16x8x128xf32, #tpu.memory_space<hbm>> -> memref<16x8x128xf32, #tpu.memory_space<hbm>>
    %dma_start3A_63 = tpu.memref_slice %arg16[%dma_start3A_53] : memref<2x!tpu.dma_semaphore, #tpu.memory_space<semaphore_mem>> -> memref<1x!tpu.dma_semaphore, #tpu.memory_space<semaphore_mem>>
    %dma_start3A_64 = tpu.memref_squeeze %dma_start3A_63 : memref<1x!tpu.dma_semaphore, #tpu.memory_space<semaphore_mem>> -> memref<!tpu.dma_semaphore, #tpu.memory_space<semaphore_mem>>
    %dma_start3A_65 = arith.constant 0 : i32
    %dma_start3A_66 = arith.constant 0 : i32
    %dma_start3A_67 = arith.constant 0 : i32
    %dma_start3A_68 = tpu.memref_slice %arg13[%dma_start3A, %dma_start3A_65, %dma_start3A_66, %dma_start3A_67] : memref<2x16x8x128xf32, #tpu.memory_space<vmem>> -> memref<1x16x8x128xf32, #tpu.memory_space<vmem>>
    %dma_start3A_69 = tpu.memref_squeeze %dma_start3A_68 : memref<1x16x8x128xf32, #tpu.memory_space<vmem>> -> memref<16x8x128xf32, #tpu.memory_space<vmem>>
    %dma_start3A_70 = arith.constant 0 : i32
    %dma_start3A_71 = arith.constant 0 : i32
    %dma_start3A_72 = tpu.memref_slice %arg2[%select_n3A, %dma_start3A_70, %add3A_52, %dma_start3A_71] : memref<8x16x512x512xf32, #tpu.memory_space<hbm>> -> memref<1x16x8x128xf32, #tpu.memory_space<hbm>>
    %dma_start3A_73 = tpu.memref_squeeze %dma_start3A_72 : memref<1x16x8x128xf32, #tpu.memory_space<hbm>> -> memref<16x8x128xf32, #tpu.memory_space<hbm>>
    tpu.enqueue_dma source(%dma_start3A_73 : memref<16x8x128xf32, #tpu.memory_space<hbm>>) target(%dma_start3A_69 : memref<16x8x128xf32, #tpu.memory_space<vmem>>) target_semaphore(%dma_start3A_64 : memref<!tpu.dma_semaphore, #tpu.memory_space<semaphore_mem>>)
    %dma_start3A_74 = arith.constant 0 : i32
    %dma_start3A_75 = arith.constant 0 : i32
    %dma_start3A_76 = arith.constant 0 : i32
    %dma_start3A_77 = arith.constant 0 : i32
    %dma_start3A_78 = tpu.memref_slice %arg14[%dma_start3A_74, %dma_start3A_76, %dma_start3A_77] : memref<2x8x128xi32, #tpu.memory_space<vmem>> -> memref<1x8x128xi32, #tpu.memory_space<vmem>>
    %dma_start3A_79 = tpu.memref_squeeze %dma_start3A_78 : memref<1x8x128xi32, #tpu.memory_space<vmem>> -> memref<8x128xi32, #tpu.memory_space<vmem>>
    %dma_start3A_80 = arith.constant 0 : i32
    %dma_start3A_81 = tpu.memref_slice %arg3[%select_n3A, %add3A_52, %dma_start3A_80] : memref<8x512x512xi32, #tpu.memory_space<hbm>> -> memref<1x8x128xi32, #tpu.memory_space<hbm>>
    %dma_start3A_82 = tpu.memref_squeeze %dma_start3A_81 : memref<1x8x128xi32, #tpu.memory_space<hbm>> -> memref<8x128xi32, #tpu.memory_space<hbm>>
    %dma_start3A_83 = tpu.memref_slice %arg16[%dma_start3A_75] : memref<2x!tpu.dma_semaphore, #tpu.memory_space<semaphore_mem>> -> memref<1x!tpu.dma_semaphore, #tpu.memory_space<semaphore_mem>>
    %dma_start3A_84 = tpu.memref_squeeze %dma_start3A_83 : memref<1x!tpu.dma_semaphore, #tpu.memory_space<semaphore_mem>> -> memref<!tpu.dma_semaphore, #tpu.memory_space<semaphore_mem>>
    %dma_start3A_85 = arith.constant 0 : i32
    %dma_start3A_86 = arith.constant 0 : i32
    %dma_start3A_87 = tpu.memref_slice %arg14[%dma_start3A_74, %dma_start3A_85, %dma_start3A_86] : memref<2x8x128xi32, #tpu.memory_space<vmem>> -> memref<1x8x128xi32, #tpu.memory_space<vmem>>
    %dma_start3A_88 = tpu.memref_squeeze %dma_start3A_87 : memref<1x8x128xi32, #tpu.memory_space<vmem>> -> memref<8x128xi32, #tpu.memory_space<vmem>>
    %dma_start3A_89 = arith.constant 0 : i32
    %dma_start3A_90 = tpu.memref_slice %arg3[%select_n3A, %add3A_52, %dma_start3A_89] : memref<8x512x512xi32, #tpu.memory_space<hbm>> -> memref<1x8x128xi32, #tpu.memory_space<hbm>>
    %dma_start3A_91 = tpu.memref_squeeze %dma_start3A_90 : memref<1x8x128xi32, #tpu.memory_space<hbm>> -> memref<8x128xi32, #tpu.memory_space<hbm>>
    tpu.enqueue_dma source(%dma_start3A_91 : memref<8x128xi32, #tpu.memory_space<hbm>>) target(%dma_start3A_88 : memref<8x128xi32, #tpu.memory_space<vmem>>) target_semaphore(%dma_start3A_84 : memref<!tpu.dma_semaphore, #tpu.memory_space<semaphore_mem>>)
    %dma_start3A_92 = arith.constant 0 : i32
    %dma_start3A_93 = arith.constant 0 : i32
    %dma_start3A_94 = arith.constant 0 : i32
    %dma_start3A_95 = arith.constant 0 : i32
    %dma_start3A_96 = tpu.memref_slice %arg15[%dma_start3A_92, %dma_start3A_94, %dma_start3A_95] : memref<2x8x128xi32, #tpu.memory_space<vmem>> -> memref<1x8x128xi32, #tpu.memory_space<vmem>>
    %dma_start3A_97 = tpu.memref_squeeze %dma_start3A_96 : memref<1x8x128xi32, #tpu.memory_space<vmem>> -> memref<8x128xi32, #tpu.memory_space<vmem>>
    %dma_start3A_98 = arith.constant 0 : i32
    %dma_start3A_99 = tpu.memref_slice %arg4[%select_n3A, %add3A_52, %dma_start3A_98] : memref<8x512x512xi32, #tpu.memory_space<hbm>> -> memref<1x8x128xi32, #tpu.memory_space<hbm>>
    %dma_start3A_100 = tpu.memref_squeeze %dma_start3A_99 : memref<1x8x128xi32, #tpu.memory_space<hbm>> -> memref<8x128xi32, #tpu.memory_space<hbm>>
    %dma_start3A_101 = tpu.memref_slice %arg16[%dma_start3A_93] : memref<2x!tpu.dma_semaphore, #tpu.memory_space<semaphore_mem>> -> memref<1x!tpu.dma_semaphore, #tpu.memory_space<semaphore_mem>>
    %dma_start3A_102 = tpu.memref_squeeze %dma_start3A_101 : memref<1x!tpu.dma_semaphore, #tpu.memory_space<semaphore_mem>> -> memref<!tpu.dma_semaphore, #tpu.memory_space<semaphore_mem>>
    %dma_start3A_103 = arith.constant 0 : i32
    %dma_start3A_104 = arith.constant 0 : i32
    %dma_start3A_105 = tpu.memref_slice %arg15[%dma_start3A_92, %dma_start3A_103, %dma_start3A_104] : memref<2x8x128xi32, #tpu.memory_space<vmem>> -> memref<1x8x128xi32, #tpu.memory_space<vmem>>
    %dma_start3A_106 = tpu.memref_squeeze %dma_start3A_105 : memref<1x8x128xi32, #tpu.memory_space<vmem>> -> memref<8x128xi32, #tpu.memory_space<vmem>>
    %dma_start3A_107 = arith.constant 0 : i32
    %dma_start3A_108 = tpu.memref_slice %arg4[%select_n3A, %add3A_52, %dma_start3A_107] : memref<8x512x512xi32, #tpu.memory_space<hbm>> -> memref<1x8x128xi32, #tpu.memory_space<hbm>>
    %dma_start3A_109 = tpu.memref_squeeze %dma_start3A_108 : memref<1x8x128xi32, #tpu.memory_space<hbm>> -> memref<8x128xi32, #tpu.memory_space<hbm>>
    tpu.enqueue_dma source(%dma_start3A_109 : memref<8x128xi32, #tpu.memory_space<hbm>>) target(%dma_start3A_106 : memref<8x128xi32, #tpu.memory_space<vmem>>) target_semaphore(%dma_start3A_102 : memref<!tpu.dma_semaphore, #tpu.memory_space<semaphore_mem>>)
    %scan3A_110 = arith.constant 0 : i32
    %scan3A_111 = arith.constant 0 : i32
    %scan3A_112 = arith.constant 32 : i32
    %scan3A_113 = arith.addi %scan3A_111, %scan3A_112 : i32
    %scan3A_114 = arith.constant 1 : i32
    scf.for %scan3A_116 = %scan3A_111 to %scan3A_113 step %scan3A_114  : i32 {
      %mul3A_117 = arith.constant 2 : i32
      %mul3A_118 = arith.muli %mul3A_117, %scan3A_116 : i32
      %add3A_119 = arith.constant 1 : i32
      %add3A_120 = arith.addi %mul3A_118, %add3A_119 : i32
      %mul3A_121 = arith.constant 128 : i32
      %mul3A_122 = arith.muli %select_n3A_30, %mul3A_121 : i32
      %jit3A_123 = arith.constant 4 : i32
      %div3A_124 = arith.divsi %add3A_120, %jit3A_123 : i32
      %sign3A_125 = arith.constant 0 : i32
      %sign3A_126 = arith.cmpi sgt, %add3A_120, %sign3A_125 : i32
      %sign3A_127 = arith.extui %sign3A_126 : i1 to i32
      %sign3A_128 = arith.constant 0 : i32
      %sign3A_129 = arith.cmpi slt, %add3A_120, %sign3A_128 : i32
      %sign3A_130 = arith.extui %sign3A_129 : i1 to i32
      %sign3A_131 = arith.subi %sign3A_127, %sign3A_130 : i32
      %sign3A_132 = arith.constant 0 : i32
      %sign3A_133 = arith.cmpi sgt, %jit3A_123, %sign3A_132 : i32
      %sign3A_134 = arith.extui %sign3A_133 : i1 to i32
      %sign3A_135 = arith.constant 0 : i32
      %sign3A_136 = arith.cmpi slt, %jit3A_123, %sign3A_135 : i32
      %sign3A_137 = arith.extui %sign3A_136 : i1 to i32
      %sign3A_138 = arith.subi %sign3A_134, %sign3A_137 : i32
      %ne3A_139 = arith.cmpi ne, %sign3A_131, %sign3A_138 : i32
      %rem3A_140 = arith.remsi %add3A_120, %jit3A_123 : i32
      %ne3A_141 = arith.constant 0 : i32
      %ne3A_142 = arith.cmpi ne, %rem3A_140, %ne3A_141 : i32
      %and3A_143 = arith.andi %ne3A_139, %ne3A_142 : i1
      %sub3A_144 = arith.constant 1 : i32
      %sub3A_145 = arith.subi %div3A_124, %sub3A_144 : i32
      %select_n3A_146 = arith.select %and3A_143, %sub3A_145, %div3A_124 : i32
      %mul3A_147 = arith.constant 8 : i32
      %mul3A_148 = arith.muli %select_n3A_146, %mul3A_147 : i32
      %add3A_149 = arith.addi %mul3A_122, %mul3A_148 : i32
      %jit3A_150 = arith.constant 4 : i32
      %eq3A_151 = arith.constant 0 : i32
      %eq3A_152 = arith.cmpi eq, %jit3A_150, %eq3A_151 : i32
      %jit3A_153 = arith.constant 1 : i32
      %select_n3A_154 = arith.select %eq3A_152, %jit3A_153, %jit3A_150 : i32
      %rem3A_155 = arith.remsi %add3A_120, %select_n3A_154 : i32
      %ne3A_156 = arith.constant 0 : i32
      %ne3A_157 = arith.cmpi ne, %rem3A_155, %ne3A_156 : i32
      %lt3A_158 = arith.constant 0 : i32
      %lt3A_159 = arith.cmpi slt, %rem3A_155, %lt3A_158 : i32
      %lt3A_160 = arith.constant 0 : i32
      %lt3A_161 = arith.cmpi slt, %select_n3A_154, %lt3A_160 : i32
      %ne3A_162 = arith.xori %lt3A_159, %lt3A_161 : i1
      %and3A_163 = arith.andi %ne3A_162, %ne3A_157 : i1
      %add3A_164 = arith.addi %rem3A_155, %select_n3A_154 : i32
      %select_n3A_165 = arith.select %and3A_163, %add3A_164, %rem3A_155 : i32
      %mul3A_166 = arith.constant 128 : i32
      %mul3A_167 = arith.muli %select_n3A_165, %mul3A_166 : i32
      %dma_start3A_168 = arith.constant 1 : i32
      %dma_start3A_169 = arith.constant 1 : i32
      %dma_start3A_170 = arith.constant 0 : i32
      %dma_start3A_171 = arith.constant 0 : i32
      %dma_start3A_172 = arith.constant 0 : i32
      %dma_start3A_173 = tpu.memref_slice %arg13[%dma_start3A_168, %dma_start3A_170, %dma_start3A_171, %dma_start3A_172] : memref<2x16x8x128xf32, #tpu.memory_space<vmem>> -> memref<1x16x8x128xf32, #tpu.memory_space<vmem>>
      %dma_start3A_174 = tpu.memref_squeeze %dma_start3A_173 : memref<1x16x8x128xf32, #tpu.memory_space<vmem>> -> memref<16x8x128xf32, #tpu.memory_space<vmem>>
      %dma_start3A_175 = arith.constant 0 : i32
      %dma_start3A_176 = tpu.memref_slice %arg2[%select_n3A, %dma_start3A_175, %add3A_149, %mul3A_167] : memref<8x16x512x512xf32, #tpu.memory_space<hbm>> -> memref<1x16x8x128xf32, #tpu.memory_space<hbm>>
      %dma_start3A_177 = tpu.memref_squeeze %dma_start3A_176 : memref<1x16x8x128xf32, #tpu.memory_space<hbm>> -> memref<16x8x128xf32, #tpu.memory_space<hbm>>
      %dma_start3A_178 = tpu.memref_slice %arg16[%dma_start3A_169] : memref<2x!tpu.dma_semaphore, #tpu.memory_space<semaphore_mem>> -> memref<1x!tpu.dma_semaphore, #tpu.memory_space<semaphore_mem>>
      %dma_start3A_179 = tpu.memref_squeeze %dma_start3A_178 : memref<1x!tpu.dma_semaphore, #tpu.memory_space<semaphore_mem>> -> memref<!tpu.dma_semaphore, #tpu.memory_space<semaphore_mem>>
      %dma_start3A_180 = arith.constant 0 : i32
      %dma_start3A_181 = arith.constant 0 : i32
      %dma_start3A_182 = arith.constant 0 : i32
      %dma_start3A_183 = tpu.memref_slice %arg13[%dma_start3A_168, %dma_start3A_180, %dma_start3A_181, %dma_start3A_182] : memref<2x16x8x128xf32, #tpu.memory_space<vmem>> -> memref<1x16x8x128xf32, #tpu.memory_space<vmem>>
      %dma_start3A_184 = tpu.memref_squeeze %dma_start3A_183 : memref<1x16x8x128xf32, #tpu.memory_space<vmem>> -> memref<16x8x128xf32, #tpu.memory_space<vmem>>
      %dma_start3A_185 = arith.constant 0 : i32
      %dma_start3A_186 = tpu.memref_slice %arg2[%select_n3A, %dma_start3A_185, %add3A_149, %mul3A_167] : memref<8x16x512x512xf32, #tpu.memory_space<hbm>> -> memref<1x16x8x128xf32, #tpu.memory_space<hbm>>
      %dma_start3A_187 = tpu.memref_squeeze %dma_start3A_186 : memref<1x16x8x128xf32, #tpu.memory_space<hbm>> -> memref<16x8x128xf32, #tpu.memory_space<hbm>>
      tpu.enqueue_dma source(%dma_start3A_187 : memref<16x8x128xf32, #tpu.memory_space<hbm>>) target(%dma_start3A_184 : memref<16x8x128xf32, #tpu.memory_space<vmem>>) target_semaphore(%dma_start3A_179 : memref<!tpu.dma_semaphore, #tpu.memory_space<semaphore_mem>>)
      %dma_start3A_188 = arith.constant 1 : i32
      %dma_start3A_189 = arith.constant 1 : i32
      %dma_start3A_190 = arith.constant 0 : i32
      %dma_start3A_191 = arith.constant 0 : i32
      %dma_start3A_192 = tpu.memref_slice %arg14[%dma_start3A_188, %dma_start3A_190, %dma_start3A_191] : memref<2x8x128xi32, #tpu.memory_space<vmem>> -> memref<1x8x128xi32, #tpu.memory_space<vmem>>
      %dma_start3A_193 = tpu.memref_squeeze %dma_start3A_192 : memref<1x8x128xi32, #tpu.memory_space<vmem>> -> memref<8x128xi32, #tpu.memory_space<vmem>>
      %dma_start3A_194 = tpu.memref_slice %arg3[%select_n3A, %add3A_149, %mul3A_167] : memref<8x512x512xi32, #tpu.memory_space<hbm>> -> memref<1x8x128xi32, #tpu.memory_space<hbm>>
      %dma_start3A_195 = tpu.memref_squeeze %dma_start3A_194 : memref<1x8x128xi32, #tpu.memory_space<hbm>> -> memref<8x128xi32, #tpu.memory_space<hbm>>
      %dma_start3A_196 = tpu.memref_slice %arg16[%dma_start3A_189] : memref<2x!tpu.dma_semaphore, #tpu.memory_space<semaphore_mem>> -> memref<1x!tpu.dma_semaphore, #tpu.memory_space<semaphore_mem>>
      %dma_start3A_197 = tpu.memref_squeeze %dma_start3A_196 : memref<1x!tpu.dma_semaphore, #tpu.memory_space<semaphore_mem>> -> memref<!tpu.dma_semaphore, #tpu.memory_space<semaphore_mem>>
      %dma_start3A_198 = arith.constant 0 : i32
      %dma_start3A_199 = arith.constant 0 : i32
      %dma_start3A_200 = tpu.memref_slice %arg14[%dma_start3A_188, %dma_start3A_198, %dma_start3A_199] : memref<2x8x128xi32, #tpu.memory_space<vmem>> -> memref<1x8x128xi32, #tpu.memory_space<vmem>>
      %dma_start3A_201 = tpu.memref_squeeze %dma_start3A_200 : memref<1x8x128xi32, #tpu.memory_space<vmem>> -> memref<8x128xi32, #tpu.memory_space<vmem>>
      %dma_start3A_202 = tpu.memref_slice %arg3[%select_n3A, %add3A_149, %mul3A_167] : memref<8x512x512xi32, #tpu.memory_space<hbm>> -> memref<1x8x128xi32, #tpu.memory_space<hbm>>
      %dma_start3A_203 = tpu.memref_squeeze %dma_start3A_202 : memref<1x8x128xi32, #tpu.memory_space<hbm>> -> memref<8x128xi32, #tpu.memory_space<hbm>>
      tpu.enqueue_dma source(%dma_start3A_203 : memref<8x128xi32, #tpu.memory_space<hbm>>) target(%dma_start3A_201 : memref<8x128xi32, #tpu.memory_space<vmem>>) target_semaphore(%dma_start3A_197 : memref<!tpu.dma_semaphore, #tpu.memory_space<semaphore_mem>>)
      %dma_start3A_204 = arith.constant 1 : i32
      %dma_start3A_205 = arith.constant 1 : i32
      %dma_start3A_206 = arith.constant 0 : i32
      %dma_start3A_207 = arith.constant 0 : i32
      %dma_start3A_208 = tpu.memref_slice %arg15[%dma_start3A_204, %dma_start3A_206, %dma_start3A_207] : memref<2x8x128xi32, #tpu.memory_space<vmem>> -> memref<1x8x128xi32, #tpu.memory_space<vmem>>
      %dma_start3A_209 = tpu.memref_squeeze %dma_start3A_208 : memref<1x8x128xi32, #tpu.memory_space<vmem>> -> memref<8x128xi32, #tpu.memory_space<vmem>>
      %dma_start3A_210 = tpu.memref_slice %arg4[%select_n3A, %add3A_149, %mul3A_167] : memref<8x512x512xi32, #tpu.memory_space<hbm>> -> memref<1x8x128xi32, #tpu.memory_space<hbm>>
      %dma_start3A_211 = tpu.memref_squeeze %dma_start3A_210 : memref<1x8x128xi32, #tpu.memory_space<hbm>> -> memref<8x128xi32, #tpu.memory_space<hbm>>
      %dma_start3A_212 = tpu.memref_slice %arg16[%dma_start3A_205] : memref<2x!tpu.dma_semaphore, #tpu.memory_space<semaphore_mem>> -> memref<1x!tpu.dma_semaphore, #tpu.memory_space<semaphore_mem>>
      %dma_start3A_213 = tpu.memref_squeeze %dma_start3A_212 : memref<1x!tpu.dma_semaphore, #tpu.memory_space<semaphore_mem>> -> memref<!tpu.dma_semaphore, #tpu.memory_space<semaphore_mem>>
      %dma_start3A_214 = arith.constant 0 : i32
      %dma_start3A_215 = arith.constant 0 : i32
      %dma_start3A_216 = tpu.memref_slice %arg15[%dma_start3A_204, %dma_start3A_214, %dma_start3A_215] : memref<2x8x128xi32, #tpu.memory_space<vmem>> -> memref<1x8x128xi32, #tpu.memory_space<vmem>>
      %dma_start3A_217 = tpu.memref_squeeze %dma_start3A_216 : memref<1x8x128xi32, #tpu.memory_space<vmem>> -> memref<8x128xi32, #tpu.memory_space<vmem>>
      %dma_start3A_218 = tpu.memref_slice %arg4[%select_n3A, %add3A_149, %mul3A_167] : memref<8x512x512xi32, #tpu.memory_space<hbm>> -> memref<1x8x128xi32, #tpu.memory_space<hbm>>
      %dma_start3A_219 = tpu.memref_squeeze %dma_start3A_218 : memref<1x8x128xi32, #tpu.memory_space<hbm>> -> memref<8x128xi32, #tpu.memory_space<hbm>>
      tpu.enqueue_dma source(%dma_start3A_219 : memref<8x128xi32, #tpu.memory_space<hbm>>) target(%dma_start3A_217 : memref<8x128xi32, #tpu.memory_space<vmem>>) target_semaphore(%dma_start3A_213 : memref<!tpu.dma_semaphore, #tpu.memory_space<semaphore_mem>>)
      %dma_wait3A = arith.constant 0 : i32
      %dma_wait3A_220 = arith.constant 0 : i32
      %dma_wait3A_221 = arith.constant 0 : i32
      %dma_wait3A_222 = arith.constant 0 : i32
      %dma_wait3A_223 = arith.constant 0 : i32
      %dma_wait3A_224 = arith.constant 0 : i32
      %dma_wait3A_225 = tpu.memref_slice %arg13[%dma_wait3A_220, %dma_wait3A_222, %dma_wait3A_223, %dma_wait3A_224] : memref<2x16x8x128xf32, #tpu.memory_space<vmem>> -> memref<1x16x8x128xf32, #tpu.memory_space<vmem>>
      %dma_wait3A_226 = tpu.memref_squeeze %dma_wait3A_225 : memref<1x16x8x128xf32, #tpu.memory_space<vmem>> -> memref<16x8x128xf32, #tpu.memory_space<vmem>>
      %dma_wait3A_227 = arith.constant 0 : i32
      %dma_wait3A_228 = arith.constant 0 : i32
      %dma_wait3A_229 = arith.constant 0 : i32
      %dma_wait3A_230 = tpu.memref_slice %arg2[%dma_wait3A, %dma_wait3A_227, %dma_wait3A_228, %dma_wait3A_229] : memref<8x16x512x512xf32, #tpu.memory_space<hbm>> -> memref<1x16x8x128xf32, #tpu.memory_space<hbm>>
      %dma_wait3A_231 = tpu.memref_squeeze %dma_wait3A_230 : memref<1x16x8x128xf32, #tpu.memory_space<hbm>> -> memref<16x8x128xf32, #tpu.memory_space<hbm>>
      %dma_wait3A_232 = tpu.memref_slice %arg16[%dma_wait3A_221] : memref<2x!tpu.dma_semaphore, #tpu.memory_space<semaphore_mem>> -> memref<1x!tpu.dma_semaphore, #tpu.memory_space<semaphore_mem>>
      %dma_wait3A_233 = tpu.memref_squeeze %dma_wait3A_232 : memref<1x!tpu.dma_semaphore, #tpu.memory_space<semaphore_mem>> -> memref<!tpu.dma_semaphore, #tpu.memory_space<semaphore_mem>>
      %dma_wait3A_234 = arith.constant 0 : i32
      %dma_wait3A_235 = arith.constant 0 : i32
      %dma_wait3A_236 = arith.constant 0 : i32
      %dma_wait3A_237 = tpu.memref_slice %arg13[%dma_wait3A_220, %dma_wait3A_234, %dma_wait3A_235, %dma_wait3A_236] : memref<2x16x8x128xf32, #tpu.memory_space<vmem>> -> memref<1x16x8x128xf32, #tpu.memory_space<vmem>>
      %dma_wait3A_238 = tpu.memref_squeeze %dma_wait3A_237 : memref<1x16x8x128xf32, #tpu.memory_space<vmem>> -> memref<16x8x128xf32, #tpu.memory_space<vmem>>
      %dma_wait3A_239 = arith.constant 0 : i32
      %dma_wait3A_240 = arith.constant 0 : i32
      %dma_wait3A_241 = arith.constant 0 : i32
      %dma_wait3A_242 = tpu.memref_slice %arg2[%dma_wait3A, %dma_wait3A_239, %dma_wait3A_240, %dma_wait3A_241] : memref<8x16x512x512xf32, #tpu.memory_space<hbm>> -> memref<1x16x8x128xf32, #tpu.memory_space<hbm>>
      %dma_wait3A_243 = tpu.memref_squeeze %dma_wait3A_242 : memref<1x16x8x128xf32, #tpu.memory_space<hbm>> -> memref<16x8x128xf32, #tpu.memory_space<hbm>>
      tpu.wait_dma2 semaphore(%dma_wait3A_233 : memref<!tpu.dma_semaphore, #tpu.memory_space<semaphore_mem>>) src(%dma_wait3A_243 : memref<16x8x128xf32, #tpu.memory_space<hbm>>) dst(%dma_wait3A_238 : memref<16x8x128xf32, #tpu.memory_space<vmem>>)
      %dma_wait3A_244 = arith.constant 0 : i32
      %dma_wait3A_245 = arith.constant 0 : i32
      %dma_wait3A_246 = arith.constant 0 : i32
      %dma_wait3A_247 = arith.constant 0 : i32
      %dma_wait3A_248 = arith.constant 0 : i32
      %dma_wait3A_249 = tpu.memref_slice %arg14[%dma_wait3A_245, %dma_wait3A_247, %dma_wait3A_248] : memref<2x8x128xi32, #tpu.memory_space<vmem>> -> memref<1x8x128xi32, #tpu.memory_space<vmem>>
      %dma_wait3A_250 = tpu.memref_squeeze %dma_wait3A_249 : memref<1x8x128xi32, #tpu.memory_space<vmem>> -> memref<8x128xi32, #tpu.memory_space<vmem>>
      %dma_wait3A_251 = arith.constant 0 : i32
      %dma_wait3A_252 = arith.constant 0 : i32
      %dma_wait3A_253 = tpu.memref_slice %arg3[%dma_wait3A_244, %dma_wait3A_251, %dma_wait3A_252] : memref<8x512x512xi32, #tpu.memory_space<hbm>> -> memref<1x8x128xi32, #tpu.memory_space<hbm>>
      %dma_wait3A_254 = tpu.memref_squeeze %dma_wait3A_253 : memref<1x8x128xi32, #tpu.memory_space<hbm>> -> memref<8x128xi32, #tpu.memory_space<hbm>>
      %dma_wait3A_255 = tpu.memref_slice %arg16[%dma_wait3A_246] : memref<2x!tpu.dma_semaphore, #tpu.memory_space<semaphore_mem>> -> memref<1x!tpu.dma_semaphore, #tpu.memory_space<semaphore_mem>>
      %dma_wait3A_256 = tpu.memref_squeeze %dma_wait3A_255 : memref<1x!tpu.dma_semaphore, #tpu.memory_space<semaphore_mem>> -> memref<!tpu.dma_semaphore, #tpu.memory_space<semaphore_mem>>
      %dma_wait3A_257 = arith.constant 0 : i32
      %dma_wait3A_258 = arith.constant 0 : i32
      %dma_wait3A_259 = tpu.memref_slice %arg14[%dma_wait3A_245, %dma_wait3A_257, %dma_wait3A_258] : memref<2x8x128xi32, #tpu.memory_space<vmem>> -> memref<1x8x128xi32, #tpu.memory_space<vmem>>
      %dma_wait3A_260 = tpu.memref_squeeze %dma_wait3A_259 : memref<1x8x128xi32, #tpu.memory_space<vmem>> -> memref<8x128xi32, #tpu.memory_space<vmem>>
      %dma_wait3A_261 = arith.constant 0 : i32
      %dma_wait3A_262 = arith.constant 0 : i32
      %dma_wait3A_263 = tpu.memref_slice %arg3[%dma_wait3A_244, %dma_wait3A_261, %dma_wait3A_262] : memref<8x512x512xi32, #tpu.memory_space<hbm>> -> memref<1x8x128xi32, #tpu.memory_space<hbm>>
      %dma_wait3A_264 = tpu.memref_squeeze %dma_wait3A_263 : memref<1x8x128xi32, #tpu.memory_space<hbm>> -> memref<8x128xi32, #tpu.memory_space<hbm>>
      tpu.wait_dma2 semaphore(%dma_wait3A_256 : memref<!tpu.dma_semaphore, #tpu.memory_space<semaphore_mem>>) src(%dma_wait3A_264 : memref<8x128xi32, #tpu.memory_space<hbm>>) dst(%dma_wait3A_260 : memref<8x128xi32, #tpu.memory_space<vmem>>)
      %dma_wait3A_265 = arith.constant 0 : i32
      %dma_wait3A_266 = arith.constant 0 : i32
      %dma_wait3A_267 = arith.constant 0 : i32
      %dma_wait3A_268 = arith.constant 0 : i32
      %dma_wait3A_269 = arith.constant 0 : i32
      %dma_wait3A_270 = tpu.memref_slice %arg15[%dma_wait3A_266, %dma_wait3A_268, %dma_wait3A_269] : memref<2x8x128xi32, #tpu.memory_space<vmem>> -> memref<1x8x128xi32, #tpu.memory_space<vmem>>
      %dma_wait3A_271 = tpu.memref_squeeze %dma_wait3A_270 : memref<1x8x128xi32, #tpu.memory_space<vmem>> -> memref<8x128xi32, #tpu.memory_space<vmem>>
      %dma_wait3A_272 = arith.constant 0 : i32
      %dma_wait3A_273 = arith.constant 0 : i32
      %dma_wait3A_274 = tpu.memref_slice %arg4[%dma_wait3A_265, %dma_wait3A_272, %dma_wait3A_273] : memref<8x512x512xi32, #tpu.memory_space<hbm>> -> memref<1x8x128xi32, #tpu.memory_space<hbm>>
      %dma_wait3A_275 = tpu.memref_squeeze %dma_wait3A_274 : memref<1x8x128xi32, #tpu.memory_space<hbm>> -> memref<8x128xi32, #tpu.memory_space<hbm>>
      %dma_wait3A_276 = tpu.memref_slice %arg16[%dma_wait3A_267] : memref<2x!tpu.dma_semaphore, #tpu.memory_space<semaphore_mem>> -> memref<1x!tpu.dma_semaphore, #tpu.memory_space<semaphore_mem>>
      %dma_wait3A_277 = tpu.memref_squeeze %dma_wait3A_276 : memref<1x!tpu.dma_semaphore, #tpu.memory_space<semaphore_mem>> -> memref<!tpu.dma_semaphore, #tpu.memory_space<semaphore_mem>>
      %dma_wait3A_278 = arith.constant 0 : i32
      %dma_wait3A_279 = arith.constant 0 : i32
      %dma_wait3A_280 = tpu.memref_slice %arg15[%dma_wait3A_266, %dma_wait3A_278, %dma_wait3A_279] : memref<2x8x128xi32, #tpu.memory_space<vmem>> -> memref<1x8x128xi32, #tpu.memory_space<vmem>>
      %dma_wait3A_281 = tpu.memref_squeeze %dma_wait3A_280 : memref<1x8x128xi32, #tpu.memory_space<vmem>> -> memref<8x128xi32, #tpu.memory_space<vmem>>
      %dma_wait3A_282 = arith.constant 0 : i32
      %dma_wait3A_283 = arith.constant 0 : i32
      %dma_wait3A_284 = tpu.memref_slice %arg4[%dma_wait3A_265, %dma_wait3A_282, %dma_wait3A_283] : memref<8x512x512xi32, #tpu.memory_space<hbm>> -> memref<1x8x128xi32, #tpu.memory_space<hbm>>
      %dma_wait3A_285 = tpu.memref_squeeze %dma_wait3A_284 : memref<1x8x128xi32, #tpu.memory_space<hbm>> -> memref<8x128xi32, #tpu.memory_space<hbm>>
      tpu.wait_dma2 semaphore(%dma_wait3A_277 : memref<!tpu.dma_semaphore, #tpu.memory_space<semaphore_mem>>) src(%dma_wait3A_285 : memref<8x128xi32, #tpu.memory_space<hbm>>) dst(%dma_wait3A_281 : memref<8x128xi32, #tpu.memory_space<vmem>>)
      %parallel_loop3A = arith.constant 0 : i32
      %parallel_loop3A_286 = arith.constant 64 : i32
      %parallel_loop3A_287 = arith.constant 1 : i32
      scf.for %parallel_loop3A_481 = %parallel_loop3A to %parallel_loop3A_286 step %parallel_loop3A_287  : i32 {
        %parallel_loop3A_482 = arith.constant 8 : i32
        %parallel_loop3A_483 = arith.divsi %parallel_loop3A_481, %parallel_loop3A_482 : i32
        %parallel_loop3A_484 = arith.constant 0 : i32
        %parallel_loop3A_485 = arith.cmpi sgt, %parallel_loop3A_481, %parallel_loop3A_484 : i32
        %parallel_loop3A_486 = arith.extui %parallel_loop3A_485 : i1 to i32
        %parallel_loop3A_487 = arith.constant 0 : i32
        %parallel_loop3A_488 = arith.cmpi slt, %parallel_loop3A_481, %parallel_loop3A_487 : i32
        %parallel_loop3A_489 = arith.extui %parallel_loop3A_488 : i1 to i32
        %parallel_loop3A_490 = arith.subi %parallel_loop3A_486, %parallel_loop3A_489 : i32
        %parallel_loop3A_491 = arith.constant 0 : i32
        %parallel_loop3A_492 = arith.cmpi sgt, %parallel_loop3A_482, %parallel_loop3A_491 : i32
        %parallel_loop3A_493 = arith.extui %parallel_loop3A_492 : i1 to i32
        %parallel_loop3A_494 = arith.constant 0 : i32
        %parallel_loop3A_495 = arith.cmpi slt, %parallel_loop3A_482, %parallel_loop3A_494 : i32
        %parallel_loop3A_496 = arith.extui %parallel_loop3A_495 : i1 to i32
        %parallel_loop3A_497 = arith.subi %parallel_loop3A_493, %parallel_loop3A_496 : i32
        %parallel_loop3A_498 = arith.cmpi ne, %parallel_loop3A_490, %parallel_loop3A_497 : i32
        %parallel_loop3A_499 = arith.remsi %parallel_loop3A_481, %parallel_loop3A_482 : i32
        %parallel_loop3A_500 = arith.constant 0 : i32
        %parallel_loop3A_501 = arith.cmpi ne, %parallel_loop3A_499, %parallel_loop3A_500 : i32
        %parallel_loop3A_502 = arith.andi %parallel_loop3A_498, %parallel_loop3A_501 : i1
        %parallel_loop3A_503 = arith.constant 1 : i32
        %parallel_loop3A_504 = arith.subi %parallel_loop3A_483, %parallel_loop3A_503 : i32
        %parallel_loop3A_505 = arith.select %parallel_loop3A_502, %parallel_loop3A_504, %parallel_loop3A_483 : i32
        %parallel_loop3A_506 = arith.constant 8 : i32
        %parallel_loop3A_507 = arith.constant 0 : i32
        %parallel_loop3A_508 = arith.cmpi eq, %parallel_loop3A_506, %parallel_loop3A_507 : i32
        %parallel_loop3A_509 = arith.constant 1 : i32
        %parallel_loop3A_510 = arith.select %parallel_loop3A_508, %parallel_loop3A_509, %parallel_loop3A_506 : i32
        %parallel_loop3A_511 = arith.remsi %parallel_loop3A_481, %parallel_loop3A_510 : i32
        %parallel_loop3A_512 = arith.constant 0 : i32
        %parallel_loop3A_513 = arith.cmpi ne, %parallel_loop3A_511, %parallel_loop3A_512 : i32
        %parallel_loop3A_514 = arith.constant 0 : i32
        %parallel_loop3A_515 = arith.cmpi slt, %parallel_loop3A_511, %parallel_loop3A_514 : i32
        %parallel_loop3A_516 = arith.constant 0 : i32
        %parallel_loop3A_517 = arith.cmpi slt, %parallel_loop3A_510, %parallel_loop3A_516 : i32
        %parallel_loop3A_518 = arith.xori %parallel_loop3A_515, %parallel_loop3A_517 : i1
        %parallel_loop3A_519 = arith.andi %parallel_loop3A_518, %parallel_loop3A_513 : i1
        %parallel_loop3A_520 = arith.addi %parallel_loop3A_511, %parallel_loop3A_510 : i32
        %parallel_loop3A_521 = arith.select %parallel_loop3A_519, %parallel_loop3A_520, %parallel_loop3A_511 : i32
        %parallel_loop3A_522 = arith.constant 16 : i32
        %parallel_loop3A_523 = arith.muli %parallel_loop3A_521, %parallel_loop3A_522 : i32
        %parallel_loop3A_524 = arith.constant 0 : i32
        %parallel_loop3A_525 = arith.index_cast %parallel_loop3A_524 : i32 to index
        %parallel_loop3A_526 = arith.index_cast %parallel_loop3A_505 : i32 to index
        %parallel_loop3A_527 = arith.index_cast %parallel_loop3A_523 : i32 to index
        %parallel_loop3A_528 = tpu.vector_load %arg14[%parallel_loop3A_525, %parallel_loop3A_526, %parallel_loop3A_527] {strides = array<i32>} : memref<2x8x128xi32, #tpu.memory_space<vmem>>, vector<16xi32>,
        tpu.vector_store_idx %arg10[%parallel_loop3A_528], %broadcast_in_dim3A_31 {add = true} : memref<4096xf32, #tpu.memory_space<vmem>>[vector<16xi32>], vector<16xf32>,
        %parallel_loop3A_529 = arith.constant 0 : i32
        %parallel_loop3A_530 = arith.constant 0 : i32
        %parallel_loop3A_531 = arith.index_cast %parallel_loop3A_529 : i32 to index
        %parallel_loop3A_532 = arith.index_cast %parallel_loop3A_530 : i32 to index
        %parallel_loop3A_533 = arith.index_cast %parallel_loop3A_505 : i32 to index
        %parallel_loop3A_534 = arith.index_cast %parallel_loop3A_523 : i32 to index
        %parallel_loop3A_535 = tpu.vector_load %arg13[%parallel_loop3A_531, %parallel_loop3A_532, %parallel_loop3A_533, %parallel_loop3A_534] {strides = array<i32>} : memref<2x16x8x128xf32, #tpu.memory_space<vmem>>, vector<16xf32>,
        %parallel_loop3A_536 = arith.constant 0 : i32
        %parallel_loop3A_537 = vector.broadcast %parallel_loop3A_536 : i32 to vector<16xi32>
        tpu.vector_store_idx %arg9[%parallel_loop3A_537, %parallel_loop3A_528], %parallel_loop3A_535 {add = true} : memref<16x4096xf32, #tpu.memory_space<vmem>>[vector<16xi32>, vector<16xi32>], vector<16xf32>,
        %parallel_loop3A_538 = arith.constant 0 : i32
        %parallel_loop3A_539 = arith.constant 1 : i32
        %parallel_loop3A_540 = arith.index_cast %parallel_loop3A_538 : i32 to index
        %parallel_loop3A_541 = arith.index_cast %parallel_loop3A_539 : i32 to index
        %parallel_loop3A_542 = arith.index_cast %parallel_loop3A_505 : i32 to index
        %parallel_loop3A_543 = arith.index_cast %parallel_loop3A_523 : i32 to index
        %parallel_loop3A_544 = tpu.vector_load %arg13[%parallel_loop3A_540, %parallel_loop3A_541, %parallel_loop3A_542, %parallel_loop3A_543] {strides = array<i32>} : memref<2x16x8x128xf32, #tpu.memory_space<vmem>>, vector<16xf32>,
        %parallel_loop3A_545 = arith.constant 1 : i32
        %parallel_loop3A_546 = vector.broadcast %parallel_loop3A_545 : i32 to vector<16xi32>
        tpu.vector_store_idx %arg9[%parallel_loop3A_546, %parallel_loop3A_528], %parallel_loop3A_544 {add = true} : memref<16x4096xf32, #tpu.memory_space<vmem>>[vector<16xi32>, vector<16xi32>], vector<16xf32>,
        %parallel_loop3A_547 = arith.constant 0 : i32
        %parallel_loop3A_548 = arith.constant 2 : i32
        %parallel_loop3A_549 = arith.index_cast %parallel_loop3A_547 : i32 to index
        %parallel_loop3A_550 = arith.index_cast %parallel_loop3A_548 : i32 to index
        %parallel_loop3A_551 = arith.index_cast %parallel_loop3A_505 : i32 to index
        %parallel_loop3A_552 = arith.index_cast %parallel_loop3A_523 : i32 to index
        %parallel_loop3A_553 = tpu.vector_load %arg13[%parallel_loop3A_549, %parallel_loop3A_550, %parallel_loop3A_551, %parallel_loop3A_552] {strides = array<i32>} : memref<2x16x8x128xf32, #tpu.memory_space<vmem>>, vector<16xf32>,
        %parallel_loop3A_554 = arith.constant 2 : i32
        %parallel_loop3A_555 = vector.broadcast %parallel_loop3A_554 : i32 to vector<16xi32>
        tpu.vector_store_idx %arg9[%parallel_loop3A_555, %parallel_loop3A_528], %parallel_loop3A_553 {add = true} : memref<16x4096xf32, #tpu.memory_space<vmem>>[vector<16xi32>, vector<16xi32>], vector<16xf32>,
        %parallel_loop3A_556 = arith.constant 0 : i32
        %parallel_loop3A_557 = arith.constant 3 : i32
        %parallel_loop3A_558 = arith.index_cast %parallel_loop3A_556 : i32 to index
        %parallel_loop3A_559 = arith.index_cast %parallel_loop3A_557 : i32 to index
        %parallel_loop3A_560 = arith.index_cast %parallel_loop3A_505 : i32 to index
        %parallel_loop3A_561 = arith.index_cast %parallel_loop3A_523 : i32 to index
        %parallel_loop3A_562 = tpu.vector_load %arg13[%parallel_loop3A_558, %parallel_loop3A_559, %parallel_loop3A_560, %parallel_loop3A_561] {strides = array<i32>} : memref<2x16x8x128xf32, #tpu.memory_space<vmem>>, vector<16xf32>,
        %parallel_loop3A_563 = arith.constant 3 : i32
        %parallel_loop3A_564 = vector.broadcast %parallel_loop3A_563 : i32 to vector<16xi32>
        tpu.vector_store_idx %arg9[%parallel_loop3A_564, %parallel_loop3A_528], %parallel_loop3A_562 {add = true} : memref<16x4096xf32, #tpu.memory_space<vmem>>[vector<16xi32>, vector<16xi32>], vector<16xf32>,
        %parallel_loop3A_565 = arith.constant 0 : i32
        %parallel_loop3A_566 = arith.constant 4 : i32
        %parallel_loop3A_567 = arith.index_cast %parallel_loop3A_565 : i32 to index
        %parallel_loop3A_568 = arith.index_cast %parallel_loop3A_566 : i32 to index
        %parallel_loop3A_569 = arith.index_cast %parallel_loop3A_505 : i32 to index
        %parallel_loop3A_570 = arith.index_cast %parallel_loop3A_523 : i32 to index
        %parallel_loop3A_571 = tpu.vector_load %arg13[%parallel_loop3A_567, %parallel_loop3A_568, %parallel_loop3A_569, %parallel_loop3A_570] {strides = array<i32>} : memref<2x16x8x128xf32, #tpu.memory_space<vmem>>, vector<16xf32>,
        %parallel_loop3A_572 = arith.constant 4 : i32
        %parallel_loop3A_573 = vector.broadcast %parallel_loop3A_572 : i32 to vector<16xi32>
        tpu.vector_store_idx %arg9[%parallel_loop3A_573, %parallel_loop3A_528], %parallel_loop3A_571 {add = true} : memref<16x4096xf32, #tpu.memory_space<vmem>>[vector<16xi32>, vector<16xi32>], vector<16xf32>,
        %parallel_loop3A_574 = arith.constant 0 : i32
        %parallel_loop3A_575 = arith.constant 5 : i32
        %parallel_loop3A_576 = arith.index_cast %parallel_loop3A_574 : i32 to index
        %parallel_loop3A_577 = arith.index_cast %parallel_loop3A_575 : i32 to index
        %parallel_loop3A_578 = arith.index_cast %parallel_loop3A_505 : i32 to index
        %parallel_loop3A_579 = arith.index_cast %parallel_loop3A_523 : i32 to index
        %parallel_loop3A_580 = tpu.vector_load %arg13[%parallel_loop3A_576, %parallel_loop3A_577, %parallel_loop3A_578, %parallel_loop3A_579] {strides = array<i32>} : memref<2x16x8x128xf32, #tpu.memory_space<vmem>>, vector<16xf32>,
        %parallel_loop3A_581 = arith.constant 5 : i32
        %parallel_loop3A_582 = vector.broadcast %parallel_loop3A_581 : i32 to vector<16xi32>
        tpu.vector_store_idx %arg9[%parallel_loop3A_582, %parallel_loop3A_528], %parallel_loop3A_580 {add = true} : memref<16x4096xf32, #tpu.memory_space<vmem>>[vector<16xi32>, vector<16xi32>], vector<16xf32>,
        %parallel_loop3A_583 = arith.constant 0 : i32
        %parallel_loop3A_584 = arith.constant 6 : i32
        %parallel_loop3A_585 = arith.index_cast %parallel_loop3A_583 : i32 to index
        %parallel_loop3A_586 = arith.index_cast %parallel_loop3A_584 : i32 to index
        %parallel_loop3A_587 = arith.index_cast %parallel_loop3A_505 : i32 to index
        %parallel_loop3A_588 = arith.index_cast %parallel_loop3A_523 : i32 to index
        %parallel_loop3A_589 = tpu.vector_load %arg13[%parallel_loop3A_585, %parallel_loop3A_586, %parallel_loop3A_587, %parallel_loop3A_588] {strides = array<i32>} : memref<2x16x8x128xf32, #tpu.memory_space<vmem>>, vector<16xf32>,
        %parallel_loop3A_590 = arith.constant 6 : i32
        %parallel_loop3A_591 = vector.broadcast %parallel_loop3A_590 : i32 to vector<16xi32>
        tpu.vector_store_idx %arg9[%parallel_loop3A_591, %parallel_loop3A_528], %parallel_loop3A_589 {add = true} : memref<16x4096xf32, #tpu.memory_space<vmem>>[vector<16xi32>, vector<16xi32>], vector<16xf32>,
        %parallel_loop3A_592 = arith.constant 0 : i32
        %parallel_loop3A_593 = arith.constant 7 : i32
        %parallel_loop3A_594 = arith.index_cast %parallel_loop3A_592 : i32 to index
        %parallel_loop3A_595 = arith.index_cast %parallel_loop3A_593 : i32 to index
        %parallel_loop3A_596 = arith.index_cast %parallel_loop3A_505 : i32 to index
        %parallel_loop3A_597 = arith.index_cast %parallel_loop3A_523 : i32 to index
        %parallel_loop3A_598 = tpu.vector_load %arg13[%parallel_loop3A_594, %parallel_loop3A_595, %parallel_loop3A_596, %parallel_loop3A_597] {strides = array<i32>} : memref<2x16x8x128xf32, #tpu.memory_space<vmem>>, vector<16xf32>,
        %parallel_loop3A_599 = arith.constant 7 : i32
        %parallel_loop3A_600 = vector.broadcast %parallel_loop3A_599 : i32 to vector<16xi32>
        tpu.vector_store_idx %arg9[%parallel_loop3A_600, %parallel_loop3A_528], %parallel_loop3A_598 {add = true} : memref<16x4096xf32, #tpu.memory_space<vmem>>[vector<16xi32>, vector<16xi32>], vector<16xf32>,
        %parallel_loop3A_601 = arith.constant 0 : i32
        %parallel_loop3A_602 = arith.constant 8 : i32
        %parallel_loop3A_603 = arith.index_cast %parallel_loop3A_601 : i32 to index
        %parallel_loop3A_604 = arith.index_cast %parallel_loop3A_602 : i32 to index
        %parallel_loop3A_605 = arith.index_cast %parallel_loop3A_505 : i32 to index
        %parallel_loop3A_606 = arith.index_cast %parallel_loop3A_523 : i32 to index
        %parallel_loop3A_607 = tpu.vector_load %arg13[%parallel_loop3A_603, %parallel_loop3A_604, %parallel_loop3A_605, %parallel_loop3A_606] {strides = array<i32>} : memref<2x16x8x128xf32, #tpu.memory_space<vmem>>, vector<16xf32>,
        %parallel_loop3A_608 = arith.constant 8 : i32
        %parallel_loop3A_609 = vector.broadcast %parallel_loop3A_608 : i32 to vector<16xi32>
        tpu.vector_store_idx %arg9[%parallel_loop3A_609, %parallel_loop3A_528], %parallel_loop3A_607 {add = true} : memref<16x4096xf32, #tpu.memory_space<vmem>>[vector<16xi32>, vector<16xi32>], vector<16xf32>,
        %parallel_loop3A_610 = arith.constant 0 : i32
        %parallel_loop3A_611 = arith.constant 9 : i32
        %parallel_loop3A_612 = arith.index_cast %parallel_loop3A_610 : i32 to index
        %parallel_loop3A_613 = arith.index_cast %parallel_loop3A_611 : i32 to index
        %parallel_loop3A_614 = arith.index_cast %parallel_loop3A_505 : i32 to index
        %parallel_loop3A_615 = arith.index_cast %parallel_loop3A_523 : i32 to index
        %parallel_loop3A_616 = tpu.vector_load %arg13[%parallel_loop3A_612, %parallel_loop3A_613, %parallel_loop3A_614, %parallel_loop3A_615] {strides = array<i32>} : memref<2x16x8x128xf32, #tpu.memory_space<vmem>>, vector<16xf32>,
        %parallel_loop3A_617 = arith.constant 9 : i32
        %parallel_loop3A_618 = vector.broadcast %parallel_loop3A_617 : i32 to vector<16xi32>
        tpu.vector_store_idx %arg9[%parallel_loop3A_618, %parallel_loop3A_528], %parallel_loop3A_616 {add = true} : memref<16x4096xf32, #tpu.memory_space<vmem>>[vector<16xi32>, vector<16xi32>], vector<16xf32>,
        %parallel_loop3A_619 = arith.constant 0 : i32
        %parallel_loop3A_620 = arith.constant 10 : i32
        %parallel_loop3A_621 = arith.index_cast %parallel_loop3A_619 : i32 to index
        %parallel_loop3A_622 = arith.index_cast %parallel_loop3A_620 : i32 to index
        %parallel_loop3A_623 = arith.index_cast %parallel_loop3A_505 : i32 to index
        %parallel_loop3A_624 = arith.index_cast %parallel_loop3A_523 : i32 to index
        %parallel_loop3A_625 = tpu.vector_load %arg13[%parallel_loop3A_621, %parallel_loop3A_622, %parallel_loop3A_623, %parallel_loop3A_624] {strides = array<i32>} : memref<2x16x8x128xf32, #tpu.memory_space<vmem>>, vector<16xf32>,
        %parallel_loop3A_626 = arith.constant 10 : i32
        %parallel_loop3A_627 = vector.broadcast %parallel_loop3A_626 : i32 to vector<16xi32>
        tpu.vector_store_idx %arg9[%parallel_loop3A_627, %parallel_loop3A_528], %parallel_loop3A_625 {add = true} : memref<16x4096xf32, #tpu.memory_space<vmem>>[vector<16xi32>, vector<16xi32>], vector<16xf32>,
        %parallel_loop3A_628 = arith.constant 0 : i32
        %parallel_loop3A_629 = arith.constant 11 : i32
        %parallel_loop3A_630 = arith.index_cast %parallel_loop3A_628 : i32 to index
        %parallel_loop3A_631 = arith.index_cast %parallel_loop3A_629 : i32 to index
        %parallel_loop3A_632 = arith.index_cast %parallel_loop3A_505 : i32 to index
        %parallel_loop3A_633 = arith.index_cast %parallel_loop3A_523 : i32 to index
        %parallel_loop3A_634 = tpu.vector_load %arg13[%parallel_loop3A_630, %parallel_loop3A_631, %parallel_loop3A_632, %parallel_loop3A_633] {strides = array<i32>} : memref<2x16x8x128xf32, #tpu.memory_space<vmem>>, vector<16xf32>,
        %parallel_loop3A_635 = arith.constant 11 : i32
        %parallel_loop3A_636 = vector.broadcast %parallel_loop3A_635 : i32 to vector<16xi32>
        tpu.vector_store_idx %arg9[%parallel_loop3A_636, %parallel_loop3A_528], %parallel_loop3A_634 {add = true} : memref<16x4096xf32, #tpu.memory_space<vmem>>[vector<16xi32>, vector<16xi32>], vector<16xf32>,
        %parallel_loop3A_637 = arith.constant 0 : i32
        %parallel_loop3A_638 = arith.constant 12 : i32
        %parallel_loop3A_639 = arith.index_cast %parallel_loop3A_637 : i32 to index
        %parallel_loop3A_640 = arith.index_cast %parallel_loop3A_638 : i32 to index
        %parallel_loop3A_641 = arith.index_cast %parallel_loop3A_505 : i32 to index
        %parallel_loop3A_642 = arith.index_cast %parallel_loop3A_523 : i32 to index
        %parallel_loop3A_643 = tpu.vector_load %arg13[%parallel_loop3A_639, %parallel_loop3A_640, %parallel_loop3A_641, %parallel_loop3A_642] {strides = array<i32>} : memref<2x16x8x128xf32, #tpu.memory_space<vmem>>, vector<16xf32>,
        %parallel_loop3A_644 = arith.constant 12 : i32
        %parallel_loop3A_645 = vector.broadcast %parallel_loop3A_644 : i32 to vector<16xi32>
        tpu.vector_store_idx %arg9[%parallel_loop3A_645, %parallel_loop3A_528], %parallel_loop3A_643 {add = true} : memref<16x4096xf32, #tpu.memory_space<vmem>>[vector<16xi32>, vector<16xi32>], vector<16xf32>,
        %parallel_loop3A_646 = arith.constant 0 : i32
        %parallel_loop3A_647 = arith.constant 13 : i32
        %parallel_loop3A_648 = arith.index_cast %parallel_loop3A_646 : i32 to index
        %parallel_loop3A_649 = arith.index_cast %parallel_loop3A_647 : i32 to index
        %parallel_loop3A_650 = arith.index_cast %parallel_loop3A_505 : i32 to index
        %parallel_loop3A_651 = arith.index_cast %parallel_loop3A_523 : i32 to index
        %parallel_loop3A_652 = tpu.vector_load %arg13[%parallel_loop3A_648, %parallel_loop3A_649, %parallel_loop3A_650, %parallel_loop3A_651] {strides = array<i32>} : memref<2x16x8x128xf32, #tpu.memory_space<vmem>>, vector<16xf32>,
        %parallel_loop3A_653 = arith.constant 13 : i32
        %parallel_loop3A_654 = vector.broadcast %parallel_loop3A_653 : i32 to vector<16xi32>
        tpu.vector_store_idx %arg9[%parallel_loop3A_654, %parallel_loop3A_528], %parallel_loop3A_652 {add = true} : memref<16x4096xf32, #tpu.memory_space<vmem>>[vector<16xi32>, vector<16xi32>], vector<16xf32>,
        %parallel_loop3A_655 = arith.constant 0 : i32
        %parallel_loop3A_656 = arith.constant 14 : i32
        %parallel_loop3A_657 = arith.index_cast %parallel_loop3A_655 : i32 to index
        %parallel_loop3A_658 = arith.index_cast %parallel_loop3A_656 : i32 to index
        %parallel_loop3A_659 = arith.index_cast %parallel_loop3A_505 : i32 to index
        %parallel_loop3A_660 = arith.index_cast %parallel_loop3A_523 : i32 to index
        %parallel_loop3A_661 = tpu.vector_load %arg13[%parallel_loop3A_657, %parallel_loop3A_658, %parallel_loop3A_659, %parallel_loop3A_660] {strides = array<i32>} : memref<2x16x8x128xf32, #tpu.memory_space<vmem>>, vector<16xf32>,
        %parallel_loop3A_662 = arith.constant 14 : i32
        %parallel_loop3A_663 = vector.broadcast %parallel_loop3A_662 : i32 to vector<16xi32>
        tpu.vector_store_idx %arg9[%parallel_loop3A_663, %parallel_loop3A_528], %parallel_loop3A_661 {add = true} : memref<16x4096xf32, #tpu.memory_space<vmem>>[vector<16xi32>, vector<16xi32>], vector<16xf32>,
        %parallel_loop3A_664 = arith.constant 0 : i32
        %parallel_loop3A_665 = arith.constant 15 : i32
        %parallel_loop3A_666 = arith.index_cast %parallel_loop3A_664 : i32 to index
        %parallel_loop3A_667 = arith.index_cast %parallel_loop3A_665 : i32 to index
        %parallel_loop3A_668 = arith.index_cast %parallel_loop3A_505 : i32 to index
        %parallel_loop3A_669 = arith.index_cast %parallel_loop3A_523 : i32 to index
        %parallel_loop3A_670 = tpu.vector_load %arg13[%parallel_loop3A_666, %parallel_loop3A_667, %parallel_loop3A_668, %parallel_loop3A_669] {strides = array<i32>} : memref<2x16x8x128xf32, #tpu.memory_space<vmem>>, vector<16xf32>,
        %parallel_loop3A_671 = arith.constant 15 : i32
        %parallel_loop3A_672 = vector.broadcast %parallel_loop3A_671 : i32 to vector<16xi32>
        tpu.vector_store_idx %arg9[%parallel_loop3A_672, %parallel_loop3A_528], %parallel_loop3A_670 {add = true} : memref<16x4096xf32, #tpu.memory_space<vmem>>[vector<16xi32>, vector<16xi32>], vector<16xf32>,
      } {sc.loop_unroll_factor = 2 : i64, sc.parallel_access}
      %mul3A_288 = arith.constant 128 : i32
      %mul3A_289 = arith.muli %select_n3A_30, %mul3A_288 : i32
      %jit3A_290 = arith.constant 4 : i32
      %div3A_291 = arith.divsi %mul3A_118, %jit3A_290 : i32
      %sign3A_292 = arith.constant 0 : i32
      %sign3A_293 = arith.cmpi sgt, %mul3A_118, %sign3A_292 : i32
      %sign3A_294 = arith.extui %sign3A_293 : i1 to i32
      %sign3A_295 = arith.constant 0 : i32
      %sign3A_296 = arith.cmpi slt, %mul3A_118, %sign3A_295 : i32
      %sign3A_297 = arith.extui %sign3A_296 : i1 to i32
      %sign3A_298 = arith.subi %sign3A_294, %sign3A_297 : i32
      %sign3A_299 = arith.constant 0 : i32
      %sign3A_300 = arith.cmpi sgt, %jit3A_290, %sign3A_299 : i32
      %sign3A_301 = arith.extui %sign3A_300 : i1 to i32
      %sign3A_302 = arith.constant 0 : i32
      %sign3A_303 = arith.cmpi slt, %jit3A_290, %sign3A_302 : i32
      %sign3A_304 = arith.extui %sign3A_303 : i1 to i32
      %sign3A_305 = arith.subi %sign3A_301, %sign3A_304 : i32
      %ne3A_306 = arith.cmpi ne, %sign3A_298, %sign3A_305 : i32
      %rem3A_307 = arith.remsi %mul3A_118, %jit3A_290 : i32
      %ne3A_308 = arith.constant 0 : i32
      %ne3A_309 = arith.cmpi ne, %rem3A_307, %ne3A_308 : i32
      %and3A_310 = arith.andi %ne3A_306, %ne3A_309 : i1
      %sub3A_311 = arith.constant 1 : i32
      %sub3A_312 = arith.subi %div3A_291, %sub3A_311 : i32
      %select_n3A_313 = arith.select %and3A_310, %sub3A_312, %div3A_291 : i32
      %mul3A_314 = arith.constant 8 : i32
      %mul3A_315 = arith.muli %select_n3A_313, %mul3A_314 : i32
      %add3A_316 = arith.addi %mul3A_289, %mul3A_315 : i32
      %mul3A_317 = arith.constant 512 : i32
      %mul3A_318 = arith.muli %add3A_316, %mul3A_317 : i32
      %jit3A_319 = arith.constant 4 : i32
      %eq3A_320 = arith.constant 0 : i32
      %eq3A_321 = arith.cmpi eq, %jit3A_319, %eq3A_320 : i32
      %jit3A_322 = arith.constant 1 : i32
      %select_n3A_323 = arith.select %eq3A_321, %jit3A_322, %jit3A_319 : i32
      %rem3A_324 = arith.remsi %mul3A_118, %select_n3A_323 : i32
      %ne3A_325 = arith.constant 0 : i32
      %ne3A_326 = arith.cmpi ne, %rem3A_324, %ne3A_325 : i32
      %lt3A_327 = arith.constant 0 : i32
      %lt3A_328 = arith.cmpi slt, %rem3A_324, %lt3A_327 : i32
      %lt3A_329 = arith.constant 0 : i32
      %lt3A_330 = arith.cmpi slt, %select_n3A_323, %lt3A_329 : i32
      %ne3A_331 = arith.xori %lt3A_328, %lt3A_330 : i1
      %and3A_332 = arith.andi %ne3A_331, %ne3A_326 : i1
      %add3A_333 = arith.addi %rem3A_324, %select_n3A_323 : i32
      %select_n3A_334 = arith.select %and3A_332, %add3A_333, %rem3A_324 : i32
      %mul3A_335 = arith.constant 128 : i32
      %mul3A_336 = arith.muli %select_n3A_334, %mul3A_335 : i32
      %add3A_337 = arith.addi %mul3A_318, %mul3A_336 : i32
      %mul3A_338 = arith.constant 65536 : i32
      %mul3A_339 = arith.muli %select_n3A_30, %mul3A_338 : i32
      %sub3A_340 = arith.subi %add3A_337, %mul3A_339 : i32
      %scan3A_341 = arith.constant 0 : i32
      %scan3A_342 = arith.constant 0 : i32
      %scan3A_343 = arith.constant 16 : i32
      %scan3A_344 = arith.addi %scan3A_342, %scan3A_343 : i32
      %scan3A_345 = arith.constant 1 : i32
      scf.for %scan3A_481 = %scan3A_342 to %scan3A_344 step %scan3A_345  : i32 {
        %mul3A_482 = arith.constant 4 : i32
        %mul3A_483 = arith.muli %scan3A_481, %mul3A_482 : i32
        %add3A_484 = arith.constant 0 : i32
        %add3A_485 = arith.addi %mul3A_483, %add3A_484 : i32
        %jit3A_486 = arith.constant 8 : i32
        %div3A_487 = arith.divsi %add3A_485, %jit3A_486 : i32
        %sign3A_488 = arith.constant 0 : i32
        %sign3A_489 = arith.cmpi sgt, %add3A_485, %sign3A_488 : i32
        %sign3A_490 = arith.extui %sign3A_489 : i1 to i32
        %sign3A_491 = arith.constant 0 : i32
        %sign3A_492 = arith.cmpi slt, %add3A_485, %sign3A_491 : i32
        %sign3A_493 = arith.extui %sign3A_492 : i1 to i32
        %sign3A_494 = arith.subi %sign3A_490, %sign3A_493 : i32
        %sign3A_495 = arith.constant 0 : i32
        %sign3A_496 = arith.cmpi sgt, %jit3A_486, %sign3A_495 : i32
        %sign3A_497 = arith.extui %sign3A_496 : i1 to i32
        %sign3A_498 = arith.constant 0 : i32
        %sign3A_499 = arith.cmpi slt, %jit3A_486, %sign3A_498 : i32
        %sign3A_500 = arith.extui %sign3A_499 : i1 to i32
        %sign3A_501 = arith.subi %sign3A_497, %sign3A_500 : i32
        %ne3A_502 = arith.cmpi ne, %sign3A_494, %sign3A_501 : i32
        %rem3A_503 = arith.remsi %add3A_485, %jit3A_486 : i32
        %ne3A_504 = arith.constant 0 : i32
        %ne3A_505 = arith.cmpi ne, %rem3A_503, %ne3A_504 : i32
        %and3A_506 = arith.andi %ne3A_502, %ne3A_505 : i1
        %sub3A_507 = arith.constant 1 : i32
        %sub3A_508 = arith.subi %div3A_487, %sub3A_507 : i32
        %select_n3A_509 = arith.select %and3A_506, %sub3A_508, %div3A_487 : i32
        %jit3A_510 = arith.constant 8 : i32
        %eq3A_511 = arith.constant 0 : i32
        %eq3A_512 = arith.cmpi eq, %jit3A_510, %eq3A_511 : i32
        %jit3A_513 = arith.constant 1 : i32
        %select_n3A_514 = arith.select %eq3A_512, %jit3A_513, %jit3A_510 : i32
        %rem3A_515 = arith.remsi %add3A_485, %select_n3A_514 : i32
        %ne3A_516 = arith.constant 0 : i32
        %ne3A_517 = arith.cmpi ne, %rem3A_515, %ne3A_516 : i32
        %lt3A_518 = arith.constant 0 : i32
        %lt3A_519 = arith.cmpi slt, %rem3A_515, %lt3A_518 : i32
        %lt3A_520 = arith.constant 0 : i32
        %lt3A_521 = arith.cmpi slt, %select_n3A_514, %lt3A_520 : i32
        %ne3A_522 = arith.xori %lt3A_519, %lt3A_521 : i1
        %and3A_523 = arith.andi %ne3A_522, %ne3A_517 : i1
        %add3A_524 = arith.addi %rem3A_515, %select_n3A_514 : i32
        %select_n3A_525 = arith.select %and3A_523, %add3A_524, %rem3A_515 : i32
        %mul3A_526 = arith.constant 16 : i32
        %mul3A_527 = arith.muli %select_n3A_525, %mul3A_526 : i32
        %get3A = arith.constant 0 : i32
        %get3A_528 = arith.index_cast %get3A : i32 to index
        %get3A_529 = arith.index_cast %select_n3A_509 : i32 to index
        %get3A_530 = arith.index_cast %mul3A_527 : i32 to index
        %get3A_531 = tpu.vector_load %arg14[%get3A_528, %get3A_529, %get3A_530] {strides = array<i32>} : memref<2x8x128xi32, #tpu.memory_space<vmem>>, vector<16xi32>,
        %get3A_532 = arith.constant 0 : i32
        %get3A_533 = arith.index_cast %get3A_532 : i32 to index
        %get3A_534 = arith.index_cast %select_n3A_509 : i32 to index
        %get3A_535 = arith.index_cast %mul3A_527 : i32 to index
        %get3A_536 = tpu.vector_load %arg15[%get3A_533, %get3A_534, %get3A_535] {strides = array<i32>} : memref<2x8x128xi32, #tpu.memory_space<vmem>>, vector<16xi32>,
        %rev3A = arith.constant 15 : i32
        %rev3A_537 = vector.broadcast %rev3A : i32 to vector<16xi32>
        %rev3A_538 = tpu.iota {dimensions = array<i32: 0>} : vector<16xi32>
        %rev3A_539 = arith.subi %rev3A_537, %rev3A_538 : vector<16xi32>
        %rev3A_540 = tpu.dynamic_gather %get3A_531[%rev3A_539] in [0] : vector<16xi32>, vector<16xi32> -> vector<16xi32>
        %broadcast_in_dim3A_541 = arith.constant true
        %broadcast_in_dim3A_542 = vector.broadcast %broadcast_in_dim3A_541 : i1 to vector<16xi1>
        %unique3A, %unique3A_543 = tpu.scan_count mask(%broadcast_in_dim3A_542 : vector<16xi1>) value(%rev3A_540 : vector<16xi32>) : vector<16xi1>, vector<16xi32>
        %jit3A_544 = arith.constant 1 : i32
        %jit3A_545 = arith.constant 0 : i32
        %broadcast_in_dim3A_546 = vector.broadcast %jit3A_544 : i32 to vector<16xi32>
        %broadcast_in_dim3A_547 = vector.broadcast %jit3A_545 : i32 to vector<16xi32>
        %select_n3A_548 = arith.select %unique3A, %broadcast_in_dim3A_546, %broadcast_in_dim3A_547 : vector<16xi1>, vector<16xi32>
        %rev3A_549 = arith.constant 15 : i32
        %rev3A_550 = vector.broadcast %rev3A_549 : i32 to vector<16xi32>
        %rev3A_551 = tpu.iota {dimensions = array<i32: 0>} : vector<16xi32>
        %rev3A_552 = arith.subi %rev3A_550, %rev3A_551 : vector<16xi32>
        %rev3A_553 = tpu.dynamic_gather %select_n3A_548[%rev3A_552] in [0] : vector<16xi32>, vector<16xi32> -> vector<16xi32>
        %eq3A_554 = arith.constant 1 : i32
        %eq3A_555 = vector.broadcast %eq3A_554 : i32 to vector<16xi32>
        %eq3A_556 = arith.cmpi eq, %rev3A_553, %eq3A_555 : vector<16xi32>
        %mul3A_557 = arith.constant 512 : i32
        %mul3A_558 = arith.muli %select_n3A_509, %mul3A_557 : i32
        %add3A_559 = arith.addi %sub3A_340, %mul3A_558 : i32
        %add3A_560 = arith.addi %add3A_559, %mul3A_527 : i32
        %add3A_561 = vector.broadcast %add3A_560 : i32 to vector<16xi32>
        %add3A_562 = arith.addi %add3A_561, %iota3A : vector<16xi32>
        %gather3A = tpu.vector_load_idx %arg11[%get3A_531] : memref<4096xi32, #tpu.memory_space<vmem>>[vector<16xi32>], vector<16xi32>,
        %lt3A_563 = arith.cmpi slt, %add3A_562, %gather3A : vector<16xi32>
        %and3A_564 = arith.andi %eq3A_556, %lt3A_563 : vector<16xi1>
        tpu.vector_store_idx %arg11[%get3A_531], %add3A_562 masked %and3A_564 : memref<4096xi32, #tpu.memory_space<vmem>>[vector<16xi32>], vector<16xi32>, vector<16xi1>
        tpu.vector_store_idx %arg12[%get3A_531], %get3A_536 masked %and3A_564 : memref<4096xi32, #tpu.memory_space<vmem>>[vector<16xi32>], vector<16xi32>, vector<16xi1>
        %mul3A_565 = arith.constant 4 : i32
        %mul3A_566 = arith.muli %scan3A_481, %mul3A_565 : i32
        %add3A_567 = arith.constant 1 : i32
        %add3A_568 = arith.addi %mul3A_566, %add3A_567 : i32
        %jit3A_569 = arith.constant 8 : i32
        %div3A_570 = arith.divsi %add3A_568, %jit3A_569 : i32
        %sign3A_571 = arith.constant 0 : i32
        %sign3A_572 = arith.cmpi sgt, %add3A_568, %sign3A_571 : i32
        %sign3A_573 = arith.extui %sign3A_572 : i1 to i32
        %sign3A_574 = arith.constant 0 : i32
        %sign3A_575 = arith.cmpi slt, %add3A_568, %sign3A_574 : i32
        %sign3A_576 = arith.extui %sign3A_575 : i1 to i32
        %sign3A_577 = arith.subi %sign3A_573, %sign3A_576 : i32
        %sign3A_578 = arith.constant 0 : i32
        %sign3A_579 = arith.cmpi sgt, %jit3A_569, %sign3A_578 : i32
        %sign3A_580 = arith.extui %sign3A_579 : i1 to i32
        %sign3A_581 = arith.constant 0 : i32
        %sign3A_582 = arith.cmpi slt, %jit3A_569, %sign3A_581 : i32
        %sign3A_583 = arith.extui %sign3A_582 : i1 to i32
        %sign3A_584 = arith.subi %sign3A_580, %sign3A_583 : i32
        %ne3A_585 = arith.cmpi ne, %sign3A_577, %sign3A_584 : i32
        %rem3A_586 = arith.remsi %add3A_568, %jit3A_569 : i32
        %ne3A_587 = arith.constant 0 : i32
        %ne3A_588 = arith.cmpi ne, %rem3A_586, %ne3A_587 : i32
        %and3A_589 = arith.andi %ne3A_585, %ne3A_588 : i1
        %sub3A_590 = arith.constant 1 : i32
        %sub3A_591 = arith.subi %div3A_570, %sub3A_590 : i32
        %select_n3A_592 = arith.select %and3A_589, %sub3A_591, %div3A_570 : i32
        %jit3A_593 = arith.constant 8 : i32
        %eq3A_594 = arith.constant 0 : i32
        %eq3A_595 = arith.cmpi eq, %jit3A_593, %eq3A_594 : i32
        %jit3A_596 = arith.constant 1 : i32
        %select_n3A_597 = arith.select %eq3A_595, %jit3A_596, %jit3A_593 : i32
        %rem3A_598 = arith.remsi %add3A_568, %select_n3A_597 : i32
        %ne3A_599 = arith.constant 0 : i32
        %ne3A_600 = arith.cmpi ne, %rem3A_598, %ne3A_599 : i32
        %lt3A_601 = arith.constant 0 : i32
        %lt3A_602 = arith.cmpi slt, %rem3A_598, %lt3A_601 : i32
        %lt3A_603 = arith.constant 0 : i32
        %lt3A_604 = arith.cmpi slt, %select_n3A_597, %lt3A_603 : i32
        %ne3A_605 = arith.xori %lt3A_602, %lt3A_604 : i1
        %and3A_606 = arith.andi %ne3A_605, %ne3A_600 : i1
        %add3A_607 = arith.addi %rem3A_598, %select_n3A_597 : i32
        %select_n3A_608 = arith.select %and3A_606, %add3A_607, %rem3A_598 : i32
        %mul3A_609 = arith.constant 16 : i32
        %mul3A_610 = arith.muli %select_n3A_608, %mul3A_609 : i32
        %get3A_611 = arith.constant 0 : i32
        %get3A_612 = arith.index_cast %get3A_611 : i32 to index
        %get3A_613 = arith.index_cast %select_n3A_592 : i32 to index
        %get3A_614 = arith.index_cast %mul3A_610 : i32 to index
        %get3A_615 = tpu.vector_load %arg14[%get3A_612, %get3A_613, %get3A_614] {strides = array<i32>} : memref<2x8x128xi32, #tpu.memory_space<vmem>>, vector<16xi32>,
        %get3A_616 = arith.constant 0 : i32
        %get3A_617 = arith.index_cast %get3A_616 : i32 to index
        %get3A_618 = arith.index_cast %select_n3A_592 : i32 to index
        %get3A_619 = arith.index_cast %mul3A_610 : i32 to index
        %get3A_620 = tpu.vector_load %arg15[%get3A_617, %get3A_618, %get3A_619] {strides = array<i32>} : memref<2x8x128xi32, #tpu.memory_space<vmem>>, vector<16xi32>,
        %rev3A_621 = arith.constant 15 : i32
        %rev3A_622 = vector.broadcast %rev3A_621 : i32 to vector<16xi32>
        %rev3A_623 = tpu.iota {dimensions = array<i32: 0>} : vector<16xi32>
        %rev3A_624 = arith.subi %rev3A_622, %rev3A_623 : vector<16xi32>
        %rev3A_625 = tpu.dynamic_gather %get3A_615[%rev3A_624] in [0] : vector<16xi32>, vector<16xi32> -> vector<16xi32>
        %broadcast_in_dim3A_626 = arith.constant true
        %broadcast_in_dim3A_627 = vector.broadcast %broadcast_in_dim3A_626 : i1 to vector<16xi1>
        %unique3A_628, %unique3A_629 = tpu.scan_count mask(%broadcast_in_dim3A_627 : vector<16xi1>) value(%rev3A_625 : vector<16xi32>) : vector<16xi1>, vector<16xi32>
        %jit3A_630 = arith.constant 1 : i32
        %jit3A_631 = arith.constant 0 : i32
        %broadcast_in_dim3A_632 = vector.broadcast %jit3A_630 : i32 to vector<16xi32>
        %broadcast_in_dim3A_633 = vector.broadcast %jit3A_631 : i32 to vector<16xi32>
        %select_n3A_634 = arith.select %unique3A_628, %broadcast_in_dim3A_632, %broadcast_in_dim3A_633 : vector<16xi1>, vector<16xi32>
        %rev3A_635 = arith.constant 15 : i32
        %rev3A_636 = vector.broadcast %rev3A_635 : i32 to vector<16xi32>
        %rev3A_637 = tpu.iota {dimensions = array<i32: 0>} : vector<16xi32>
        %rev3A_638 = arith.subi %rev3A_636, %rev3A_637 : vector<16xi32>
        %rev3A_639 = tpu.dynamic_gather %select_n3A_634[%rev3A_638] in [0] : vector<16xi32>, vector<16xi32> -> vector<16xi32>
        %eq3A_640 = arith.constant 1 : i32
        %eq3A_641 = vector.broadcast %eq3A_640 : i32 to vector<16xi32>
        %eq3A_642 = arith.cmpi eq, %rev3A_639, %eq3A_641 : vector<16xi32>
        %mul3A_643 = arith.constant 512 : i32
        %mul3A_644 = arith.muli %select_n3A_592, %mul3A_643 : i32
        %add3A_645 = arith.addi %sub3A_340, %mul3A_644 : i32
        %add3A_646 = arith.addi %add3A_645, %mul3A_610 : i32
        %add3A_647 = vector.broadcast %add3A_646 : i32 to vector<16xi32>
        %add3A_648 = arith.addi %add3A_647, %iota3A : vector<16xi32>
        %gather3A_649 = tpu.vector_load_idx %arg11[%get3A_615] : memref<4096xi32, #tpu.memory_space<vmem>>[vector<16xi32>], vector<16xi32>,
        %lt3A_650 = arith.cmpi slt, %add3A_648, %gather3A_649 : vector<16xi32>
        %and3A_651 = arith.andi %eq3A_642, %lt3A_650 : vector<16xi1>
        tpu.vector_store_idx %arg11[%get3A_615], %add3A_648 masked %and3A_651 : memref<4096xi32, #tpu.memory_space<vmem>>[vector<16xi32>], vector<16xi32>, vector<16xi1>
        tpu.vector_store_idx %arg12[%get3A_615], %get3A_620 masked %and3A_651 : memref<4096xi32, #tpu.memory_space<vmem>>[vector<16xi32>], vector<16xi32>, vector<16xi1>
        %mul3A_652 = arith.constant 4 : i32
        %mul3A_653 = arith.muli %scan3A_481, %mul3A_652 : i32
        %add3A_654 = arith.constant 2 : i32
        %add3A_655 = arith.addi %mul3A_653, %add3A_654 : i32
        %jit3A_656 = arith.constant 8 : i32
        %div3A_657 = arith.divsi %add3A_655, %jit3A_656 : i32
        %sign3A_658 = arith.constant 0 : i32
        %sign3A_659 = arith.cmpi sgt, %add3A_655, %sign3A_658 : i32
        %sign3A_660 = arith.extui %sign3A_659 : i1 to i32
        %sign3A_661 = arith.constant 0 : i32
        %sign3A_662 = arith.cmpi slt, %add3A_655, %sign3A_661 : i32
        %sign3A_663 = arith.extui %sign3A_662 : i1 to i32
        %sign3A_664 = arith.subi %sign3A_660, %sign3A_663 : i32
        %sign3A_665 = arith.constant 0 : i32
        %sign3A_666 = arith.cmpi sgt, %jit3A_656, %sign3A_665 : i32
        %sign3A_667 = arith.extui %sign3A_666 : i1 to i32
        %sign3A_668 = arith.constant 0 : i32
        %sign3A_669 = arith.cmpi slt, %jit3A_656, %sign3A_668 : i32
        %sign3A_670 = arith.extui %sign3A_669 : i1 to i32
        %sign3A_671 = arith.subi %sign3A_667, %sign3A_670 : i32
        %ne3A_672 = arith.cmpi ne, %sign3A_664, %sign3A_671 : i32
        %rem3A_673 = arith.remsi %add3A_655, %jit3A_656 : i32
        %ne3A_674 = arith.constant 0 : i32
        %ne3A_675 = arith.cmpi ne, %rem3A_673, %ne3A_674 : i32
        %and3A_676 = arith.andi %ne3A_672, %ne3A_675 : i1
        %sub3A_677 = arith.constant 1 : i32
        %sub3A_678 = arith.subi %div3A_657, %sub3A_677 : i32
        %select_n3A_679 = arith.select %and3A_676, %sub3A_678, %div3A_657 : i32
        %jit3A_680 = arith.constant 8 : i32
        %eq3A_681 = arith.constant 0 : i32
        %eq3A_682 = arith.cmpi eq, %jit3A_680, %eq3A_681 : i32
        %jit3A_683 = arith.constant 1 : i32
        %select_n3A_684 = arith.select %eq3A_682, %jit3A_683, %jit3A_680 : i32
        %rem3A_685 = arith.remsi %add3A_655, %select_n3A_684 : i32
        %ne3A_686 = arith.constant 0 : i32
        %ne3A_687 = arith.cmpi ne, %rem3A_685, %ne3A_686 : i32
        %lt3A_688 = arith.constant 0 : i32
        %lt3A_689 = arith.cmpi slt, %rem3A_685, %lt3A_688 : i32
        %lt3A_690 = arith.constant 0 : i32
        %lt3A_691 = arith.cmpi slt, %select_n3A_684, %lt3A_690 : i32
        %ne3A_692 = arith.xori %lt3A_689, %lt3A_691 : i1
        %and3A_693 = arith.andi %ne3A_692, %ne3A_687 : i1
        %add3A_694 = arith.addi %rem3A_685, %select_n3A_684 : i32
        %select_n3A_695 = arith.select %and3A_693, %add3A_694, %rem3A_685 : i32
        %mul3A_696 = arith.constant 16 : i32
        %mul3A_697 = arith.muli %select_n3A_695, %mul3A_696 : i32
        %get3A_698 = arith.constant 0 : i32
        %get3A_699 = arith.index_cast %get3A_698 : i32 to index
        %get3A_700 = arith.index_cast %select_n3A_679 : i32 to index
        %get3A_701 = arith.index_cast %mul3A_697 : i32 to index
        %get3A_702 = tpu.vector_load %arg14[%get3A_699, %get3A_700, %get3A_701] {strides = array<i32>} : memref<2x8x128xi32, #tpu.memory_space<vmem>>, vector<16xi32>,
        %get3A_703 = arith.constant 0 : i32
        %get3A_704 = arith.index_cast %get3A_703 : i32 to index
        %get3A_705 = arith.index_cast %select_n3A_679 : i32 to index
        %get3A_706 = arith.index_cast %mul3A_697 : i32 to index
        %get3A_707 = tpu.vector_load %arg15[%get3A_704, %get3A_705, %get3A_706] {strides = array<i32>} : memref<2x8x128xi32, #tpu.memory_space<vmem>>, vector<16xi32>,
        %rev3A_708 = arith.constant 15 : i32
        %rev3A_709 = vector.broadcast %rev3A_708 : i32 to vector<16xi32>
        %rev3A_710 = tpu.iota {dimensions = array<i32: 0>} : vector<16xi32>
        %rev3A_711 = arith.subi %rev3A_709, %rev3A_710 : vector<16xi32>
        %rev3A_712 = tpu.dynamic_gather %get3A_702[%rev3A_711] in [0] : vector<16xi32>, vector<16xi32> -> vector<16xi32>
        %broadcast_in_dim3A_713 = arith.constant true
        %broadcast_in_dim3A_714 = vector.broadcast %broadcast_in_dim3A_713 : i1 to vector<16xi1>
        %unique3A_715, %unique3A_716 = tpu.scan_count mask(%broadcast_in_dim3A_714 : vector<16xi1>) value(%rev3A_712 : vector<16xi32>) : vector<16xi1>, vector<16xi32>
        %jit3A_717 = arith.constant 1 : i32
        %jit3A_718 = arith.constant 0 : i32
        %broadcast_in_dim3A_719 = vector.broadcast %jit3A_717 : i32 to vector<16xi32>
        %broadcast_in_dim3A_720 = vector.broadcast %jit3A_718 : i32 to vector<16xi32>
        %select_n3A_721 = arith.select %unique3A_715, %broadcast_in_dim3A_719, %broadcast_in_dim3A_720 : vector<16xi1>, vector<16xi32>
        %rev3A_722 = arith.constant 15 : i32
        %rev3A_723 = vector.broadcast %rev3A_722 : i32 to vector<16xi32>
        %rev3A_724 = tpu.iota {dimensions = array<i32: 0>} : vector<16xi32>
        %rev3A_725 = arith.subi %rev3A_723, %rev3A_724 : vector<16xi32>
        %rev3A_726 = tpu.dynamic_gather %select_n3A_721[%rev3A_725] in [0] : vector<16xi32>, vector<16xi32> -> vector<16xi32>
        %eq3A_727 = arith.constant 1 : i32
        %eq3A_728 = vector.broadcast %eq3A_727 : i32 to vector<16xi32>
        %eq3A_729 = arith.cmpi eq, %rev3A_726, %eq3A_728 : vector<16xi32>
        %mul3A_730 = arith.constant 512 : i32
        %mul3A_731 = arith.muli %select_n3A_679, %mul3A_730 : i32
        %add3A_732 = arith.addi %sub3A_340, %mul3A_731 : i32
        %add3A_733 = arith.addi %add3A_732, %mul3A_697 : i32
        %add3A_734 = vector.broadcast %add3A_733 : i32 to vector<16xi32>
        %add3A_735 = arith.addi %add3A_734, %iota3A : vector<16xi32>
        %gather3A_736 = tpu.vector_load_idx %arg11[%get3A_702] : memref<4096xi32, #tpu.memory_space<vmem>>[vector<16xi32>], vector<16xi32>,
        %lt3A_737 = arith.cmpi slt, %add3A_735, %gather3A_736 : vector<16xi32>
        %and3A_738 = arith.andi %eq3A_729, %lt3A_737 : vector<16xi1>
        tpu.vector_store_idx %arg11[%get3A_702], %add3A_735 masked %and3A_738 : memref<4096xi32, #tpu.memory_space<vmem>>[vector<16xi32>], vector<16xi32>, vector<16xi1>
        tpu.vector_store_idx %arg12[%get3A_702], %get3A_707 masked %and3A_738 : memref<4096xi32, #tpu.memory_space<vmem>>[vector<16xi32>], vector<16xi32>, vector<16xi1>
        %mul3A_739 = arith.constant 4 : i32
        %mul3A_740 = arith.muli %scan3A_481, %mul3A_739 : i32
        %add3A_741 = arith.constant 3 : i32
        %add3A_742 = arith.addi %mul3A_740, %add3A_741 : i32
        %jit3A_743 = arith.constant 8 : i32
        %div3A_744 = arith.divsi %add3A_742, %jit3A_743 : i32
        %sign3A_745 = arith.constant 0 : i32
        %sign3A_746 = arith.cmpi sgt, %add3A_742, %sign3A_745 : i32
        %sign3A_747 = arith.extui %sign3A_746 : i1 to i32
        %sign3A_748 = arith.constant 0 : i32
        %sign3A_749 = arith.cmpi slt, %add3A_742, %sign3A_748 : i32
        %sign3A_750 = arith.extui %sign3A_749 : i1 to i32
        %sign3A_751 = arith.subi %sign3A_747, %sign3A_750 : i32
        %sign3A_752 = arith.constant 0 : i32
        %sign3A_753 = arith.cmpi sgt, %jit3A_743, %sign3A_752 : i32
        %sign3A_754 = arith.extui %sign3A_753 : i1 to i32
        %sign3A_755 = arith.constant 0 : i32
        %sign3A_756 = arith.cmpi slt, %jit3A_743, %sign3A_755 : i32
        %sign3A_757 = arith.extui %sign3A_756 : i1 to i32
        %sign3A_758 = arith.subi %sign3A_754, %sign3A_757 : i32
        %ne3A_759 = arith.cmpi ne, %sign3A_751, %sign3A_758 : i32
        %rem3A_760 = arith.remsi %add3A_742, %jit3A_743 : i32
        %ne3A_761 = arith.constant 0 : i32
        %ne3A_762 = arith.cmpi ne, %rem3A_760, %ne3A_761 : i32
        %and3A_763 = arith.andi %ne3A_759, %ne3A_762 : i1
        %sub3A_764 = arith.constant 1 : i32
        %sub3A_765 = arith.subi %div3A_744, %sub3A_764 : i32
        %select_n3A_766 = arith.select %and3A_763, %sub3A_765, %div3A_744 : i32
        %jit3A_767 = arith.constant 8 : i32
        %eq3A_768 = arith.constant 0 : i32
        %eq3A_769 = arith.cmpi eq, %jit3A_767, %eq3A_768 : i32
        %jit3A_770 = arith.constant 1 : i32
        %select_n3A_771 = arith.select %eq3A_769, %jit3A_770, %jit3A_767 : i32
        %rem3A_772 = arith.remsi %add3A_742, %select_n3A_771 : i32
        %ne3A_773 = arith.constant 0 : i32
        %ne3A_774 = arith.cmpi ne, %rem3A_772, %ne3A_773 : i32
        %lt3A_775 = arith.constant 0 : i32
        %lt3A_776 = arith.cmpi slt, %rem3A_772, %lt3A_775 : i32
        %lt3A_777 = arith.constant 0 : i32
        %lt3A_778 = arith.cmpi slt, %select_n3A_771, %lt3A_777 : i32
        %ne3A_779 = arith.xori %lt3A_776, %lt3A_778 : i1
        %and3A_780 = arith.andi %ne3A_779, %ne3A_774 : i1
        %add3A_781 = arith.addi %rem3A_772, %select_n3A_771 : i32
        %select_n3A_782 = arith.select %and3A_780, %add3A_781, %rem3A_772 : i32
        %mul3A_783 = arith.constant 16 : i32
        %mul3A_784 = arith.muli %select_n3A_782, %mul3A_783 : i32
        %get3A_785 = arith.constant 0 : i32
        %get3A_786 = arith.index_cast %get3A_785 : i32 to index
        %get3A_787 = arith.index_cast %select_n3A_766 : i32 to index
        %get3A_788 = arith.index_cast %mul3A_784 : i32 to index
        %get3A_789 = tpu.vector_load %arg14[%get3A_786, %get3A_787, %get3A_788] {strides = array<i32>} : memref<2x8x128xi32, #tpu.memory_space<vmem>>, vector<16xi32>,
        %get3A_790 = arith.constant 0 : i32
        %get3A_791 = arith.index_cast %get3A_790 : i32 to index
        %get3A_792 = arith.index_cast %select_n3A_766 : i32 to index
        %get3A_793 = arith.index_cast %mul3A_784 : i32 to index
        %get3A_794 = tpu.vector_load %arg15[%get3A_791, %get3A_792, %get3A_793] {strides = array<i32>} : memref<2x8x128xi32, #tpu.memory_space<vmem>>, vector<16xi32>,
        %rev3A_795 = arith.constant 15 : i32
        %rev3A_796 = vector.broadcast %rev3A_795 : i32 to vector<16xi32>
        %rev3A_797 = tpu.iota {dimensions = array<i32: 0>} : vector<16xi32>
        %rev3A_798 = arith.subi %rev3A_796, %rev3A_797 : vector<16xi32>
        %rev3A_799 = tpu.dynamic_gather %get3A_789[%rev3A_798] in [0] : vector<16xi32>, vector<16xi32> -> vector<16xi32>
        %broadcast_in_dim3A_800 = arith.constant true
        %broadcast_in_dim3A_801 = vector.broadcast %broadcast_in_dim3A_800 : i1 to vector<16xi1>
        %unique3A_802, %unique3A_803 = tpu.scan_count mask(%broadcast_in_dim3A_801 : vector<16xi1>) value(%rev3A_799 : vector<16xi32>) : vector<16xi1>, vector<16xi32>
        %jit3A_804 = arith.constant 1 : i32
        %jit3A_805 = arith.constant 0 : i32
        %broadcast_in_dim3A_806 = vector.broadcast %jit3A_804 : i32 to vector<16xi32>
        %broadcast_in_dim3A_807 = vector.broadcast %jit3A_805 : i32 to vector<16xi32>
        %select_n3A_808 = arith.select %unique3A_802, %broadcast_in_dim3A_806, %broadcast_in_dim3A_807 : vector<16xi1>, vector<16xi32>
        %rev3A_809 = arith.constant 15 : i32
        %rev3A_810 = vector.broadcast %rev3A_809 : i32 to vector<16xi32>
        %rev3A_811 = tpu.iota {dimensions = array<i32: 0>} : vector<16xi32>
        %rev3A_812 = arith.subi %rev3A_810, %rev3A_811 : vector<16xi32>
        %rev3A_813 = tpu.dynamic_gather %select_n3A_808[%rev3A_812] in [0] : vector<16xi32>, vector<16xi32> -> vector<16xi32>
        %eq3A_814 = arith.constant 1 : i32
        %eq3A_815 = vector.broadcast %eq3A_814 : i32 to vector<16xi32>
        %eq3A_816 = arith.cmpi eq, %rev3A_813, %eq3A_815 : vector<16xi32>
        %mul3A_817 = arith.constant 512 : i32
        %mul3A_818 = arith.muli %select_n3A_766, %mul3A_817 : i32
        %add3A_819 = arith.addi %sub3A_340, %mul3A_818 : i32
        %add3A_820 = arith.addi %add3A_819, %mul3A_784 : i32
        %add3A_821 = vector.broadcast %add3A_820 : i32 to vector<16xi32>
        %add3A_822 = arith.addi %add3A_821, %iota3A : vector<16xi32>
        %gather3A_823 = tpu.vector_load_idx %arg11[%get3A_789] : memref<4096xi32, #tpu.memory_space<vmem>>[vector<16xi32>], vector<16xi32>,
        %lt3A_824 = arith.cmpi slt, %add3A_822, %gather3A_823 : vector<16xi32>
        %and3A_825 = arith.andi %eq3A_816, %lt3A_824 : vector<16xi1>
        tpu.vector_store_idx %arg11[%get3A_789], %add3A_822 masked %and3A_825 : memref<4096xi32, #tpu.memory_space<vmem>>[vector<16xi32>], vector<16xi32>, vector<16xi1>
        tpu.vector_store_idx %arg12[%get3A_789], %get3A_794 masked %and3A_825 : memref<4096xi32, #tpu.memory_space<vmem>>[vector<16xi32>], vector<16xi32>, vector<16xi1>
      }
      %scan3A_346 = arith.constant 16 : i32
      %lt3A_347 = arith.constant 31 : i32
      %lt3A_348 = arith.cmpi slt, %scan3A_116, %lt3A_347 : i32
      %convert_element_type3A = arith.extui %lt3A_348 : i1 to i32
      %cond3A = arith.constant 0 : i32
      %cond3A_349 = arith.cmpi ne, %convert_element_type3A, %cond3A : i32
      scf.if %cond3A_349 {
        %add3A_481 = arith.constant 2 : i32
        %add3A_482 = arith.addi %mul3A_118, %add3A_481 : i32
        %mul3A_483 = arith.constant 128 : i32
        %mul3A_484 = arith.muli %select_n3A_30, %mul3A_483 : i32
        %jit3A_485 = arith.constant 4 : i32
        %div3A_486 = arith.divsi %add3A_482, %jit3A_485 : i32
        %sign3A_487 = arith.constant 0 : i32
        %sign3A_488 = arith.cmpi sgt, %add3A_482, %sign3A_487 : i32
        %sign3A_489 = arith.extui %sign3A_488 : i1 to i32
        %sign3A_490 = arith.constant 0 : i32
        %sign3A_491 = arith.cmpi slt, %add3A_482, %sign3A_490 : i32
        %sign3A_492 = arith.extui %sign3A_491 : i1 to i32
        %sign3A_493 = arith.subi %sign3A_489, %sign3A_492 : i32
        %sign3A_494 = arith.constant 0 : i32
        %sign3A_495 = arith.cmpi sgt, %jit3A_485, %sign3A_494 : i32
        %sign3A_496 = arith.extui %sign3A_495 : i1 to i32
        %sign3A_497 = arith.constant 0 : i32
        %sign3A_498 = arith.cmpi slt, %jit3A_485, %sign3A_497 : i32
        %sign3A_499 = arith.extui %sign3A_498 : i1 to i32
        %sign3A_500 = arith.subi %sign3A_496, %sign3A_499 : i32
        %ne3A_501 = arith.cmpi ne, %sign3A_493, %sign3A_500 : i32
        %rem3A_502 = arith.remsi %add3A_482, %jit3A_485 : i32
        %ne3A_503 = arith.constant 0 : i32
        %ne3A_504 = arith.cmpi ne, %rem3A_502, %ne3A_503 : i32
        %and3A_505 = arith.andi %ne3A_501, %ne3A_504 : i1
        %sub3A_506 = arith.constant 1 : i32
        %sub3A_507 = arith.subi %div3A_486, %sub3A_506 : i32
        %select_n3A_508 = arith.select %and3A_505, %sub3A_507, %div3A_486 : i32
        %mul3A_509 = arith.constant 8 : i32
        %mul3A_510 = arith.muli %select_n3A_508, %mul3A_509 : i32
        %add3A_511 = arith.addi %mul3A_484, %mul3A_510 : i32
        %jit3A_512 = arith.constant 4 : i32
        %eq3A_513 = arith.constant 0 : i32
        %eq3A_514 = arith.cmpi eq, %jit3A_512, %eq3A_513 : i32
        %jit3A_515 = arith.constant 1 : i32
        %select_n3A_516 = arith.select %eq3A_514, %jit3A_515, %jit3A_512 : i32
        %rem3A_517 = arith.remsi %add3A_482, %select_n3A_516 : i32
        %ne3A_518 = arith.constant 0 : i32
        %ne3A_519 = arith.cmpi ne, %rem3A_517, %ne3A_518 : i32
        %lt3A_520 = arith.constant 0 : i32
        %lt3A_521 = arith.cmpi slt, %rem3A_517, %lt3A_520 : i32
        %lt3A_522 = arith.constant 0 : i32
        %lt3A_523 = arith.cmpi slt, %select_n3A_516, %lt3A_522 : i32
        %ne3A_524 = arith.xori %lt3A_521, %lt3A_523 : i1
        %and3A_525 = arith.andi %ne3A_524, %ne3A_519 : i1
        %add3A_526 = arith.addi %rem3A_517, %select_n3A_516 : i32
        %select_n3A_527 = arith.select %and3A_525, %add3A_526, %rem3A_517 : i32
        %mul3A_528 = arith.constant 128 : i32
        %mul3A_529 = arith.muli %select_n3A_527, %mul3A_528 : i32
        %dma_start3A_530 = arith.constant 0 : i32
        %dma_start3A_531 = arith.constant 0 : i32
        %dma_start3A_532 = arith.constant 0 : i32
        %dma_start3A_533 = arith.constant 0 : i32
        %dma_start3A_534 = arith.constant 0 : i32
        %dma_start3A_535 = tpu.memref_slice %arg13[%dma_start3A_530, %dma_start3A_532, %dma_start3A_533, %dma_start3A_534] : memref<2x16x8x128xf32, #tpu.memory_space<vmem>> -> memref<1x16x8x128xf32, #tpu.memory_space<vmem>>
        %dma_start3A_536 = tpu.memref_squeeze %dma_start3A_535 : memref<1x16x8x128xf32, #tpu.memory_space<vmem>> -> memref<16x8x128xf32, #tpu.memory_space<vmem>>
        %dma_start3A_537 = arith.constant 0 : i32
        %dma_start3A_538 = tpu.memref_slice %arg2[%select_n3A, %dma_start3A_537, %add3A_511, %mul3A_529] : memref<8x16x512x512xf32, #tpu.memory_space<hbm>> -> memref<1x16x8x128xf32, #tpu.memory_space<hbm>>
        %dma_start3A_539 = tpu.memref_squeeze %dma_start3A_538 : memref<1x16x8x128xf32, #tpu.memory_space<hbm>> -> memref<16x8x128xf32, #tpu.memory_space<hbm>>
        %dma_start3A_540 = tpu.memref_slice %arg16[%dma_start3A_531] : memref<2x!tpu.dma_semaphore, #tpu.memory_space<semaphore_mem>> -> memref<1x!tpu.dma_semaphore, #tpu.memory_space<semaphore_mem>>
        %dma_start3A_541 = tpu.memref_squeeze %dma_start3A_540 : memref<1x!tpu.dma_semaphore, #tpu.memory_space<semaphore_mem>> -> memref<!tpu.dma_semaphore, #tpu.memory_space<semaphore_mem>>
        %dma_start3A_542 = arith.constant 0 : i32
        %dma_start3A_543 = arith.constant 0 : i32
        %dma_start3A_544 = arith.constant 0 : i32
        %dma_start3A_545 = tpu.memref_slice %arg13[%dma_start3A_530, %dma_start3A_542, %dma_start3A_543, %dma_start3A_544] : memref<2x16x8x128xf32, #tpu.memory_space<vmem>> -> memref<1x16x8x128xf32, #tpu.memory_space<vmem>>
        %dma_start3A_546 = tpu.memref_squeeze %dma_start3A_545 : memref<1x16x8x128xf32, #tpu.memory_space<vmem>> -> memref<16x8x128xf32, #tpu.memory_space<vmem>>
        %dma_start3A_547 = arith.constant 0 : i32
        %dma_start3A_548 = tpu.memref_slice %arg2[%select_n3A, %dma_start3A_547, %add3A_511, %mul3A_529] : memref<8x16x512x512xf32, #tpu.memory_space<hbm>> -> memref<1x16x8x128xf32, #tpu.memory_space<hbm>>
        %dma_start3A_549 = tpu.memref_squeeze %dma_start3A_548 : memref<1x16x8x128xf32, #tpu.memory_space<hbm>> -> memref<16x8x128xf32, #tpu.memory_space<hbm>>
        tpu.enqueue_dma source(%dma_start3A_549 : memref<16x8x128xf32, #tpu.memory_space<hbm>>) target(%dma_start3A_546 : memref<16x8x128xf32, #tpu.memory_space<vmem>>) target_semaphore(%dma_start3A_541 : memref<!tpu.dma_semaphore, #tpu.memory_space<semaphore_mem>>)
        %dma_start3A_550 = arith.constant 0 : i32
        %dma_start3A_551 = arith.constant 0 : i32
        %dma_start3A_552 = arith.constant 0 : i32
        %dma_start3A_553 = arith.constant 0 : i32
        %dma_start3A_554 = tpu.memref_slice %arg14[%dma_start3A_550, %dma_start3A_552, %dma_start3A_553] : memref<2x8x128xi32, #tpu.memory_space<vmem>> -> memref<1x8x128xi32, #tpu.memory_space<vmem>>
        %dma_start3A_555 = tpu.memref_squeeze %dma_start3A_554 : memref<1x8x128xi32, #tpu.memory_space<vmem>> -> memref<8x128xi32, #tpu.memory_space<vmem>>
        %dma_start3A_556 = tpu.memref_slice %arg3[%select_n3A, %add3A_511, %mul3A_529] : memref<8x512x512xi32, #tpu.memory_space<hbm>> -> memref<1x8x128xi32, #tpu.memory_space<hbm>>
        %dma_start3A_557 = tpu.memref_squeeze %dma_start3A_556 : memref<1x8x128xi32, #tpu.memory_space<hbm>> -> memref<8x128xi32, #tpu.memory_space<hbm>>
        %dma_start3A_558 = tpu.memref_slice %arg16[%dma_start3A_551] : memref<2x!tpu.dma_semaphore, #tpu.memory_space<semaphore_mem>> -> memref<1x!tpu.dma_semaphore, #tpu.memory_space<semaphore_mem>>
        %dma_start3A_559 = tpu.memref_squeeze %dma_start3A_558 : memref<1x!tpu.dma_semaphore, #tpu.memory_space<semaphore_mem>> -> memref<!tpu.dma_semaphore, #tpu.memory_space<semaphore_mem>>
        %dma_start3A_560 = arith.constant 0 : i32
        %dma_start3A_561 = arith.constant 0 : i32
        %dma_start3A_562 = tpu.memref_slice %arg14[%dma_start3A_550, %dma_start3A_560, %dma_start3A_561] : memref<2x8x128xi32, #tpu.memory_space<vmem>> -> memref<1x8x128xi32, #tpu.memory_space<vmem>>
        %dma_start3A_563 = tpu.memref_squeeze %dma_start3A_562 : memref<1x8x128xi32, #tpu.memory_space<vmem>> -> memref<8x128xi32, #tpu.memory_space<vmem>>
        %dma_start3A_564 = tpu.memref_slice %arg3[%select_n3A, %add3A_511, %mul3A_529] : memref<8x512x512xi32, #tpu.memory_space<hbm>> -> memref<1x8x128xi32, #tpu.memory_space<hbm>>
        %dma_start3A_565 = tpu.memref_squeeze %dma_start3A_564 : memref<1x8x128xi32, #tpu.memory_space<hbm>> -> memref<8x128xi32, #tpu.memory_space<hbm>>
        tpu.enqueue_dma source(%dma_start3A_565 : memref<8x128xi32, #tpu.memory_space<hbm>>) target(%dma_start3A_563 : memref<8x128xi32, #tpu.memory_space<vmem>>) target_semaphore(%dma_start3A_559 : memref<!tpu.dma_semaphore, #tpu.memory_space<semaphore_mem>>)
        %dma_start3A_566 = arith.constant 0 : i32
        %dma_start3A_567 = arith.constant 0 : i32
        %dma_start3A_568 = arith.constant 0 : i32
        %dma_start3A_569 = arith.constant 0 : i32
        %dma_start3A_570 = tpu.memref_slice %arg15[%dma_start3A_566, %dma_start3A_568, %dma_start3A_569] : memref<2x8x128xi32, #tpu.memory_space<vmem>> -> memref<1x8x128xi32, #tpu.memory_space<vmem>>
        %dma_start3A_571 = tpu.memref_squeeze %dma_start3A_570 : memref<1x8x128xi32, #tpu.memory_space<vmem>> -> memref<8x128xi32, #tpu.memory_space<vmem>>
        %dma_start3A_572 = tpu.memref_slice %arg4[%select_n3A, %add3A_511, %mul3A_529] : memref<8x512x512xi32, #tpu.memory_space<hbm>> -> memref<1x8x128xi32, #tpu.memory_space<hbm>>
        %dma_start3A_573 = tpu.memref_squeeze %dma_start3A_572 : memref<1x8x128xi32, #tpu.memory_space<hbm>> -> memref<8x128xi32, #tpu.memory_space<hbm>>
        %dma_start3A_574 = tpu.memref_slice %arg16[%dma_start3A_567] : memref<2x!tpu.dma_semaphore, #tpu.memory_space<semaphore_mem>> -> memref<1x!tpu.dma_semaphore, #tpu.memory_space<semaphore_mem>>
        %dma_start3A_575 = tpu.memref_squeeze %dma_start3A_574 : memref<1x!tpu.dma_semaphore, #tpu.memory_space<semaphore_mem>> -> memref<!tpu.dma_semaphore, #tpu.memory_space<semaphore_mem>>
        %dma_start3A_576 = arith.constant 0 : i32
        %dma_start3A_577 = arith.constant 0 : i32
        %dma_start3A_578 = tpu.memref_slice %arg15[%dma_start3A_566, %dma_start3A_576, %dma_start3A_577] : memref<2x8x128xi32, #tpu.memory_space<vmem>> -> memref<1x8x128xi32, #tpu.memory_space<vmem>>
        %dma_start3A_579 = tpu.memref_squeeze %dma_start3A_578 : memref<1x8x128xi32, #tpu.memory_space<vmem>> -> memref<8x128xi32, #tpu.memory_space<vmem>>
        %dma_start3A_580 = tpu.memref_slice %arg4[%select_n3A, %add3A_511, %mul3A_529] : memref<8x512x512xi32, #tpu.memory_space<hbm>> -> memref<1x8x128xi32, #tpu.memory_space<hbm>>
        %dma_start3A_581 = tpu.memref_squeeze %dma_start3A_580 : memref<1x8x128xi32, #tpu.memory_space<hbm>> -> memref<8x128xi32, #tpu.memory_space<hbm>>
        tpu.enqueue_dma source(%dma_start3A_581 : memref<8x128xi32, #tpu.memory_space<hbm>>) target(%dma_start3A_579 : memref<8x128xi32, #tpu.memory_space<vmem>>) target_semaphore(%dma_start3A_575 : memref<!tpu.dma_semaphore, #tpu.memory_space<semaphore_mem>>)
      } else {
      }
      %dma_wait3A_350 = arith.constant 0 : i32
      %dma_wait3A_351 = arith.constant 1 : i32
      %dma_wait3A_352 = arith.constant 1 : i32
      %dma_wait3A_353 = arith.constant 0 : i32
      %dma_wait3A_354 = arith.constant 0 : i32
      %dma_wait3A_355 = arith.constant 0 : i32
      %dma_wait3A_356 = tpu.memref_slice %arg13[%dma_wait3A_351, %dma_wait3A_353, %dma_wait3A_354, %dma_wait3A_355] : memref<2x16x8x128xf32, #tpu.memory_space<vmem>> -> memref<1x16x8x128xf32, #tpu.memory_space<vmem>>
      %dma_wait3A_357 = tpu.memref_squeeze %dma_wait3A_356 : memref<1x16x8x128xf32, #tpu.memory_space<vmem>> -> memref<16x8x128xf32, #tpu.memory_space<vmem>>
      %dma_wait3A_358 = arith.constant 0 : i32
      %dma_wait3A_359 = arith.constant 0 : i32
      %dma_wait3A_360 = arith.constant 0 : i32
      %dma_wait3A_361 = tpu.memref_slice %arg2[%dma_wait3A_350, %dma_wait3A_358, %dma_wait3A_359, %dma_wait3A_360] : memref<8x16x512x512xf32, #tpu.memory_space<hbm>> -> memref<1x16x8x128xf32, #tpu.memory_space<hbm>>
      %dma_wait3A_362 = tpu.memref_squeeze %dma_wait3A_361 : memref<1x16x8x128xf32, #tpu.memory_space<hbm>> -> memref<16x8x128xf32, #tpu.memory_space<hbm>>
      %dma_wait3A_363 = tpu.memref_slice %arg16[%dma_wait3A_352] : memref<2x!tpu.dma_semaphore, #tpu.memory_space<semaphore_mem>> -> memref<1x!tpu.dma_semaphore, #tpu.memory_space<semaphore_mem>>
      %dma_wait3A_364 = tpu.memref_squeeze %dma_wait3A_363 : memref<1x!tpu.dma_semaphore, #tpu.memory_space<semaphore_mem>> -> memref<!tpu.dma_semaphore, #tpu.memory_space<semaphore_mem>>
      %dma_wait3A_365 = arith.constant 0 : i32
      %dma_wait3A_366 = arith.constant 0 : i32
      %dma_wait3A_367 = arith.constant 0 : i32
      %dma_wait3A_368 = tpu.memref_slice %arg13[%dma_wait3A_351, %dma_wait3A_365, %dma_wait3A_366, %dma_wait3A_367] : memref<2x16x8x128xf32, #tpu.memory_space<vmem>> -> memref<1x16x8x128xf32, #tpu.memory_space<vmem>>
      %dma_wait3A_369 = tpu.memref_squeeze %dma_wait3A_368 : memref<1x16x8x128xf32, #tpu.memory_space<vmem>> -> memref<16x8x128xf32, #tpu.memory_space<vmem>>
      %dma_wait3A_370 = arith.constant 0 : i32
      %dma_wait3A_371 = arith.constant 0 : i32
      %dma_wait3A_372 = arith.constant 0 : i32
      %dma_wait3A_373 = tpu.memref_slice %arg2[%dma_wait3A_350, %dma_wait3A_370, %dma_wait3A_371, %dma_wait3A_372] : memref<8x16x512x512xf32, #tpu.memory_space<hbm>> -> memref<1x16x8x128xf32, #tpu.memory_space<hbm>>
      %dma_wait3A_374 = tpu.memref_squeeze %dma_wait3A_373 : memref<1x16x8x128xf32, #tpu.memory_space<hbm>> -> memref<16x8x128xf32, #tpu.memory_space<hbm>>
      tpu.wait_dma2 semaphore(%dma_wait3A_364 : memref<!tpu.dma_semaphore, #tpu.memory_space<semaphore_mem>>) src(%dma_wait3A_374 : memref<16x8x128xf32, #tpu.memory_space<hbm>>) dst(%dma_wait3A_369 : memref<16x8x128xf32, #tpu.memory_space<vmem>>)
      %dma_wait3A_375 = arith.constant 0 : i32
      %dma_wait3A_376 = arith.constant 1 : i32
      %dma_wait3A_377 = arith.constant 1 : i32
      %dma_wait3A_378 = arith.constant 0 : i32
      %dma_wait3A_379 = arith.constant 0 : i32
      %dma_wait3A_380 = tpu.memref_slice %arg14[%dma_wait3A_376, %dma_wait3A_378, %dma_wait3A_379] : memref<2x8x128xi32, #tpu.memory_space<vmem>> -> memref<1x8x128xi32, #tpu.memory_space<vmem>>
      %dma_wait3A_381 = tpu.memref_squeeze %dma_wait3A_380 : memref<1x8x128xi32, #tpu.memory_space<vmem>> -> memref<8x128xi32, #tpu.memory_space<vmem>>
      %dma_wait3A_382 = arith.constant 0 : i32
      %dma_wait3A_383 = arith.constant 0 : i32
      %dma_wait3A_384 = tpu.memref_slice %arg3[%dma_wait3A_375, %dma_wait3A_382, %dma_wait3A_383] : memref<8x512x512xi32, #tpu.memory_space<hbm>> -> memref<1x8x128xi32, #tpu.memory_space<hbm>>
      %dma_wait3A_385 = tpu.memref_squeeze %dma_wait3A_384 : memref<1x8x128xi32, #tpu.memory_space<hbm>> -> memref<8x128xi32, #tpu.memory_space<hbm>>
      %dma_wait3A_386 = tpu.memref_slice %arg16[%dma_wait3A_377] : memref<2x!tpu.dma_semaphore, #tpu.memory_space<semaphore_mem>> -> memref<1x!tpu.dma_semaphore, #tpu.memory_space<semaphore_mem>>
      %dma_wait3A_387 = tpu.memref_squeeze %dma_wait3A_386 : memref<1x!tpu.dma_semaphore, #tpu.memory_space<semaphore_mem>> -> memref<!tpu.dma_semaphore, #tpu.memory_space<semaphore_mem>>
      %dma_wait3A_388 = arith.constant 0 : i32
      %dma_wait3A_389 = arith.constant 0 : i32
      %dma_wait3A_390 = tpu.memref_slice %arg14[%dma_wait3A_376, %dma_wait3A_388, %dma_wait3A_389] : memref<2x8x128xi32, #tpu.memory_space<vmem>> -> memref<1x8x128xi32, #tpu.memory_space<vmem>>
      %dma_wait3A_391 = tpu.memref_squeeze %dma_wait3A_390 : memref<1x8x128xi32, #tpu.memory_space<vmem>> -> memref<8x128xi32, #tpu.memory_space<vmem>>
      %dma_wait3A_392 = arith.constant 0 : i32
      %dma_wait3A_393 = arith.constant 0 : i32
      %dma_wait3A_394 = tpu.memref_slice %arg3[%dma_wait3A_375, %dma_wait3A_392, %dma_wait3A_393] : memref<8x512x512xi32, #tpu.memory_space<hbm>> -> memref<1x8x128xi32, #tpu.memory_space<hbm>>
      %dma_wait3A_395 = tpu.memref_squeeze %dma_wait3A_394 : memref<1x8x128xi32, #tpu.memory_space<hbm>> -> memref<8x128xi32, #tpu.memory_space<hbm>>
      tpu.wait_dma2 semaphore(%dma_wait3A_387 : memref<!tpu.dma_semaphore, #tpu.memory_space<semaphore_mem>>) src(%dma_wait3A_395 : memref<8x128xi32, #tpu.memory_space<hbm>>) dst(%dma_wait3A_391 : memref<8x128xi32, #tpu.memory_space<vmem>>)
      %dma_wait3A_396 = arith.constant 0 : i32
      %dma_wait3A_397 = arith.constant 1 : i32
      %dma_wait3A_398 = arith.constant 1 : i32
      %dma_wait3A_399 = arith.constant 0 : i32
      %dma_wait3A_400 = arith.constant 0 : i32
      %dma_wait3A_401 = tpu.memref_slice %arg15[%dma_wait3A_397, %dma_wait3A_399, %dma_wait3A_400] : memref<2x8x128xi32, #tpu.memory_space<vmem>> -> memref<1x8x128xi32, #tpu.memory_space<vmem>>
      %dma_wait3A_402 = tpu.memref_squeeze %dma_wait3A_401 : memref<1x8x128xi32, #tpu.memory_space<vmem>> -> memref<8x128xi32, #tpu.memory_space<vmem>>
      %dma_wait3A_403 = arith.constant 0 : i32
      %dma_wait3A_404 = arith.constant 0 : i32
      %dma_wait3A_405 = tpu.memref_slice %arg4[%dma_wait3A_396, %dma_wait3A_403, %dma_wait3A_404] : memref<8x512x512xi32, #tpu.memory_space<hbm>> -> memref<1x8x128xi32, #tpu.memory_space<hbm>>
      %dma_wait3A_406 = tpu.memref_squeeze %dma_wait3A_405 : memref<1x8x128xi32, #tpu.memory_space<hbm>> -> memref<8x128xi32, #tpu.memory_space<hbm>>
      %dma_wait3A_407 = tpu.memref_slice %arg16[%dma_wait3A_398] : memref<2x!tpu.dma_semaphore, #tpu.memory_space<semaphore_mem>> -> memref<1x!tpu.dma_semaphore, #tpu.memory_space<semaphore_mem>>
      %dma_wait3A_408 = tpu.memref_squeeze %dma_wait3A_407 : memref<1x!tpu.dma_semaphore, #tpu.memory_space<semaphore_mem>> -> memref<!tpu.dma_semaphore, #tpu.memory_space<semaphore_mem>>
      %dma_wait3A_409 = arith.constant 0 : i32
      %dma_wait3A_410 = arith.constant 0 : i32
      %dma_wait3A_411 = tpu.memref_slice %arg15[%dma_wait3A_397, %dma_wait3A_409, %dma_wait3A_410] : memref<2x8x128xi32, #tpu.memory_space<vmem>> -> memref<1x8x128xi32, #tpu.memory_space<vmem>>
      %dma_wait3A_412 = tpu.memref_squeeze %dma_wait3A_411 : memref<1x8x128xi32, #tpu.memory_space<vmem>> -> memref<8x128xi32, #tpu.memory_space<vmem>>
      %dma_wait3A_413 = arith.constant 0 : i32
      %dma_wait3A_414 = arith.constant 0 : i32
      %dma_wait3A_415 = tpu.memref_slice %arg4[%dma_wait3A_396, %dma_wait3A_413, %dma_wait3A_414] : memref<8x512x512xi32, #tpu.memory_space<hbm>> -> memref<1x8x128xi32, #tpu.memory_space<hbm>>
      %dma_wait3A_416 = tpu.memref_squeeze %dma_wait3A_415 : memref<1x8x128xi32, #tpu.memory_space<hbm>> -> memref<8x128xi32, #tpu.memory_space<hbm>>
      tpu.wait_dma2 semaphore(%dma_wait3A_408 : memref<!tpu.dma_semaphore, #tpu.memory_space<semaphore_mem>>) src(%dma_wait3A_416 : memref<8x128xi32, #tpu.memory_space<hbm>>) dst(%dma_wait3A_412 : memref<8x128xi32, #tpu.memory_space<vmem>>)
      %add3A_417 = arith.constant 1 : i32
      %add3A_418 = arith.addi %mul3A_118, %add3A_417 : i32
      %parallel_loop3A_419 = arith.constant 0 : i32
      %parallel_loop3A_420 = arith.constant 64 : i32
      %parallel_loop3A_421 = arith.constant 1 : i32
      scf.for %parallel_loop3A_481 = %parallel_loop3A_419 to %parallel_loop3A_420 step %parallel_loop3A_421  : i32 {
        %parallel_loop3A_482 = arith.constant 8 : i32
        %parallel_loop3A_483 = arith.divsi %parallel_loop3A_481, %parallel_loop3A_482 : i32
        %parallel_loop3A_484 = arith.constant 0 : i32
        %parallel_loop3A_485 = arith.cmpi sgt, %parallel_loop3A_481, %parallel_loop3A_484 : i32
        %parallel_loop3A_486 = arith.extui %parallel_loop3A_485 : i1 to i32
        %parallel_loop3A_487 = arith.constant 0 : i32
        %parallel_loop3A_488 = arith.cmpi slt, %parallel_loop3A_481, %parallel_loop3A_487 : i32
        %parallel_loop3A_489 = arith.extui %parallel_loop3A_488 : i1 to i32
        %parallel_loop3A_490 = arith.subi %parallel_loop3A_486, %parallel_loop3A_489 : i32
        %parallel_loop3A_491 = arith.constant 0 : i32
        %parallel_loop3A_492 = arith.cmpi sgt, %parallel_loop3A_482, %parallel_loop3A_491 : i32
        %parallel_loop3A_493 = arith.extui %parallel_loop3A_492 : i1 to i32
        %parallel_loop3A_494 = arith.constant 0 : i32
        %parallel_loop3A_495 = arith.cmpi slt, %parallel_loop3A_482, %parallel_loop3A_494 : i32
        %parallel_loop3A_496 = arith.extui %parallel_loop3A_495 : i1 to i32
        %parallel_loop3A_497 = arith.subi %parallel_loop3A_493, %parallel_loop3A_496 : i32
        %parallel_loop3A_498 = arith.cmpi ne, %parallel_loop3A_490, %parallel_loop3A_497 : i32
        %parallel_loop3A_499 = arith.remsi %parallel_loop3A_481, %parallel_loop3A_482 : i32
        %parallel_loop3A_500 = arith.constant 0 : i32
        %parallel_loop3A_501 = arith.cmpi ne, %parallel_loop3A_499, %parallel_loop3A_500 : i32
        %parallel_loop3A_502 = arith.andi %parallel_loop3A_498, %parallel_loop3A_501 : i1
        %parallel_loop3A_503 = arith.constant 1 : i32
        %parallel_loop3A_504 = arith.subi %parallel_loop3A_483, %parallel_loop3A_503 : i32
        %parallel_loop3A_505 = arith.select %parallel_loop3A_502, %parallel_loop3A_504, %parallel_loop3A_483 : i32
        %parallel_loop3A_506 = arith.constant 8 : i32
        %parallel_loop3A_507 = arith.constant 0 : i32
        %parallel_loop3A_508 = arith.cmpi eq, %parallel_loop3A_506, %parallel_loop3A_507 : i32
        %parallel_loop3A_509 = arith.constant 1 : i32
        %parallel_loop3A_510 = arith.select %parallel_loop3A_508, %parallel_loop3A_509, %parallel_loop3A_506 : i32
        %parallel_loop3A_511 = arith.remsi %parallel_loop3A_481, %parallel_loop3A_510 : i32
        %parallel_loop3A_512 = arith.constant 0 : i32
        %parallel_loop3A_513 = arith.cmpi ne, %parallel_loop3A_511, %parallel_loop3A_512 : i32
        %parallel_loop3A_514 = arith.constant 0 : i32
        %parallel_loop3A_515 = arith.cmpi slt, %parallel_loop3A_511, %parallel_loop3A_514 : i32
        %parallel_loop3A_516 = arith.constant 0 : i32
        %parallel_loop3A_517 = arith.cmpi slt, %parallel_loop3A_510, %parallel_loop3A_516 : i32
        %parallel_loop3A_518 = arith.xori %parallel_loop3A_515, %parallel_loop3A_517 : i1
        %parallel_loop3A_519 = arith.andi %parallel_loop3A_518, %parallel_loop3A_513 : i1
        %parallel_loop3A_520 = arith.addi %parallel_loop3A_511, %parallel_loop3A_510 : i32
        %parallel_loop3A_521 = arith.select %parallel_loop3A_519, %parallel_loop3A_520, %parallel_loop3A_511 : i32
        %parallel_loop3A_522 = arith.constant 16 : i32
        %parallel_loop3A_523 = arith.muli %parallel_loop3A_521, %parallel_loop3A_522 : i32
        %parallel_loop3A_524 = arith.constant 1 : i32
        %parallel_loop3A_525 = arith.index_cast %parallel_loop3A_524 : i32 to index
        %parallel_loop3A_526 = arith.index_cast %parallel_loop3A_505 : i32 to index
        %parallel_loop3A_527 = arith.index_cast %parallel_loop3A_523 : i32 to index
        %parallel_loop3A_528 = tpu.vector_load %arg14[%parallel_loop3A_525, %parallel_loop3A_526, %parallel_loop3A_527] {strides = array<i32>} : memref<2x8x128xi32, #tpu.memory_space<vmem>>, vector<16xi32>,
        tpu.vector_store_idx %arg10[%parallel_loop3A_528], %broadcast_in_dim3A_31 {add = true} : memref<4096xf32, #tpu.memory_space<vmem>>[vector<16xi32>], vector<16xf32>,
        %parallel_loop3A_529 = arith.constant 1 : i32
        %parallel_loop3A_530 = arith.constant 0 : i32
        %parallel_loop3A_531 = arith.index_cast %parallel_loop3A_529 : i32 to index
        %parallel_loop3A_532 = arith.index_cast %parallel_loop3A_530 : i32 to index
        %parallel_loop3A_533 = arith.index_cast %parallel_loop3A_505 : i32 to index
        %parallel_loop3A_534 = arith.index_cast %parallel_loop3A_523 : i32 to index
        %parallel_loop3A_535 = tpu.vector_load %arg13[%parallel_loop3A_531, %parallel_loop3A_532, %parallel_loop3A_533, %parallel_loop3A_534] {strides = array<i32>} : memref<2x16x8x128xf32, #tpu.memory_space<vmem>>, vector<16xf32>,
        %parallel_loop3A_536 = arith.constant 0 : i32
        %parallel_loop3A_537 = vector.broadcast %parallel_loop3A_536 : i32 to vector<16xi32>
        tpu.vector_store_idx %arg9[%parallel_loop3A_537, %parallel_loop3A_528], %parallel_loop3A_535 {add = true} : memref<16x4096xf32, #tpu.memory_space<vmem>>[vector<16xi32>, vector<16xi32>], vector<16xf32>,
        %parallel_loop3A_538 = arith.constant 1 : i32
        %parallel_loop3A_539 = arith.constant 1 : i32
        %parallel_loop3A_540 = arith.index_cast %parallel_loop3A_538 : i32 to index
        %parallel_loop3A_541 = arith.index_cast %parallel_loop3A_539 : i32 to index
        %parallel_loop3A_542 = arith.index_cast %parallel_loop3A_505 : i32 to index
        %parallel_loop3A_543 = arith.index_cast %parallel_loop3A_523 : i32 to index
        %parallel_loop3A_544 = tpu.vector_load %arg13[%parallel_loop3A_540, %parallel_loop3A_541, %parallel_loop3A_542, %parallel_loop3A_543] {strides = array<i32>} : memref<2x16x8x128xf32, #tpu.memory_space<vmem>>, vector<16xf32>,
        %parallel_loop3A_545 = arith.constant 1 : i32
        %parallel_loop3A_546 = vector.broadcast %parallel_loop3A_545 : i32 to vector<16xi32>
        tpu.vector_store_idx %arg9[%parallel_loop3A_546, %parallel_loop3A_528], %parallel_loop3A_544 {add = true} : memref<16x4096xf32, #tpu.memory_space<vmem>>[vector<16xi32>, vector<16xi32>], vector<16xf32>,
        %parallel_loop3A_547 = arith.constant 1 : i32
        %parallel_loop3A_548 = arith.constant 2 : i32
        %parallel_loop3A_549 = arith.index_cast %parallel_loop3A_547 : i32 to index
        %parallel_loop3A_550 = arith.index_cast %parallel_loop3A_548 : i32 to index
        %parallel_loop3A_551 = arith.index_cast %parallel_loop3A_505 : i32 to index
        %parallel_loop3A_552 = arith.index_cast %parallel_loop3A_523 : i32 to index
        %parallel_loop3A_553 = tpu.vector_load %arg13[%parallel_loop3A_549, %parallel_loop3A_550, %parallel_loop3A_551, %parallel_loop3A_552] {strides = array<i32>} : memref<2x16x8x128xf32, #tpu.memory_space<vmem>>, vector<16xf32>,
        %parallel_loop3A_554 = arith.constant 2 : i32
        %parallel_loop3A_555 = vector.broadcast %parallel_loop3A_554 : i32 to vector<16xi32>
        tpu.vector_store_idx %arg9[%parallel_loop3A_555, %parallel_loop3A_528], %parallel_loop3A_553 {add = true} : memref<16x4096xf32, #tpu.memory_space<vmem>>[vector<16xi32>, vector<16xi32>], vector<16xf32>,
        %parallel_loop3A_556 = arith.constant 1 : i32
        %parallel_loop3A_557 = arith.constant 3 : i32
        %parallel_loop3A_558 = arith.index_cast %parallel_loop3A_556 : i32 to index
        %parallel_loop3A_559 = arith.index_cast %parallel_loop3A_557 : i32 to index
        %parallel_loop3A_560 = arith.index_cast %parallel_loop3A_505 : i32 to index
        %parallel_loop3A_561 = arith.index_cast %parallel_loop3A_523 : i32 to index
        %parallel_loop3A_562 = tpu.vector_load %arg13[%parallel_loop3A_558, %parallel_loop3A_559, %parallel_loop3A_560, %parallel_loop3A_561] {strides = array<i32>} : memref<2x16x8x128xf32, #tpu.memory_space<vmem>>, vector<16xf32>,
        %parallel_loop3A_563 = arith.constant 3 : i32
        %parallel_loop3A_564 = vector.broadcast %parallel_loop3A_563 : i32 to vector<16xi32>
        tpu.vector_store_idx %arg9[%parallel_loop3A_564, %parallel_loop3A_528], %parallel_loop3A_562 {add = true} : memref<16x4096xf32, #tpu.memory_space<vmem>>[vector<16xi32>, vector<16xi32>], vector<16xf32>,
        %parallel_loop3A_565 = arith.constant 1 : i32
        %parallel_loop3A_566 = arith.constant 4 : i32
        %parallel_loop3A_567 = arith.index_cast %parallel_loop3A_565 : i32 to index
        %parallel_loop3A_568 = arith.index_cast %parallel_loop3A_566 : i32 to index
        %parallel_loop3A_569 = arith.index_cast %parallel_loop3A_505 : i32 to index
        %parallel_loop3A_570 = arith.index_cast %parallel_loop3A_523 : i32 to index
        %parallel_loop3A_571 = tpu.vector_load %arg13[%parallel_loop3A_567, %parallel_loop3A_568, %parallel_loop3A_569, %parallel_loop3A_570] {strides = array<i32>} : memref<2x16x8x128xf32, #tpu.memory_space<vmem>>, vector<16xf32>,
        %parallel_loop3A_572 = arith.constant 4 : i32
        %parallel_loop3A_573 = vector.broadcast %parallel_loop3A_572 : i32 to vector<16xi32>
        tpu.vector_store_idx %arg9[%parallel_loop3A_573, %parallel_loop3A_528], %parallel_loop3A_571 {add = true} : memref<16x4096xf32, #tpu.memory_space<vmem>>[vector<16xi32>, vector<16xi32>], vector<16xf32>,
        %parallel_loop3A_574 = arith.constant 1 : i32
        %parallel_loop3A_575 = arith.constant 5 : i32
        %parallel_loop3A_576 = arith.index_cast %parallel_loop3A_574 : i32 to index
        %parallel_loop3A_577 = arith.index_cast %parallel_loop3A_575 : i32 to index
        %parallel_loop3A_578 = arith.index_cast %parallel_loop3A_505 : i32 to index
        %parallel_loop3A_579 = arith.index_cast %parallel_loop3A_523 : i32 to index
        %parallel_loop3A_580 = tpu.vector_load %arg13[%parallel_loop3A_576, %parallel_loop3A_577, %parallel_loop3A_578, %parallel_loop3A_579] {strides = array<i32>} : memref<2x16x8x128xf32, #tpu.memory_space<vmem>>, vector<16xf32>,
        %parallel_loop3A_581 = arith.constant 5 : i32
        %parallel_loop3A_582 = vector.broadcast %parallel_loop3A_581 : i32 to vector<16xi32>
        tpu.vector_store_idx %arg9[%parallel_loop3A_582, %parallel_loop3A_528], %parallel_loop3A_580 {add = true} : memref<16x4096xf32, #tpu.memory_space<vmem>>[vector<16xi32>, vector<16xi32>], vector<16xf32>,
        %parallel_loop3A_583 = arith.constant 1 : i32
        %parallel_loop3A_584 = arith.constant 6 : i32
        %parallel_loop3A_585 = arith.index_cast %parallel_loop3A_583 : i32 to index
        %parallel_loop3A_586 = arith.index_cast %parallel_loop3A_584 : i32 to index
        %parallel_loop3A_587 = arith.index_cast %parallel_loop3A_505 : i32 to index
        %parallel_loop3A_588 = arith.index_cast %parallel_loop3A_523 : i32 to index
        %parallel_loop3A_589 = tpu.vector_load %arg13[%parallel_loop3A_585, %parallel_loop3A_586, %parallel_loop3A_587, %parallel_loop3A_588] {strides = array<i32>} : memref<2x16x8x128xf32, #tpu.memory_space<vmem>>, vector<16xf32>,
        %parallel_loop3A_590 = arith.constant 6 : i32
        %parallel_loop3A_591 = vector.broadcast %parallel_loop3A_590 : i32 to vector<16xi32>
        tpu.vector_store_idx %arg9[%parallel_loop3A_591, %parallel_loop3A_528], %parallel_loop3A_589 {add = true} : memref<16x4096xf32, #tpu.memory_space<vmem>>[vector<16xi32>, vector<16xi32>], vector<16xf32>,
        %parallel_loop3A_592 = arith.constant 1 : i32
        %parallel_loop3A_593 = arith.constant 7 : i32
        %parallel_loop3A_594 = arith.index_cast %parallel_loop3A_592 : i32 to index
        %parallel_loop3A_595 = arith.index_cast %parallel_loop3A_593 : i32 to index
        %parallel_loop3A_596 = arith.index_cast %parallel_loop3A_505 : i32 to index
        %parallel_loop3A_597 = arith.index_cast %parallel_loop3A_523 : i32 to index
        %parallel_loop3A_598 = tpu.vector_load %arg13[%parallel_loop3A_594, %parallel_loop3A_595, %parallel_loop3A_596, %parallel_loop3A_597] {strides = array<i32>} : memref<2x16x8x128xf32, #tpu.memory_space<vmem>>, vector<16xf32>,
        %parallel_loop3A_599 = arith.constant 7 : i32
        %parallel_loop3A_600 = vector.broadcast %parallel_loop3A_599 : i32 to vector<16xi32>
        tpu.vector_store_idx %arg9[%parallel_loop3A_600, %parallel_loop3A_528], %parallel_loop3A_598 {add = true} : memref<16x4096xf32, #tpu.memory_space<vmem>>[vector<16xi32>, vector<16xi32>], vector<16xf32>,
        %parallel_loop3A_601 = arith.constant 1 : i32
        %parallel_loop3A_602 = arith.constant 8 : i32
        %parallel_loop3A_603 = arith.index_cast %parallel_loop3A_601 : i32 to index
        %parallel_loop3A_604 = arith.index_cast %parallel_loop3A_602 : i32 to index
        %parallel_loop3A_605 = arith.index_cast %parallel_loop3A_505 : i32 to index
        %parallel_loop3A_606 = arith.index_cast %parallel_loop3A_523 : i32 to index
        %parallel_loop3A_607 = tpu.vector_load %arg13[%parallel_loop3A_603, %parallel_loop3A_604, %parallel_loop3A_605, %parallel_loop3A_606] {strides = array<i32>} : memref<2x16x8x128xf32, #tpu.memory_space<vmem>>, vector<16xf32>,
        %parallel_loop3A_608 = arith.constant 8 : i32
        %parallel_loop3A_609 = vector.broadcast %parallel_loop3A_608 : i32 to vector<16xi32>
        tpu.vector_store_idx %arg9[%parallel_loop3A_609, %parallel_loop3A_528], %parallel_loop3A_607 {add = true} : memref<16x4096xf32, #tpu.memory_space<vmem>>[vector<16xi32>, vector<16xi32>], vector<16xf32>,
        %parallel_loop3A_610 = arith.constant 1 : i32
        %parallel_loop3A_611 = arith.constant 9 : i32
        %parallel_loop3A_612 = arith.index_cast %parallel_loop3A_610 : i32 to index
        %parallel_loop3A_613 = arith.index_cast %parallel_loop3A_611 : i32 to index
        %parallel_loop3A_614 = arith.index_cast %parallel_loop3A_505 : i32 to index
        %parallel_loop3A_615 = arith.index_cast %parallel_loop3A_523 : i32 to index
        %parallel_loop3A_616 = tpu.vector_load %arg13[%parallel_loop3A_612, %parallel_loop3A_613, %parallel_loop3A_614, %parallel_loop3A_615] {strides = array<i32>} : memref<2x16x8x128xf32, #tpu.memory_space<vmem>>, vector<16xf32>,
        %parallel_loop3A_617 = arith.constant 9 : i32
        %parallel_loop3A_618 = vector.broadcast %parallel_loop3A_617 : i32 to vector<16xi32>
        tpu.vector_store_idx %arg9[%parallel_loop3A_618, %parallel_loop3A_528], %parallel_loop3A_616 {add = true} : memref<16x4096xf32, #tpu.memory_space<vmem>>[vector<16xi32>, vector<16xi32>], vector<16xf32>,
        %parallel_loop3A_619 = arith.constant 1 : i32
        %parallel_loop3A_620 = arith.constant 10 : i32
        %parallel_loop3A_621 = arith.index_cast %parallel_loop3A_619 : i32 to index
        %parallel_loop3A_622 = arith.index_cast %parallel_loop3A_620 : i32 to index
        %parallel_loop3A_623 = arith.index_cast %parallel_loop3A_505 : i32 to index
        %parallel_loop3A_624 = arith.index_cast %parallel_loop3A_523 : i32 to index
        %parallel_loop3A_625 = tpu.vector_load %arg13[%parallel_loop3A_621, %parallel_loop3A_622, %parallel_loop3A_623, %parallel_loop3A_624] {strides = array<i32>} : memref<2x16x8x128xf32, #tpu.memory_space<vmem>>, vector<16xf32>,
        %parallel_loop3A_626 = arith.constant 10 : i32
        %parallel_loop3A_627 = vector.broadcast %parallel_loop3A_626 : i32 to vector<16xi32>
        tpu.vector_store_idx %arg9[%parallel_loop3A_627, %parallel_loop3A_528], %parallel_loop3A_625 {add = true} : memref<16x4096xf32, #tpu.memory_space<vmem>>[vector<16xi32>, vector<16xi32>], vector<16xf32>,
        %parallel_loop3A_628 = arith.constant 1 : i32
        %parallel_loop3A_629 = arith.constant 11 : i32
        %parallel_loop3A_630 = arith.index_cast %parallel_loop3A_628 : i32 to index
        %parallel_loop3A_631 = arith.index_cast %parallel_loop3A_629 : i32 to index
        %parallel_loop3A_632 = arith.index_cast %parallel_loop3A_505 : i32 to index
        %parallel_loop3A_633 = arith.index_cast %parallel_loop3A_523 : i32 to index
        %parallel_loop3A_634 = tpu.vector_load %arg13[%parallel_loop3A_630, %parallel_loop3A_631, %parallel_loop3A_632, %parallel_loop3A_633] {strides = array<i32>} : memref<2x16x8x128xf32, #tpu.memory_space<vmem>>, vector<16xf32>,
        %parallel_loop3A_635 = arith.constant 11 : i32
        %parallel_loop3A_636 = vector.broadcast %parallel_loop3A_635 : i32 to vector<16xi32>
        tpu.vector_store_idx %arg9[%parallel_loop3A_636, %parallel_loop3A_528], %parallel_loop3A_634 {add = true} : memref<16x4096xf32, #tpu.memory_space<vmem>>[vector<16xi32>, vector<16xi32>], vector<16xf32>,
        %parallel_loop3A_637 = arith.constant 1 : i32
        %parallel_loop3A_638 = arith.constant 12 : i32
        %parallel_loop3A_639 = arith.index_cast %parallel_loop3A_637 : i32 to index
        %parallel_loop3A_640 = arith.index_cast %parallel_loop3A_638 : i32 to index
        %parallel_loop3A_641 = arith.index_cast %parallel_loop3A_505 : i32 to index
        %parallel_loop3A_642 = arith.index_cast %parallel_loop3A_523 : i32 to index
        %parallel_loop3A_643 = tpu.vector_load %arg13[%parallel_loop3A_639, %parallel_loop3A_640, %parallel_loop3A_641, %parallel_loop3A_642] {strides = array<i32>} : memref<2x16x8x128xf32, #tpu.memory_space<vmem>>, vector<16xf32>,
        %parallel_loop3A_644 = arith.constant 12 : i32
        %parallel_loop3A_645 = vector.broadcast %parallel_loop3A_644 : i32 to vector<16xi32>
        tpu.vector_store_idx %arg9[%parallel_loop3A_645, %parallel_loop3A_528], %parallel_loop3A_643 {add = true} : memref<16x4096xf32, #tpu.memory_space<vmem>>[vector<16xi32>, vector<16xi32>], vector<16xf32>,
        %parallel_loop3A_646 = arith.constant 1 : i32
        %parallel_loop3A_647 = arith.constant 13 : i32
        %parallel_loop3A_648 = arith.index_cast %parallel_loop3A_646 : i32 to index
        %parallel_loop3A_649 = arith.index_cast %parallel_loop3A_647 : i32 to index
        %parallel_loop3A_650 = arith.index_cast %parallel_loop3A_505 : i32 to index
        %parallel_loop3A_651 = arith.index_cast %parallel_loop3A_523 : i32 to index
        %parallel_loop3A_652 = tpu.vector_load %arg13[%parallel_loop3A_648, %parallel_loop3A_649, %parallel_loop3A_650, %parallel_loop3A_651] {strides = array<i32>} : memref<2x16x8x128xf32, #tpu.memory_space<vmem>>, vector<16xf32>,
        %parallel_loop3A_653 = arith.constant 13 : i32
        %parallel_loop3A_654 = vector.broadcast %parallel_loop3A_653 : i32 to vector<16xi32>
        tpu.vector_store_idx %arg9[%parallel_loop3A_654, %parallel_loop3A_528], %parallel_loop3A_652 {add = true} : memref<16x4096xf32, #tpu.memory_space<vmem>>[vector<16xi32>, vector<16xi32>], vector<16xf32>,
        %parallel_loop3A_655 = arith.constant 1 : i32
        %parallel_loop3A_656 = arith.constant 14 : i32
        %parallel_loop3A_657 = arith.index_cast %parallel_loop3A_655 : i32 to index
        %parallel_loop3A_658 = arith.index_cast %parallel_loop3A_656 : i32 to index
        %parallel_loop3A_659 = arith.index_cast %parallel_loop3A_505 : i32 to index
        %parallel_loop3A_660 = arith.index_cast %parallel_loop3A_523 : i32 to index
        %parallel_loop3A_661 = tpu.vector_load %arg13[%parallel_loop3A_657, %parallel_loop3A_658, %parallel_loop3A_659, %parallel_loop3A_660] {strides = array<i32>} : memref<2x16x8x128xf32, #tpu.memory_space<vmem>>, vector<16xf32>,
        %parallel_loop3A_662 = arith.constant 14 : i32
        %parallel_loop3A_663 = vector.broadcast %parallel_loop3A_662 : i32 to vector<16xi32>
        tpu.vector_store_idx %arg9[%parallel_loop3A_663, %parallel_loop3A_528], %parallel_loop3A_661 {add = true} : memref<16x4096xf32, #tpu.memory_space<vmem>>[vector<16xi32>, vector<16xi32>], vector<16xf32>,
        %parallel_loop3A_664 = arith.constant 1 : i32
        %parallel_loop3A_665 = arith.constant 15 : i32
        %parallel_loop3A_666 = arith.index_cast %parallel_loop3A_664 : i32 to index
        %parallel_loop3A_667 = arith.index_cast %parallel_loop3A_665 : i32 to index
        %parallel_loop3A_668 = arith.index_cast %parallel_loop3A_505 : i32 to index
        %parallel_loop3A_669 = arith.index_cast %parallel_loop3A_523 : i32 to index
        %parallel_loop3A_670 = tpu.vector_load %arg13[%parallel_loop3A_666, %parallel_loop3A_667, %parallel_loop3A_668, %parallel_loop3A_669] {strides = array<i32>} : memref<2x16x8x128xf32, #tpu.memory_space<vmem>>, vector<16xf32>,
        %parallel_loop3A_671 = arith.constant 15 : i32
        %parallel_loop3A_672 = vector.broadcast %parallel_loop3A_671 : i32 to vector<16xi32>
        tpu.vector_store_idx %arg9[%parallel_loop3A_672, %parallel_loop3A_528], %parallel_loop3A_670 {add = true} : memref<16x4096xf32, #tpu.memory_space<vmem>>[vector<16xi32>, vector<16xi32>], vector<16xf32>,
      } {sc.loop_unroll_factor = 2 : i64, sc.parallel_access}
      %mul3A_422 = arith.constant 128 : i32
      %mul3A_423 = arith.muli %select_n3A_30, %mul3A_422 : i32
      %jit3A_424 = arith.constant 4 : i32
      %div3A_425 = arith.divsi %add3A_418, %jit3A_424 : i32
      %sign3A_426 = arith.constant 0 : i32
      %sign3A_427 = arith.cmpi sgt, %add3A_418, %sign3A_426 : i32
      %sign3A_428 = arith.extui %sign3A_427 : i1 to i32
      %sign3A_429 = arith.constant 0 : i32
      %sign3A_430 = arith.cmpi slt, %add3A_418, %sign3A_429 : i32
      %sign3A_431 = arith.extui %sign3A_430 : i1 to i32
      %sign3A_432 = arith.subi %sign3A_428, %sign3A_431 : i32
      %sign3A_433 = arith.constant 0 : i32
      %sign3A_434 = arith.cmpi sgt, %jit3A_424, %sign3A_433 : i32
      %sign3A_435 = arith.extui %sign3A_434 : i1 to i32
      %sign3A_436 = arith.constant 0 : i32
      %sign3A_437 = arith.cmpi slt, %jit3A_424, %sign3A_436 : i32
      %sign3A_438 = arith.extui %sign3A_437 : i1 to i32
      %sign3A_439 = arith.subi %sign3A_435, %sign3A_438 : i32
      %ne3A_440 = arith.cmpi ne, %sign3A_432, %sign3A_439 : i32
      %rem3A_441 = arith.remsi %add3A_418, %jit3A_424 : i32
      %ne3A_442 = arith.constant 0 : i32
      %ne3A_443 = arith.cmpi ne, %rem3A_441, %ne3A_442 : i32
      %and3A_444 = arith.andi %ne3A_440, %ne3A_443 : i1
      %sub3A_445 = arith.constant 1 : i32
      %sub3A_446 = arith.subi %div3A_425, %sub3A_445 : i32
      %select_n3A_447 = arith.select %and3A_444, %sub3A_446, %div3A_425 : i32
      %mul3A_448 = arith.constant 8 : i32
      %mul3A_449 = arith.muli %select_n3A_447, %mul3A_448 : i32
      %add3A_450 = arith.addi %mul3A_423, %mul3A_449 : i32
      %mul3A_451 = arith.constant 512 : i32
      %mul3A_452 = arith.muli %add3A_450, %mul3A_451 : i32
      %jit3A_453 = arith.constant 4 : i32
      %eq3A_454 = arith.constant 0 : i32
      %eq3A_455 = arith.cmpi eq, %jit3A_453, %eq3A_454 : i32
      %jit3A_456 = arith.constant 1 : i32
      %select_n3A_457 = arith.select %eq3A_455, %jit3A_456, %jit3A_453 : i32
      %rem3A_458 = arith.remsi %add3A_418, %select_n3A_457 : i32
      %ne3A_459 = arith.constant 0 : i32
      %ne3A_460 = arith.cmpi ne, %rem3A_458, %ne3A_459 : i32
      %lt3A_461 = arith.constant 0 : i32
      %lt3A_462 = arith.cmpi slt, %rem3A_458, %lt3A_461 : i32
      %lt3A_463 = arith.constant 0 : i32
      %lt3A_464 = arith.cmpi slt, %select_n3A_457, %lt3A_463 : i32
      %ne3A_465 = arith.xori %lt3A_462, %lt3A_464 : i1
      %and3A_466 = arith.andi %ne3A_465, %ne3A_460 : i1
      %add3A_467 = arith.addi %rem3A_458, %select_n3A_457 : i32
      %select_n3A_468 = arith.select %and3A_466, %add3A_467, %rem3A_458 : i32
      %mul3A_469 = arith.constant 128 : i32
      %mul3A_470 = arith.muli %select_n3A_468, %mul3A_469 : i32
      %add3A_471 = arith.addi %mul3A_452, %mul3A_470 : i32
      %mul3A_472 = arith.constant 65536 : i32
      %mul3A_473 = arith.muli %select_n3A_30, %mul3A_472 : i32
      %sub3A_474 = arith.subi %add3A_471, %mul3A_473 : i32
      %scan3A_475 = arith.constant 0 : i32
      %scan3A_476 = arith.constant 0 : i32
      %scan3A_477 = arith.constant 16 : i32
      %scan3A_478 = arith.addi %scan3A_476, %scan3A_477 : i32
      %scan3A_479 = arith.constant 1 : i32
      scf.for %scan3A_481 = %scan3A_476 to %scan3A_478 step %scan3A_479  : i32 {
        %mul3A_482 = arith.constant 4 : i32
        %mul3A_483 = arith.muli %scan3A_481, %mul3A_482 : i32
        %add3A_484 = arith.constant 0 : i32
        %add3A_485 = arith.addi %mul3A_483, %add3A_484 : i32
        %jit3A_486 = arith.constant 8 : i32
        %div3A_487 = arith.divsi %add3A_485, %jit3A_486 : i32
        %sign3A_488 = arith.constant 0 : i32
        %sign3A_489 = arith.cmpi sgt, %add3A_485, %sign3A_488 : i32
        %sign3A_490 = arith.extui %sign3A_489 : i1 to i32
        %sign3A_491 = arith.constant 0 : i32
        %sign3A_492 = arith.cmpi slt, %add3A_485, %sign3A_491 : i32
        %sign3A_493 = arith.extui %sign3A_492 : i1 to i32
        %sign3A_494 = arith.subi %sign3A_490, %sign3A_493 : i32
        %sign3A_495 = arith.constant 0 : i32
        %sign3A_496 = arith.cmpi sgt, %jit3A_486, %sign3A_495 : i32
        %sign3A_497 = arith.extui %sign3A_496 : i1 to i32
        %sign3A_498 = arith.constant 0 : i32
        %sign3A_499 = arith.cmpi slt, %jit3A_486, %sign3A_498 : i32
        %sign3A_500 = arith.extui %sign3A_499 : i1 to i32
        %sign3A_501 = arith.subi %sign3A_497, %sign3A_500 : i32
        %ne3A_502 = arith.cmpi ne, %sign3A_494, %sign3A_501 : i32
        %rem3A_503 = arith.remsi %add3A_485, %jit3A_486 : i32
        %ne3A_504 = arith.constant 0 : i32
        %ne3A_505 = arith.cmpi ne, %rem3A_503, %ne3A_504 : i32
        %and3A_506 = arith.andi %ne3A_502, %ne3A_505 : i1
        %sub3A_507 = arith.constant 1 : i32
        %sub3A_508 = arith.subi %div3A_487, %sub3A_507 : i32
        %select_n3A_509 = arith.select %and3A_506, %sub3A_508, %div3A_487 : i32
        %jit3A_510 = arith.constant 8 : i32
        %eq3A_511 = arith.constant 0 : i32
        %eq3A_512 = arith.cmpi eq, %jit3A_510, %eq3A_511 : i32
        %jit3A_513 = arith.constant 1 : i32
        %select_n3A_514 = arith.select %eq3A_512, %jit3A_513, %jit3A_510 : i32
        %rem3A_515 = arith.remsi %add3A_485, %select_n3A_514 : i32
        %ne3A_516 = arith.constant 0 : i32
        %ne3A_517 = arith.cmpi ne, %rem3A_515, %ne3A_516 : i32
        %lt3A_518 = arith.constant 0 : i32
        %lt3A_519 = arith.cmpi slt, %rem3A_515, %lt3A_518 : i32
        %lt3A_520 = arith.constant 0 : i32
        %lt3A_521 = arith.cmpi slt, %select_n3A_514, %lt3A_520 : i32
        %ne3A_522 = arith.xori %lt3A_519, %lt3A_521 : i1
        %and3A_523 = arith.andi %ne3A_522, %ne3A_517 : i1
        %add3A_524 = arith.addi %rem3A_515, %select_n3A_514 : i32
        %select_n3A_525 = arith.select %and3A_523, %add3A_524, %rem3A_515 : i32
        %mul3A_526 = arith.constant 16 : i32
        %mul3A_527 = arith.muli %select_n3A_525, %mul3A_526 : i32
        %get3A = arith.constant 1 : i32
        %get3A_528 = arith.index_cast %get3A : i32 to index
        %get3A_529 = arith.index_cast %select_n3A_509 : i32 to index
        %get3A_530 = arith.index_cast %mul3A_527 : i32 to index
        %get3A_531 = tpu.vector_load %arg14[%get3A_528, %get3A_529, %get3A_530] {strides = array<i32>} : memref<2x8x128xi32, #tpu.memory_space<vmem>>, vector<16xi32>,
        %get3A_532 = arith.constant 1 : i32
        %get3A_533 = arith.index_cast %get3A_532 : i32 to index
        %get3A_534 = arith.index_cast %select_n3A_509 : i32 to index
        %get3A_535 = arith.index_cast %mul3A_527 : i32 to index
        %get3A_536 = tpu.vector_load %arg15[%get3A_533, %get3A_534, %get3A_535] {strides = array<i32>} : memref<2x8x128xi32, #tpu.memory_space<vmem>>, vector<16xi32>,
        %rev3A = arith.constant 15 : i32
        %rev3A_537 = vector.broadcast %rev3A : i32 to vector<16xi32>
        %rev3A_538 = tpu.iota {dimensions = array<i32: 0>} : vector<16xi32>
        %rev3A_539 = arith.subi %rev3A_537, %rev3A_538 : vector<16xi32>
        %rev3A_540 = tpu.dynamic_gather %get3A_531[%rev3A_539] in [0] : vector<16xi32>, vector<16xi32> -> vector<16xi32>
        %broadcast_in_dim3A_541 = arith.constant true
        %broadcast_in_dim3A_542 = vector.broadcast %broadcast_in_dim3A_541 : i1 to vector<16xi1>
        %unique3A, %unique3A_543 = tpu.scan_count mask(%broadcast_in_dim3A_542 : vector<16xi1>) value(%rev3A_540 : vector<16xi32>) : vector<16xi1>, vector<16xi32>
        %jit3A_544 = arith.constant 1 : i32
        %jit3A_545 = arith.constant 0 : i32
        %broadcast_in_dim3A_546 = vector.broadcast %jit3A_544 : i32 to vector<16xi32>
        %broadcast_in_dim3A_547 = vector.broadcast %jit3A_545 : i32 to vector<16xi32>
        %select_n3A_548 = arith.select %unique3A, %broadcast_in_dim3A_546, %broadcast_in_dim3A_547 : vector<16xi1>, vector<16xi32>
        %rev3A_549 = arith.constant 15 : i32
        %rev3A_550 = vector.broadcast %rev3A_549 : i32 to vector<16xi32>
        %rev3A_551 = tpu.iota {dimensions = array<i32: 0>} : vector<16xi32>
        %rev3A_552 = arith.subi %rev3A_550, %rev3A_551 : vector<16xi32>
        %rev3A_553 = tpu.dynamic_gather %select_n3A_548[%rev3A_552] in [0] : vector<16xi32>, vector<16xi32> -> vector<16xi32>
        %eq3A_554 = arith.constant 1 : i32
        %eq3A_555 = vector.broadcast %eq3A_554 : i32 to vector<16xi32>
        %eq3A_556 = arith.cmpi eq, %rev3A_553, %eq3A_555 : vector<16xi32>
        %mul3A_557 = arith.constant 512 : i32
        %mul3A_558 = arith.muli %select_n3A_509, %mul3A_557 : i32
        %add3A_559 = arith.addi %sub3A_474, %mul3A_558 : i32
        %add3A_560 = arith.addi %add3A_559, %mul3A_527 : i32
        %add3A_561 = vector.broadcast %add3A_560 : i32 to vector<16xi32>
        %add3A_562 = arith.addi %add3A_561, %iota3A : vector<16xi32>
        %gather3A = tpu.vector_load_idx %arg11[%get3A_531] : memref<4096xi32, #tpu.memory_space<vmem>>[vector<16xi32>], vector<16xi32>,
        %lt3A_563 = arith.cmpi slt, %add3A_562, %gather3A : vector<16xi32>
        %and3A_564 = arith.andi %eq3A_556, %lt3A_563 : vector<16xi1>
        tpu.vector_store_idx %arg11[%get3A_531], %add3A_562 masked %and3A_564 : memref<4096xi32, #tpu.memory_space<vmem>>[vector<16xi32>], vector<16xi32>, vector<16xi1>
        tpu.vector_store_idx %arg12[%get3A_531], %get3A_536 masked %and3A_564 : memref<4096xi32, #tpu.memory_space<vmem>>[vector<16xi32>], vector<16xi32>, vector<16xi1>
        %mul3A_565 = arith.constant 4 : i32
        %mul3A_566 = arith.muli %scan3A_481, %mul3A_565 : i32
        %add3A_567 = arith.constant 1 : i32
        %add3A_568 = arith.addi %mul3A_566, %add3A_567 : i32
        %jit3A_569 = arith.constant 8 : i32
        %div3A_570 = arith.divsi %add3A_568, %jit3A_569 : i32
        %sign3A_571 = arith.constant 0 : i32
        %sign3A_572 = arith.cmpi sgt, %add3A_568, %sign3A_571 : i32
        %sign3A_573 = arith.extui %sign3A_572 : i1 to i32
        %sign3A_574 = arith.constant 0 : i32
        %sign3A_575 = arith.cmpi slt, %add3A_568, %sign3A_574 : i32
        %sign3A_576 = arith.extui %sign3A_575 : i1 to i32
        %sign3A_577 = arith.subi %sign3A_573, %sign3A_576 : i32
        %sign3A_578 = arith.constant 0 : i32
        %sign3A_579 = arith.cmpi sgt, %jit3A_569, %sign3A_578 : i32
        %sign3A_580 = arith.extui %sign3A_579 : i1 to i32
        %sign3A_581 = arith.constant 0 : i32
        %sign3A_582 = arith.cmpi slt, %jit3A_569, %sign3A_581 : i32
        %sign3A_583 = arith.extui %sign3A_582 : i1 to i32
        %sign3A_584 = arith.subi %sign3A_580, %sign3A_583 : i32
        %ne3A_585 = arith.cmpi ne, %sign3A_577, %sign3A_584 : i32
        %rem3A_586 = arith.remsi %add3A_568, %jit3A_569 : i32
        %ne3A_587 = arith.constant 0 : i32
        %ne3A_588 = arith.cmpi ne, %rem3A_586, %ne3A_587 : i32
        %and3A_589 = arith.andi %ne3A_585, %ne3A_588 : i1
        %sub3A_590 = arith.constant 1 : i32
        %sub3A_591 = arith.subi %div3A_570, %sub3A_590 : i32
        %select_n3A_592 = arith.select %and3A_589, %sub3A_591, %div3A_570 : i32
        %jit3A_593 = arith.constant 8 : i32
        %eq3A_594 = arith.constant 0 : i32
        %eq3A_595 = arith.cmpi eq, %jit3A_593, %eq3A_594 : i32
        %jit3A_596 = arith.constant 1 : i32
        %select_n3A_597 = arith.select %eq3A_595, %jit3A_596, %jit3A_593 : i32
        %rem3A_598 = arith.remsi %add3A_568, %select_n3A_597 : i32
        %ne3A_599 = arith.constant 0 : i32
        %ne3A_600 = arith.cmpi ne, %rem3A_598, %ne3A_599 : i32
        %lt3A_601 = arith.constant 0 : i32
        %lt3A_602 = arith.cmpi slt, %rem3A_598, %lt3A_601 : i32
        %lt3A_603 = arith.constant 0 : i32
        %lt3A_604 = arith.cmpi slt, %select_n3A_597, %lt3A_603 : i32
        %ne3A_605 = arith.xori %lt3A_602, %lt3A_604 : i1
        %and3A_606 = arith.andi %ne3A_605, %ne3A_600 : i1
        %add3A_607 = arith.addi %rem3A_598, %select_n3A_597 : i32
        %select_n3A_608 = arith.select %and3A_606, %add3A_607, %rem3A_598 : i32
        %mul3A_609 = arith.constant 16 : i32
        %mul3A_610 = arith.muli %select_n3A_608, %mul3A_609 : i32
        %get3A_611 = arith.constant 1 : i32
        %get3A_612 = arith.index_cast %get3A_611 : i32 to index
        %get3A_613 = arith.index_cast %select_n3A_592 : i32 to index
        %get3A_614 = arith.index_cast %mul3A_610 : i32 to index
        %get3A_615 = tpu.vector_load %arg14[%get3A_612, %get3A_613, %get3A_614] {strides = array<i32>} : memref<2x8x128xi32, #tpu.memory_space<vmem>>, vector<16xi32>,
        %get3A_616 = arith.constant 1 : i32
        %get3A_617 = arith.index_cast %get3A_616 : i32 to index
        %get3A_618 = arith.index_cast %select_n3A_592 : i32 to index
        %get3A_619 = arith.index_cast %mul3A_610 : i32 to index
        %get3A_620 = tpu.vector_load %arg15[%get3A_617, %get3A_618, %get3A_619] {strides = array<i32>} : memref<2x8x128xi32, #tpu.memory_space<vmem>>, vector<16xi32>,
        %rev3A_621 = arith.constant 15 : i32
        %rev3A_622 = vector.broadcast %rev3A_621 : i32 to vector<16xi32>
        %rev3A_623 = tpu.iota {dimensions = array<i32: 0>} : vector<16xi32>
        %rev3A_624 = arith.subi %rev3A_622, %rev3A_623 : vector<16xi32>
        %rev3A_625 = tpu.dynamic_gather %get3A_615[%rev3A_624] in [0] : vector<16xi32>, vector<16xi32> -> vector<16xi32>
        %broadcast_in_dim3A_626 = arith.constant true
        %broadcast_in_dim3A_627 = vector.broadcast %broadcast_in_dim3A_626 : i1 to vector<16xi1>
        %unique3A_628, %unique3A_629 = tpu.scan_count mask(%broadcast_in_dim3A_627 : vector<16xi1>) value(%rev3A_625 : vector<16xi32>) : vector<16xi1>, vector<16xi32>
        %jit3A_630 = arith.constant 1 : i32
        %jit3A_631 = arith.constant 0 : i32
        %broadcast_in_dim3A_632 = vector.broadcast %jit3A_630 : i32 to vector<16xi32>
        %broadcast_in_dim3A_633 = vector.broadcast %jit3A_631 : i32 to vector<16xi32>
        %select_n3A_634 = arith.select %unique3A_628, %broadcast_in_dim3A_632, %broadcast_in_dim3A_633 : vector<16xi1>, vector<16xi32>
        %rev3A_635 = arith.constant 15 : i32
        %rev3A_636 = vector.broadcast %rev3A_635 : i32 to vector<16xi32>
        %rev3A_637 = tpu.iota {dimensions = array<i32: 0>} : vector<16xi32>
        %rev3A_638 = arith.subi %rev3A_636, %rev3A_637 : vector<16xi32>
        %rev3A_639 = tpu.dynamic_gather %select_n3A_634[%rev3A_638] in [0] : vector<16xi32>, vector<16xi32> -> vector<16xi32>
        %eq3A_640 = arith.constant 1 : i32
        %eq3A_641 = vector.broadcast %eq3A_640 : i32 to vector<16xi32>
        %eq3A_642 = arith.cmpi eq, %rev3A_639, %eq3A_641 : vector<16xi32>
        %mul3A_643 = arith.constant 512 : i32
        %mul3A_644 = arith.muli %select_n3A_592, %mul3A_643 : i32
        %add3A_645 = arith.addi %sub3A_474, %mul3A_644 : i32
        %add3A_646 = arith.addi %add3A_645, %mul3A_610 : i32
        %add3A_647 = vector.broadcast %add3A_646 : i32 to vector<16xi32>
        %add3A_648 = arith.addi %add3A_647, %iota3A : vector<16xi32>
        %gather3A_649 = tpu.vector_load_idx %arg11[%get3A_615] : memref<4096xi32, #tpu.memory_space<vmem>>[vector<16xi32>], vector<16xi32>,
        %lt3A_650 = arith.cmpi slt, %add3A_648, %gather3A_649 : vector<16xi32>
        %and3A_651 = arith.andi %eq3A_642, %lt3A_650 : vector<16xi1>
        tpu.vector_store_idx %arg11[%get3A_615], %add3A_648 masked %and3A_651 : memref<4096xi32, #tpu.memory_space<vmem>>[vector<16xi32>], vector<16xi32>, vector<16xi1>
        tpu.vector_store_idx %arg12[%get3A_615], %get3A_620 masked %and3A_651 : memref<4096xi32, #tpu.memory_space<vmem>>[vector<16xi32>], vector<16xi32>, vector<16xi1>
        %mul3A_652 = arith.constant 4 : i32
        %mul3A_653 = arith.muli %scan3A_481, %mul3A_652 : i32
        %add3A_654 = arith.constant 2 : i32
        %add3A_655 = arith.addi %mul3A_653, %add3A_654 : i32
        %jit3A_656 = arith.constant 8 : i32
        %div3A_657 = arith.divsi %add3A_655, %jit3A_656 : i32
        %sign3A_658 = arith.constant 0 : i32
        %sign3A_659 = arith.cmpi sgt, %add3A_655, %sign3A_658 : i32
        %sign3A_660 = arith.extui %sign3A_659 : i1 to i32
        %sign3A_661 = arith.constant 0 : i32
        %sign3A_662 = arith.cmpi slt, %add3A_655, %sign3A_661 : i32
        %sign3A_663 = arith.extui %sign3A_662 : i1 to i32
        %sign3A_664 = arith.subi %sign3A_660, %sign3A_663 : i32
        %sign3A_665 = arith.constant 0 : i32
        %sign3A_666 = arith.cmpi sgt, %jit3A_656, %sign3A_665 : i32
        %sign3A_667 = arith.extui %sign3A_666 : i1 to i32
        %sign3A_668 = arith.constant 0 : i32
        %sign3A_669 = arith.cmpi slt, %jit3A_656, %sign3A_668 : i32
        %sign3A_670 = arith.extui %sign3A_669 : i1 to i32
        %sign3A_671 = arith.subi %sign3A_667, %sign3A_670 : i32
        %ne3A_672 = arith.cmpi ne, %sign3A_664, %sign3A_671 : i32
        %rem3A_673 = arith.remsi %add3A_655, %jit3A_656 : i32
        %ne3A_674 = arith.constant 0 : i32
        %ne3A_675 = arith.cmpi ne, %rem3A_673, %ne3A_674 : i32
        %and3A_676 = arith.andi %ne3A_672, %ne3A_675 : i1
        %sub3A_677 = arith.constant 1 : i32
        %sub3A_678 = arith.subi %div3A_657, %sub3A_677 : i32
        %select_n3A_679 = arith.select %and3A_676, %sub3A_678, %div3A_657 : i32
        %jit3A_680 = arith.constant 8 : i32
        %eq3A_681 = arith.constant 0 : i32
        %eq3A_682 = arith.cmpi eq, %jit3A_680, %eq3A_681 : i32
        %jit3A_683 = arith.constant 1 : i32
        %select_n3A_684 = arith.select %eq3A_682, %jit3A_683, %jit3A_680 : i32
        %rem3A_685 = arith.remsi %add3A_655, %select_n3A_684 : i32
        %ne3A_686 = arith.constant 0 : i32
        %ne3A_687 = arith.cmpi ne, %rem3A_685, %ne3A_686 : i32
        %lt3A_688 = arith.constant 0 : i32
        %lt3A_689 = arith.cmpi slt, %rem3A_685, %lt3A_688 : i32
        %lt3A_690 = arith.constant 0 : i32
        %lt3A_691 = arith.cmpi slt, %select_n3A_684, %lt3A_690 : i32
        %ne3A_692 = arith.xori %lt3A_689, %lt3A_691 : i1
        %and3A_693 = arith.andi %ne3A_692, %ne3A_687 : i1
        %add3A_694 = arith.addi %rem3A_685, %select_n3A_684 : i32
        %select_n3A_695 = arith.select %and3A_693, %add3A_694, %rem3A_685 : i32
        %mul3A_696 = arith.constant 16 : i32
        %mul3A_697 = arith.muli %select_n3A_695, %mul3A_696 : i32
        %get3A_698 = arith.constant 1 : i32
        %get3A_699 = arith.index_cast %get3A_698 : i32 to index
        %get3A_700 = arith.index_cast %select_n3A_679 : i32 to index
        %get3A_701 = arith.index_cast %mul3A_697 : i32 to index
        %get3A_702 = tpu.vector_load %arg14[%get3A_699, %get3A_700, %get3A_701] {strides = array<i32>} : memref<2x8x128xi32, #tpu.memory_space<vmem>>, vector<16xi32>,
        %get3A_703 = arith.constant 1 : i32
        %get3A_704 = arith.index_cast %get3A_703 : i32 to index
        %get3A_705 = arith.index_cast %select_n3A_679 : i32 to index
        %get3A_706 = arith.index_cast %mul3A_697 : i32 to index
        %get3A_707 = tpu.vector_load %arg15[%get3A_704, %get3A_705, %get3A_706] {strides = array<i32>} : memref<2x8x128xi32, #tpu.memory_space<vmem>>, vector<16xi32>,
        %rev3A_708 = arith.constant 15 : i32
        %rev3A_709 = vector.broadcast %rev3A_708 : i32 to vector<16xi32>
        %rev3A_710 = tpu.iota {dimensions = array<i32: 0>} : vector<16xi32>
        %rev3A_711 = arith.subi %rev3A_709, %rev3A_710 : vector<16xi32>
        %rev3A_712 = tpu.dynamic_gather %get3A_702[%rev3A_711] in [0] : vector<16xi32>, vector<16xi32> -> vector<16xi32>
        %broadcast_in_dim3A_713 = arith.constant true
        %broadcast_in_dim3A_714 = vector.broadcast %broadcast_in_dim3A_713 : i1 to vector<16xi1>
        %unique3A_715, %unique3A_716 = tpu.scan_count mask(%broadcast_in_dim3A_714 : vector<16xi1>) value(%rev3A_712 : vector<16xi32>) : vector<16xi1>, vector<16xi32>
        %jit3A_717 = arith.constant 1 : i32
        %jit3A_718 = arith.constant 0 : i32
        %broadcast_in_dim3A_719 = vector.broadcast %jit3A_717 : i32 to vector<16xi32>
        %broadcast_in_dim3A_720 = vector.broadcast %jit3A_718 : i32 to vector<16xi32>
        %select_n3A_721 = arith.select %unique3A_715, %broadcast_in_dim3A_719, %broadcast_in_dim3A_720 : vector<16xi1>, vector<16xi32>
        %rev3A_722 = arith.constant 15 : i32
        %rev3A_723 = vector.broadcast %rev3A_722 : i32 to vector<16xi32>
        %rev3A_724 = tpu.iota {dimensions = array<i32: 0>} : vector<16xi32>
        %rev3A_725 = arith.subi %rev3A_723, %rev3A_724 : vector<16xi32>
        %rev3A_726 = tpu.dynamic_gather %select_n3A_721[%rev3A_725] in [0] : vector<16xi32>, vector<16xi32> -> vector<16xi32>
        %eq3A_727 = arith.constant 1 : i32
        %eq3A_728 = vector.broadcast %eq3A_727 : i32 to vector<16xi32>
        %eq3A_729 = arith.cmpi eq, %rev3A_726, %eq3A_728 : vector<16xi32>
        %mul3A_730 = arith.constant 512 : i32
        %mul3A_731 = arith.muli %select_n3A_679, %mul3A_730 : i32
        %add3A_732 = arith.addi %sub3A_474, %mul3A_731 : i32
        %add3A_733 = arith.addi %add3A_732, %mul3A_697 : i32
        %add3A_734 = vector.broadcast %add3A_733 : i32 to vector<16xi32>
        %add3A_735 = arith.addi %add3A_734, %iota3A : vector<16xi32>
        %gather3A_736 = tpu.vector_load_idx %arg11[%get3A_702] : memref<4096xi32, #tpu.memory_space<vmem>>[vector<16xi32>], vector<16xi32>,
        %lt3A_737 = arith.cmpi slt, %add3A_735, %gather3A_736 : vector<16xi32>
        %and3A_738 = arith.andi %eq3A_729, %lt3A_737 : vector<16xi1>
        tpu.vector_store_idx %arg11[%get3A_702], %add3A_735 masked %and3A_738 : memref<4096xi32, #tpu.memory_space<vmem>>[vector<16xi32>], vector<16xi32>, vector<16xi1>
        tpu.vector_store_idx %arg12[%get3A_702], %get3A_707 masked %and3A_738 : memref<4096xi32, #tpu.memory_space<vmem>>[vector<16xi32>], vector<16xi32>, vector<16xi1>
        %mul3A_739 = arith.constant 4 : i32
        %mul3A_740 = arith.muli %scan3A_481, %mul3A_739 : i32
        %add3A_741 = arith.constant 3 : i32
        %add3A_742 = arith.addi %mul3A_740, %add3A_741 : i32
        %jit3A_743 = arith.constant 8 : i32
        %div3A_744 = arith.divsi %add3A_742, %jit3A_743 : i32
        %sign3A_745 = arith.constant 0 : i32
        %sign3A_746 = arith.cmpi sgt, %add3A_742, %sign3A_745 : i32
        %sign3A_747 = arith.extui %sign3A_746 : i1 to i32
        %sign3A_748 = arith.constant 0 : i32
        %sign3A_749 = arith.cmpi slt, %add3A_742, %sign3A_748 : i32
        %sign3A_750 = arith.extui %sign3A_749 : i1 to i32
        %sign3A_751 = arith.subi %sign3A_747, %sign3A_750 : i32
        %sign3A_752 = arith.constant 0 : i32
        %sign3A_753 = arith.cmpi sgt, %jit3A_743, %sign3A_752 : i32
        %sign3A_754 = arith.extui %sign3A_753 : i1 to i32
        %sign3A_755 = arith.constant 0 : i32
        %sign3A_756 = arith.cmpi slt, %jit3A_743, %sign3A_755 : i32
        %sign3A_757 = arith.extui %sign3A_756 : i1 to i32
        %sign3A_758 = arith.subi %sign3A_754, %sign3A_757 : i32
        %ne3A_759 = arith.cmpi ne, %sign3A_751, %sign3A_758 : i32
        %rem3A_760 = arith.remsi %add3A_742, %jit3A_743 : i32
        %ne3A_761 = arith.constant 0 : i32
        %ne3A_762 = arith.cmpi ne, %rem3A_760, %ne3A_761 : i32
        %and3A_763 = arith.andi %ne3A_759, %ne3A_762 : i1
        %sub3A_764 = arith.constant 1 : i32
        %sub3A_765 = arith.subi %div3A_744, %sub3A_764 : i32
        %select_n3A_766 = arith.select %and3A_763, %sub3A_765, %div3A_744 : i32
        %jit3A_767 = arith.constant 8 : i32
        %eq3A_768 = arith.constant 0 : i32
        %eq3A_769 = arith.cmpi eq, %jit3A_767, %eq3A_768 : i32
        %jit3A_770 = arith.constant 1 : i32
        %select_n3A_771 = arith.select %eq3A_769, %jit3A_770, %jit3A_767 : i32
        %rem3A_772 = arith.remsi %add3A_742, %select_n3A_771 : i32
        %ne3A_773 = arith.constant 0 : i32
        %ne3A_774 = arith.cmpi ne, %rem3A_772, %ne3A_773 : i32
        %lt3A_775 = arith.constant 0 : i32
        %lt3A_776 = arith.cmpi slt, %rem3A_772, %lt3A_775 : i32
        %lt3A_777 = arith.constant 0 : i32
        %lt3A_778 = arith.cmpi slt, %select_n3A_771, %lt3A_777 : i32
        %ne3A_779 = arith.xori %lt3A_776, %lt3A_778 : i1
        %and3A_780 = arith.andi %ne3A_779, %ne3A_774 : i1
        %add3A_781 = arith.addi %rem3A_772, %select_n3A_771 : i32
        %select_n3A_782 = arith.select %and3A_780, %add3A_781, %rem3A_772 : i32
        %mul3A_783 = arith.constant 16 : i32
        %mul3A_784 = arith.muli %select_n3A_782, %mul3A_783 : i32
        %get3A_785 = arith.constant 1 : i32
        %get3A_786 = arith.index_cast %get3A_785 : i32 to index
        %get3A_787 = arith.index_cast %select_n3A_766 : i32 to index
        %get3A_788 = arith.index_cast %mul3A_784 : i32 to index
        %get3A_789 = tpu.vector_load %arg14[%get3A_786, %get3A_787, %get3A_788] {strides = array<i32>} : memref<2x8x128xi32, #tpu.memory_space<vmem>>, vector<16xi32>,
        %get3A_790 = arith.constant 1 : i32
        %get3A_791 = arith.index_cast %get3A_790 : i32 to index
        %get3A_792 = arith.index_cast %select_n3A_766 : i32 to index
        %get3A_793 = arith.index_cast %mul3A_784 : i32 to index
        %get3A_794 = tpu.vector_load %arg15[%get3A_791, %get3A_792, %get3A_793] {strides = array<i32>} : memref<2x8x128xi32, #tpu.memory_space<vmem>>, vector<16xi32>,
        %rev3A_795 = arith.constant 15 : i32
        %rev3A_796 = vector.broadcast %rev3A_795 : i32 to vector<16xi32>
        %rev3A_797 = tpu.iota {dimensions = array<i32: 0>} : vector<16xi32>
        %rev3A_798 = arith.subi %rev3A_796, %rev3A_797 : vector<16xi32>
        %rev3A_799 = tpu.dynamic_gather %get3A_789[%rev3A_798] in [0] : vector<16xi32>, vector<16xi32> -> vector<16xi32>
        %broadcast_in_dim3A_800 = arith.constant true
        %broadcast_in_dim3A_801 = vector.broadcast %broadcast_in_dim3A_800 : i1 to vector<16xi1>
        %unique3A_802, %unique3A_803 = tpu.scan_count mask(%broadcast_in_dim3A_801 : vector<16xi1>) value(%rev3A_799 : vector<16xi32>) : vector<16xi1>, vector<16xi32>
        %jit3A_804 = arith.constant 1 : i32
        %jit3A_805 = arith.constant 0 : i32
        %broadcast_in_dim3A_806 = vector.broadcast %jit3A_804 : i32 to vector<16xi32>
        %broadcast_in_dim3A_807 = vector.broadcast %jit3A_805 : i32 to vector<16xi32>
        %select_n3A_808 = arith.select %unique3A_802, %broadcast_in_dim3A_806, %broadcast_in_dim3A_807 : vector<16xi1>, vector<16xi32>
        %rev3A_809 = arith.constant 15 : i32
        %rev3A_810 = vector.broadcast %rev3A_809 : i32 to vector<16xi32>
        %rev3A_811 = tpu.iota {dimensions = array<i32: 0>} : vector<16xi32>
        %rev3A_812 = arith.subi %rev3A_810, %rev3A_811 : vector<16xi32>
        %rev3A_813 = tpu.dynamic_gather %select_n3A_808[%rev3A_812] in [0] : vector<16xi32>, vector<16xi32> -> vector<16xi32>
        %eq3A_814 = arith.constant 1 : i32
        %eq3A_815 = vector.broadcast %eq3A_814 : i32 to vector<16xi32>
        %eq3A_816 = arith.cmpi eq, %rev3A_813, %eq3A_815 : vector<16xi32>
        %mul3A_817 = arith.constant 512 : i32
        %mul3A_818 = arith.muli %select_n3A_766, %mul3A_817 : i32
        %add3A_819 = arith.addi %sub3A_474, %mul3A_818 : i32
        %add3A_820 = arith.addi %add3A_819, %mul3A_784 : i32
        %add3A_821 = vector.broadcast %add3A_820 : i32 to vector<16xi32>
        %add3A_822 = arith.addi %add3A_821, %iota3A : vector<16xi32>
        %gather3A_823 = tpu.vector_load_idx %arg11[%get3A_789] : memref<4096xi32, #tpu.memory_space<vmem>>[vector<16xi32>], vector<16xi32>,
        %lt3A_824 = arith.cmpi slt, %add3A_822, %gather3A_823 : vector<16xi32>
        %and3A_825 = arith.andi %eq3A_816, %lt3A_824 : vector<16xi1>
        tpu.vector_store_idx %arg11[%get3A_789], %add3A_822 masked %and3A_825 : memref<4096xi32, #tpu.memory_space<vmem>>[vector<16xi32>], vector<16xi32>, vector<16xi1>
        tpu.vector_store_idx %arg12[%get3A_789], %get3A_794 masked %and3A_825 : memref<4096xi32, #tpu.memory_space<vmem>>[vector<16xi32>], vector<16xi32>, vector<16xi1>
      }
      %scan3A_480 = arith.constant 16 : i32
    }
    %scan3A_115 = arith.constant 32 : i32
    "tpu.region"() ({
      %run_scoped3A = tpu.sem_alloc : memref<!tpu.dma_semaphore, #tpu.memory_space<semaphore_mem>>
      %dma_start3A_116 = arith.constant 0 : i32
      %dma_start3A_117 = arith.constant 0 : i32
      %dma_start3A_118 = tpu.memref_slice %arg5[%add3A, %dma_start3A_116, %dma_start3A_117] : memref<32x16x4096xf32, #tpu.memory_space<hbm>> -> memref<1x16x4096xf32, #tpu.memory_space<hbm>>
      %dma_start3A_119 = tpu.memref_squeeze %dma_start3A_118 : memref<1x16x4096xf32, #tpu.memory_space<hbm>> -> memref<16x4096xf32, #tpu.memory_space<hbm>>
      %dma_start3A_120 = arith.constant 0 : i32
      %dma_start3A_121 = arith.constant 0 : i32
      %dma_start3A_122 = tpu.memref_slice %arg5[%add3A, %dma_start3A_120, %dma_start3A_121] : memref<32x16x4096xf32, #tpu.memory_space<hbm>> -> memref<1x16x4096xf32, #tpu.memory_space<hbm>>
      %dma_start3A_123 = tpu.memref_squeeze %dma_start3A_122 : memref<1x16x4096xf32, #tpu.memory_space<hbm>> -> memref<16x4096xf32, #tpu.memory_space<hbm>>
      tpu.enqueue_dma source(%arg9 : memref<16x4096xf32, #tpu.memory_space<vmem>>) target(%dma_start3A_123 : memref<16x4096xf32, #tpu.memory_space<hbm>>) target_semaphore(%run_scoped3A : memref<!tpu.dma_semaphore, #tpu.memory_space<semaphore_mem>>)
      %dma_wait3A = arith.constant 0 : i32
      %dma_wait3A_124 = arith.constant 0 : i32
      %dma_wait3A_125 = tpu.memref_slice %arg5[%add3A, %dma_wait3A, %dma_wait3A_124] : memref<32x16x4096xf32, #tpu.memory_space<hbm>> -> memref<1x16x4096xf32, #tpu.memory_space<hbm>>
      %dma_wait3A_126 = tpu.memref_squeeze %dma_wait3A_125 : memref<1x16x4096xf32, #tpu.memory_space<hbm>> -> memref<16x4096xf32, #tpu.memory_space<hbm>>
      %dma_wait3A_127 = arith.constant 0 : i32
      %dma_wait3A_128 = arith.constant 0 : i32
      %dma_wait3A_129 = tpu.memref_slice %arg5[%add3A, %dma_wait3A_127, %dma_wait3A_128] : memref<32x16x4096xf32, #tpu.memory_space<hbm>> -> memref<1x16x4096xf32, #tpu.memory_space<hbm>>
      %dma_wait3A_130 = tpu.memref_squeeze %dma_wait3A_129 : memref<1x16x4096xf32, #tpu.memory_space<hbm>> -> memref<16x4096xf32, #tpu.memory_space<hbm>>
      tpu.wait_dma2 semaphore(%run_scoped3A : memref<!tpu.dma_semaphore, #tpu.memory_space<semaphore_mem>>) src(%arg9 : memref<16x4096xf32, #tpu.memory_space<vmem>>) dst(%dma_wait3A_130 : memref<16x4096xf32, #tpu.memory_space<hbm>>)
      tpu.yield
    }) : () -> ()
    "tpu.region"() ({
      %run_scoped3A = tpu.sem_alloc : memref<!tpu.dma_semaphore, #tpu.memory_space<semaphore_mem>>
      %dma_start3A_116 = arith.constant 0 : i32
      %dma_start3A_117 = tpu.memref_slice %arg6[%add3A, %dma_start3A_116] : memref<32x4096xf32, #tpu.memory_space<hbm>> -> memref<1x4096xf32, #tpu.memory_space<hbm>>
      %dma_start3A_118 = tpu.memref_squeeze %dma_start3A_117 : memref<1x4096xf32, #tpu.memory_space<hbm>> -> memref<4096xf32, #tpu.memory_space<hbm>>
      %dma_start3A_119 = arith.constant 0 : i32
      %dma_start3A_120 = tpu.memref_slice %arg6[%add3A, %dma_start3A_119] : memref<32x4096xf32, #tpu.memory_space<hbm>> -> memref<1x4096xf32, #tpu.memory_space<hbm>>
      %dma_start3A_121 = tpu.memref_squeeze %dma_start3A_120 : memref<1x4096xf32, #tpu.memory_space<hbm>> -> memref<4096xf32, #tpu.memory_space<hbm>>
      tpu.enqueue_dma source(%arg10 : memref<4096xf32, #tpu.memory_space<vmem>>) target(%dma_start3A_121 : memref<4096xf32, #tpu.memory_space<hbm>>) target_semaphore(%run_scoped3A : memref<!tpu.dma_semaphore, #tpu.memory_space<semaphore_mem>>)
      %dma_wait3A = arith.constant 0 : i32
      %dma_wait3A_122 = tpu.memref_slice %arg6[%add3A, %dma_wait3A] : memref<32x4096xf32, #tpu.memory_space<hbm>> -> memref<1x4096xf32, #tpu.memory_space<hbm>>
      %dma_wait3A_123 = tpu.memref_squeeze %dma_wait3A_122 : memref<1x4096xf32, #tpu.memory_space<hbm>> -> memref<4096xf32, #tpu.memory_space<hbm>>
      %dma_wait3A_124 = arith.constant 0 : i32
      %dma_wait3A_125 = tpu.memref_slice %arg6[%add3A, %dma_wait3A_124] : memref<32x4096xf32, #tpu.memory_space<hbm>> -> memref<1x4096xf32, #tpu.memory_space<hbm>>
      %dma_wait3A_126 = tpu.memref_squeeze %dma_wait3A_125 : memref<1x4096xf32, #tpu.memory_space<hbm>> -> memref<4096xf32, #tpu.memory_space<hbm>>
      tpu.wait_dma2 semaphore(%run_scoped3A : memref<!tpu.dma_semaphore, #tpu.memory_space<semaphore_mem>>) src(%arg10 : memref<4096xf32, #tpu.memory_space<vmem>>) dst(%dma_wait3A_126 : memref<4096xf32, #tpu.memory_space<hbm>>)
      tpu.yield
    }) : () -> ()
    "tpu.region"() ({
      %run_scoped3A = tpu.sem_alloc : memref<!tpu.dma_semaphore, #tpu.memory_space<semaphore_mem>>
      %dma_start3A_116 = arith.constant 0 : i32
      %dma_start3A_117 = tpu.memref_slice %arg7[%add3A, %dma_start3A_116] : memref<32x4096xi32, #tpu.memory_space<hbm>> -> memref<1x4096xi32, #tpu.memory_space<hbm>>
      %dma_start3A_118 = tpu.memref_squeeze %dma_start3A_117 : memref<1x4096xi32, #tpu.memory_space<hbm>> -> memref<4096xi32, #tpu.memory_space<hbm>>
      %dma_start3A_119 = arith.constant 0 : i32
      %dma_start3A_120 = tpu.memref_slice %arg7[%add3A, %dma_start3A_119] : memref<32x4096xi32, #tpu.memory_space<hbm>> -> memref<1x4096xi32, #tpu.memory_space<hbm>>
      %dma_start3A_121 = tpu.memref_squeeze %dma_start3A_120 : memref<1x4096xi32, #tpu.memory_space<hbm>> -> memref<4096xi32, #tpu.memory_space<hbm>>
      tpu.enqueue_dma source(%arg11 : memref<4096xi32, #tpu.memory_space<vmem>>) target(%dma_start3A_121 : memref<4096xi32, #tpu.memory_space<hbm>>) target_semaphore(%run_scoped3A : memref<!tpu.dma_semaphore, #tpu.memory_space<semaphore_mem>>)
      %dma_wait3A = arith.constant 0 : i32
      %dma_wait3A_122 = tpu.memref_slice %arg7[%add3A, %dma_wait3A] : memref<32x4096xi32, #tpu.memory_space<hbm>> -> memref<1x4096xi32, #tpu.memory_space<hbm>>
      %dma_wait3A_123 = tpu.memref_squeeze %dma_wait3A_122 : memref<1x4096xi32, #tpu.memory_space<hbm>> -> memref<4096xi32, #tpu.memory_space<hbm>>
      %dma_wait3A_124 = arith.constant 0 : i32
      %dma_wait3A_125 = tpu.memref_slice %arg7[%add3A, %dma_wait3A_124] : memref<32x4096xi32, #tpu.memory_space<hbm>> -> memref<1x4096xi32, #tpu.memory_space<hbm>>
      %dma_wait3A_126 = tpu.memref_squeeze %dma_wait3A_125 : memref<1x4096xi32, #tpu.memory_space<hbm>> -> memref<4096xi32, #tpu.memory_space<hbm>>
      tpu.wait_dma2 semaphore(%run_scoped3A : memref<!tpu.dma_semaphore, #tpu.memory_space<semaphore_mem>>) src(%arg11 : memref<4096xi32, #tpu.memory_space<vmem>>) dst(%dma_wait3A_126 : memref<4096xi32, #tpu.memory_space<hbm>>)
      tpu.yield
    }) : () -> ()
    "tpu.region"() ({
      %run_scoped3A = tpu.sem_alloc : memref<!tpu.dma_semaphore, #tpu.memory_space<semaphore_mem>>
      %dma_start3A_116 = arith.constant 0 : i32
      %dma_start3A_117 = tpu.memref_slice %arg8[%add3A, %dma_start3A_116] : memref<32x4096xi32, #tpu.memory_space<hbm>> -> memref<1x4096xi32, #tpu.memory_space<hbm>>
      %dma_start3A_118 = tpu.memref_squeeze %dma_start3A_117 : memref<1x4096xi32, #tpu.memory_space<hbm>> -> memref<4096xi32, #tpu.memory_space<hbm>>
      %dma_start3A_119 = arith.constant 0 : i32
      %dma_start3A_120 = tpu.memref_slice %arg8[%add3A, %dma_start3A_119] : memref<32x4096xi32, #tpu.memory_space<hbm>> -> memref<1x4096xi32, #tpu.memory_space<hbm>>
      %dma_start3A_121 = tpu.memref_squeeze %dma_start3A_120 : memref<1x4096xi32, #tpu.memory_space<hbm>> -> memref<4096xi32, #tpu.memory_space<hbm>>
      tpu.enqueue_dma source(%arg12 : memref<4096xi32, #tpu.memory_space<vmem>>) target(%dma_start3A_121 : memref<4096xi32, #tpu.memory_space<hbm>>) target_semaphore(%run_scoped3A : memref<!tpu.dma_semaphore, #tpu.memory_space<semaphore_mem>>)
      %dma_wait3A = arith.constant 0 : i32
      %dma_wait3A_122 = tpu.memref_slice %arg8[%add3A, %dma_wait3A] : memref<32x4096xi32, #tpu.memory_space<hbm>> -> memref<1x4096xi32, #tpu.memory_space<hbm>>
      %dma_wait3A_123 = tpu.memref_squeeze %dma_wait3A_122 : memref<1x4096xi32, #tpu.memory_space<hbm>> -> memref<4096xi32, #tpu.memory_space<hbm>>
      %dma_wait3A_124 = arith.constant 0 : i32
      %dma_wait3A_125 = tpu.memref_slice %arg8[%add3A, %dma_wait3A_124] : memref<32x4096xi32, #tpu.memory_space<hbm>> -> memref<1x4096xi32, #tpu.memory_space<hbm>>
      %dma_wait3A_126 = tpu.memref_squeeze %dma_wait3A_125 : memref<1x4096xi32, #tpu.memory_space<hbm>> -> memref<4096xi32, #tpu.memory_space<hbm>>
      tpu.wait_dma2 semaphore(%run_scoped3A : memref<!tpu.dma_semaphore, #tpu.memory_space<semaphore_mem>>) src(%arg12 : memref<4096xi32, #tpu.memory_space<vmem>>) dst(%dma_wait3A_126 : memref<4096xi32, #tpu.memory_space<hbm>>)
      tpu.yield
    }) : () -> ()
    return
  }
}

module attributes {stable_mosaic.version = 14 : i64} {
  func.func @_stage2_body(%arg0: memref<32x16x4096xf32, #tpu.memory_space<vmem>>, %arg1: memref<32x4096xf32, #tpu.memory_space<vmem>>, %arg2: memref<32x4096xi32, #tpu.memory_space<vmem>>, %arg3: memref<32x4096xi32, #tpu.memory_space<vmem>>, %arg4: memref<16x1xi32, #tpu.memory_space<vmem>>, %arg5: memref<1x1xf32, #tpu.memory_space<vmem>>) attributes {dimension_semantics = [], scalar_prefetch = 0 : i64, scratch_operands = 0 : i64, tpu.core_type = #tpu.core_type<tc>} {
    %get3A = arith.constant 0 : index
    %get3A_0 = arith.constant 0 : index
    %get3A_1 = vector.load %arg4[%get3A, %get3A_0] : memref<16x1xi32, #tpu.memory_space<vmem>>, vector<16x1xi32>
    %convert_element_type3A = arith.sitofp %get3A_1 : vector<16x1xi32> to vector<16x1xf32>
    %sqrt3A = math.sqrt %convert_element_type3A : vector<16x1xf32>
    %sqrt3A_2 = math.sqrt %sqrt3A : vector<16x1xf32>
    %div3A = arith.constant 1.000000e+00 : f32
    %div3A_3 = vector.broadcast %div3A : f32 to vector<16x1xf32>
    %div3A_4 = arith.divf %div3A_3, %sqrt3A_2 : vector<16x1xf32>
    %reduce_max3A = vector.shape_cast %div3A_4 : vector<16x1xf32> to vector<1x16x1xf32>
    %reduce_max3A_5 = arith.constant dense<0xFF800000> : vector<1xf32>
    %reduce_max3A_6 = vector.multi_reduction <maximumf>, %reduce_max3A, %reduce_max3A_5 [1, 2] : vector<1x16x1xf32> to vector<1xf32>
    %reduce_max3A_7 = vector.shape_cast %reduce_max3A_6 : vector<1xf32> to vector<1x1x1xf32>
    %reduce_max3A_8 = vector.extract %reduce_max3A_7[0, 0, 0] : f32 from vector<1x1x1xf32>
    %div3A_9 = arith.constant 5.000000e-01 : f32
    %div3A_10 = arith.divf %div3A_9, %reduce_max3A_8 : f32
    %mul3A = vector.broadcast %div3A_10 : f32 to vector<16x1xf32>
    %mul3A_11 = arith.mulf %div3A_4, %mul3A : vector<16x1xf32>
    %get3A_12 = arith.constant 0 : index
    %get3A_13 = arith.constant 0 : index
    %get3A_14 = arith.constant 0 : index
    %get3A_15 = vector.load %arg0[%get3A_12, %get3A_13, %get3A_14] : memref<32x16x4096xf32, #tpu.memory_space<vmem>>, vector<32x16x4096xf32>
    %reduce_sum3A = arith.constant dense<0.000000e+00> : vector<16x4096xf32>
    %reduce_sum3A_16 = vector.multi_reduction <add>, %get3A_15, %reduce_sum3A [0] : vector<32x16x4096xf32> to vector<16x4096xf32>
    %get3A_17 = arith.constant 0 : index
    %get3A_18 = arith.constant 0 : index
    %get3A_19 = vector.load %arg1[%get3A_17, %get3A_18] : memref<32x4096xf32, #tpu.memory_space<vmem>>, vector<32x4096xf32>
    %reduce_sum3A_20 = arith.constant dense<0.000000e+00> : vector<4096xf32>
    %reduce_sum3A_21 = vector.multi_reduction <add>, %get3A_19, %reduce_sum3A_20 [0] : vector<32x4096xf32> to vector<4096xf32>
    %broadcast_in_dim3A = vector.shape_cast %reduce_sum3A_21 : vector<4096xf32> to vector<1x4096xf32>
    %gt3A = arith.constant 0.000000e+00 : f32
    %gt3A_22 = vector.broadcast %gt3A : f32 to vector<1x4096xf32>
    %gt3A_23 = arith.cmpf ogt, %broadcast_in_dim3A, %gt3A_22 : vector<1x4096xf32>
    %jit3A = arith.constant 1.000000e+00 : f32
    %broadcast_in_dim3A_24 = vector.broadcast %jit3A : f32 to vector<1x4096xf32>
    %select_n3A = arith.select %gt3A_23, %broadcast_in_dim3A, %broadcast_in_dim3A_24 : vector<1x4096xi1>, vector<1x4096xf32>
    %div3A_25 = vector.broadcast %select_n3A : vector<1x4096xf32> to vector<16x4096xf32>
    %div3A_26 = arith.divf %reduce_sum3A_16, %div3A_25 : vector<16x4096xf32>
    %get3A_27 = arith.constant 0 : index
    %get3A_28 = arith.constant 0 : index
    %get3A_29 = vector.load %arg2[%get3A_27, %get3A_28] : memref<32x4096xi32, #tpu.memory_space<vmem>>, vector<32x4096xi32>
    %iota3A = tpu.iota {dimensions = array<i32: 0>} : vector<32x4096xi32>
    %eq3A = arith.constant 2147483647 : i32
    %eq3A_30 = vector.broadcast %eq3A : i32 to vector<32x4096xi32>
    %eq3A_31 = arith.cmpi eq, %get3A_29, %eq3A_30 : vector<32x4096xi32>
    %mul3A_32 = arith.constant 65536 : i32
    %mul3A_33 = vector.broadcast %mul3A_32 : i32 to vector<32x4096xi32>
    %mul3A_34 = arith.muli %iota3A, %mul3A_33 : vector<32x4096xi32>
    %add3A = arith.addi %mul3A_34, %get3A_29 : vector<32x4096xi32>
    %jit3A_35 = arith.constant 2147483647 : i32
    %broadcast_in_dim3A_36 = vector.broadcast %jit3A_35 : i32 to vector<32x4096xi32>
    %select_n3A_37 = arith.select %eq3A_31, %broadcast_in_dim3A_36, %add3A : vector<32x4096xi1>, vector<32x4096xi32>
    %reduce_min3A = arith.constant dense<2147483647> : vector<4096xi32>
    %reduce_min3A_38 = vector.multi_reduction <minsi>, %select_n3A_37, %reduce_min3A [0] : vector<32x4096xi32> to vector<4096xi32>
    %broadcast_in_dim3A_39 = vector.shape_cast %reduce_min3A_38 : vector<4096xi32> to vector<1x4096xi32>
    %eq3A_40 = vector.broadcast %broadcast_in_dim3A_39 : vector<1x4096xi32> to vector<32x4096xi32>
    %eq3A_41 = arith.cmpi eq, %select_n3A_37, %eq3A_40 : vector<32x4096xi32>
    %get3A_42 = arith.constant 0 : index
    %get3A_43 = arith.constant 0 : index
    %get3A_44 = vector.load %arg3[%get3A_42, %get3A_43] : memref<32x4096xi32, #tpu.memory_space<vmem>>, vector<32x4096xi32>
    %jit3A_45 = arith.constant -1 : i32
    %broadcast_in_dim3A_46 = vector.broadcast %jit3A_45 : i32 to vector<32x4096xi32>
    %select_n3A_47 = arith.select %eq3A_41, %get3A_44, %broadcast_in_dim3A_46 : vector<32x4096xi1>, vector<32x4096xi32>
    %reduce_max3A_48 = arith.constant dense<-2147483648> : vector<4096xi32>
    %reduce_max3A_49 = vector.multi_reduction <maxsi>, %select_n3A_47, %reduce_max3A_48 [0] : vector<32x4096xi32> to vector<4096xi32>
    %broadcast_in_dim3A_50 = vector.shape_cast %reduce_max3A_49 : vector<4096xi32> to vector<1x4096xi32>
    %iota3A_51 = tpu.iota {dimensions = array<i32: 0>} : vector<16x4096xi32>
    %eq3A_52 = vector.broadcast %broadcast_in_dim3A_50 : vector<1x4096xi32> to vector<16x4096xi32>
    %eq3A_53 = arith.cmpi eq, %iota3A_51, %eq3A_52 : vector<16x4096xi32>
    %jit3A_54 = arith.constant 1.000000e+00 : f32
    %jit3A_55 = arith.constant 0.000000e+00 : f32
    %broadcast_in_dim3A_56 = vector.broadcast %jit3A_54 : f32 to vector<16x4096xf32>
    %broadcast_in_dim3A_57 = vector.broadcast %jit3A_55 : f32 to vector<16x4096xf32>
    %select_n3A_58 = arith.select %eq3A_53, %broadcast_in_dim3A_56, %broadcast_in_dim3A_57 : vector<16x4096xi1>, vector<16x4096xf32>
    %mul3A_59 = vector.broadcast %mul3A_11 : vector<16x1xf32> to vector<16x4096xf32>
    %mul3A_60 = arith.mulf %select_n3A_58, %mul3A_59 : vector<16x4096xf32>
    %reduce_sum3A_61 = arith.constant dense<0.000000e+00> : vector<4096xf32>
    %reduce_sum3A_62 = vector.multi_reduction <add>, %mul3A_60, %reduce_sum3A_61 [0] : vector<16x4096xf32> to vector<4096xf32>
    %broadcast_in_dim3A_63 = vector.shape_cast %reduce_sum3A_62 : vector<4096xf32> to vector<1x4096xf32>
    %mul3A_64 = vector.broadcast %broadcast_in_dim3A_63 : vector<1x4096xf32> to vector<16x4096xf32>
    %mul3A_65 = arith.mulf %select_n3A_58, %mul3A_64 : vector<16x4096xf32>
    %sub3A = arith.subf %div3A_26, %mul3A_65 : vector<16x4096xf32>
    %mul3A_66 = arith.constant 3.000000e+01 : f32
    %mul3A_67 = vector.broadcast %mul3A_66 : f32 to vector<16x4096xf32>
    %mul3A_68 = arith.mulf %mul3A_67, %sub3A : vector<16x4096xf32>
    %reduce_max3A_69 = arith.constant dense<0xFF800000> : vector<4096xf32>
    %reduce_max3A_70 = vector.multi_reduction <maximumf>, %mul3A_68, %reduce_max3A_69 [0] : vector<16x4096xf32> to vector<4096xf32>
    %broadcast_in_dim3A_71 = vector.shape_cast %reduce_max3A_70 : vector<4096xf32> to vector<1x4096xf32>
    %sub3A_72 = vector.broadcast %broadcast_in_dim3A_71 : vector<1x4096xf32> to vector<16x4096xf32>
    %sub3A_73 = arith.subf %mul3A_68, %sub3A_72 : vector<16x4096xf32>
    %exp3A = math.exp %sub3A_73 : vector<16x4096xf32>
    %reduce_sum3A_74 = arith.constant dense<0.000000e+00> : vector<4096xf32>
    %reduce_sum3A_75 = vector.multi_reduction <add>, %exp3A, %reduce_sum3A_74 [0] : vector<16x4096xf32> to vector<4096xf32>
    %broadcast_in_dim3A_76 = vector.shape_cast %reduce_sum3A_75 : vector<4096xf32> to vector<1x4096xf32>
    %log3A = math.log %broadcast_in_dim3A_76 : vector<1x4096xf32>
    %add3A_77 = arith.addf %log3A, %broadcast_in_dim3A_71 : vector<1x4096xf32>
    %jit3A_78 = arith.constant 0.000000e+00 : f32
    %broadcast_in_dim3A_79 = vector.broadcast %jit3A_78 : f32 to vector<16x4096xf32>
    %select_n3A_80 = arith.select %eq3A_53, %mul3A_68, %broadcast_in_dim3A_79 : vector<16x4096xi1>, vector<16x4096xf32>
    %reduce_sum3A_81 = arith.constant dense<0.000000e+00> : vector<4096xf32>
    %reduce_sum3A_82 = vector.multi_reduction <add>, %select_n3A_80, %reduce_sum3A_81 [0] : vector<16x4096xf32> to vector<4096xf32>
    %broadcast_in_dim3A_83 = vector.shape_cast %reduce_sum3A_82 : vector<4096xf32> to vector<1x4096xf32>
    %sub3A_84 = arith.subf %add3A_77, %broadcast_in_dim3A_83 : vector<1x4096xf32>
    %jit3A_85 = arith.constant 0.000000e+00 : f32
    %broadcast_in_dim3A_86 = vector.broadcast %jit3A_85 : f32 to vector<1x4096xf32>
    %select_n3A_87 = arith.select %gt3A_23, %sub3A_84, %broadcast_in_dim3A_86 : vector<1x4096xi1>, vector<1x4096xf32>
    %reduce_sum3A_88 = vector.shape_cast %select_n3A_87 : vector<1x4096xf32> to vector<1x1x4096xf32>
    %reduce_sum3A_89 = arith.constant dense<0.000000e+00> : vector<1xf32>
    %reduce_sum3A_90 = vector.multi_reduction <add>, %reduce_sum3A_88, %reduce_sum3A_89 [1, 2] : vector<1x1x4096xf32> to vector<1xf32>
    %reduce_sum3A_91 = vector.shape_cast %reduce_sum3A_90 : vector<1xf32> to vector<1x1x1xf32>
    %reduce_sum3A_92 = vector.extract %reduce_sum3A_91[0, 0, 0] : f32 from vector<1x1x1xf32>
    %jit3A_93 = arith.constant 1.000000e+00 : f32
    %jit3A_94 = arith.constant 0.000000e+00 : f32
    %broadcast_in_dim3A_95 = vector.broadcast %jit3A_93 : f32 to vector<1x4096xf32>
    %broadcast_in_dim3A_96 = vector.broadcast %jit3A_94 : f32 to vector<1x4096xf32>
    %select_n3A_97 = arith.select %gt3A_23, %broadcast_in_dim3A_95, %broadcast_in_dim3A_96 : vector<1x4096xi1>, vector<1x4096xf32>
    %reduce_sum3A_98 = vector.shape_cast %select_n3A_97 : vector<1x4096xf32> to vector<1x1x4096xf32>
    %reduce_sum3A_99 = arith.constant dense<0.000000e+00> : vector<1xf32>
    %reduce_sum3A_100 = vector.multi_reduction <add>, %reduce_sum3A_98, %reduce_sum3A_99 [1, 2] : vector<1x1x4096xf32> to vector<1xf32>
    %reduce_sum3A_101 = vector.shape_cast %reduce_sum3A_100 : vector<1xf32> to vector<1x1x1xf32>
    %reduce_sum3A_102 = vector.extract %reduce_sum3A_101[0, 0, 0] : f32 from vector<1x1x1xf32>
    %div3A_103 = arith.divf %reduce_sum3A_92, %reduce_sum3A_102 : f32
    %reshape3A = vector.broadcast %div3A_103 : f32 to vector<1x1xf32>
    %swap3A = arith.constant 0 : index
    %swap3A_104 = arith.constant 0 : index
    %swap3A_105 = vector.load %arg5[%swap3A, %swap3A_104] : memref<1x1xf32, #tpu.memory_space<vmem>>, vector<1x1xf32>
    tpu.vector_store %arg5[%swap3A, %swap3A_104], %reshape3A {strides = array<i32>} : memref<1x1xf32, #tpu.memory_space<vmem>>, vector<1x1xf32>,
    return
  }
}

</mosaic_0001>

<sc_bundles>
// kernel: kernel.4.cloned.1.call-start
scs
__scs_entry_jumppad:
0x0: {  	(pc) =	sbr.rel $0x88, $3  }
0x1: {  	(tag) =	ssettag $0x0;
	lr =	simm.s32 $0x1  }
0x2: {  	[smem:$0x3F9D] =	sst lr;
	_ =	strace $0xD0000000  }
0x3: {  	_ = 	snop  }
0x4: {  	_ = 	snop  }
0x5: {  	_ = 	snop  }
0x6: {  	_ = 	snop  }
0x7: {  	_ = 	snop  }
__scs_overlays_trampoline_lowered:
0x8: {  	[smem:$0x3FAC] =	sst s0  }
0x9: {  	[smem:$0x3FAD] =	sst s1  }
0xa: {  	[smem:$0x3FAE] =	sst s2  }
0xb: {  	[smem:$0x3FAF] =	sst s3  }
0xc: {  	[smem:$0x3FB0] =	sst s4  }
0xd: {  	[smem:$0x3FB1] =	sst s5  }
0xe: {  	[smem:$0x3FB2] =	sst s6  }
0xf: {  	[smem:$0x3FB3] =	sst s7  }
0x10: {  	[smem:$0x3FB4] =	sst s8  }
0x11: {  	[smem:$0x3FB5] =	sst s9;
	s0 =	simm.s32 @!p0 $0x0  }
0x12: {  	s1 =	sld [smem:$0x3F9B];
	s0 =	simm.s32 @p0 $0x1  }
0x13: {  	[smem:$0x3FB6] =	sst s0;
	s0 =	simm.s32 @!p1 $0x0  }
0x14: {  	s2 =	sld [smem:$0x3F9A];
	s0 =	simm.s32 @p1 $0x1  }
0x15: {  	[smem:$0x3FB7] =	sst s0;
	s0 =	simm.s32 @!p2 $0x0  }
0x16: {  	s3 =	sld [smem:$0x3FDB];
	s0 =	simm.s32 @p2 $0x1  }
0x17: {  	s4 =	simm.s32 $0x1BF5;
	[smem:$0x3FB9] =	sst s0  }
0x18: {  	s0 =	sld [smem:$0x3F9C];
	_ =	swait.ge [sflag:s4], $0x0  }
0x19: {  	s7 =	sld [smem:$0x3F9D]  }
0x1a: {  	s8 =	sadd.s32 $0xFFFFE003, lr  }
0x1b: {  	s9 =	sadd.s32 $0xFFFFFEF7, lr;
	s5 =	simm.s32 $0xFFFFFFFF;
	p2 =	slt.u32 s8, $0xFFFFF086  }
0x1c: {  	p1 =	slt.u32 s9, $0xF7A;
	s5 =	simm.s32 @!p2 $0x0  }
0x1d: {  	s5 =	simm.s32 @p1 $0x1;
	p0 =	seq.s32 s7, s2  }
0x1e: {  	s7 =	smul.u32 @!p0 $0xF7A, s2;
	p2 =	seq.s32 @!p0 s5, $0x0  }
0x1f: {  	s9 =	smul.u32 $0xF7A, s1;
	s8 =	simm.s32 @!p0 $0x1BF5;
	p2 =	por !p2, p0  }
0x20: {  	[sflag:s8] =	ssyncset.s32 @!p0 $0xFFFFF086;
	s6 =	sadd.s32 @!p0 s3, s7;
	s7 =	simm.s32 @!p0 $0x108  }
0x21: {  	s3 =	sadd.s32 s3, s9;
	s6 =	sadd.s32 @!p0 $0x88, s6;
	s7 =	simm.s32 @p2 $0x1082  }
0x22: {  	[simem:s7], [sflag:s8] =	dma.local @!p0 [hbm:s6], $0xF7A  }
0x23: {  	s9 =	sor.u32 $0xD0000000, s2;
	s6 =	simm.s32 $0x108;
	_ =	swait.ge @!p0 [sflag:s8], $0x0  }
0x24: {  	s3 =	sadd.s32 $0x88, s3;
	s6 =	simm.s32 @!p1 $0x1082;
	[sflag:s4] =	ssyncset.s32 $0xFFFFF086  }
0x25: {  	[simem:s6], [sflag:s4] =	dma.local [hbm:s3], $0xF7A  }
0x26: {  	[smem:$0x3F9D] =	sst s1;
	(tag) =	ssettag s2;
	_ =	strace s9  }
0x27: {  	s1 =	sld [smem:$0x3FAD]  }
0x28: {  	s2 =	sld [smem:$0x3FAE]  }
0x29: {  	s4 =	sld [smem:$0x3FB0]  }
0x2a: {  	p0 =	seq.s32 s5, $0x0;
	s5 =	sld [smem:$0x3FB1]  }
0x2b: {  	s6 =	sld [smem:$0x3FB2]  }
0x2c: {  	s7 =	sld [smem:$0x3FB3]  }
0x2d: {  	s3 =	simm.s32 $0x108;
	s8 =	sld [smem:$0x3FB4]  }
0x2e: {  	s3 =	simm.s32 @!p0 $0x1082;
	s9 =	sld [smem:$0x3FB5]  }
0x2f: {  	lr =	sadd.s32 s0, s3;
	s0 =	sld [smem:$0x3FAC]  }
0x30: {  	s3 =	sld [smem:$0x3FAF]  }
0x31: {  	[smem:$0x3FB8] =	sst s10  }
0x32: {  	s10 =	sld [smem:$0x3FB6];
	_ =	sdelay $0x3  }
0x33: {  	p0 =	seq.s32 s10, $0x1;
	s10 =	sld [smem:$0x3FB8];
	_ =	sdelay $0x3  }
0x34: {  	[smem:$0x3FB8] =	sst s10  }
0x35: {  	s10 =	sld [smem:$0x3FB7];
	_ =	sdelay $0x3  }
0x36: {  	p1 =	seq.s32 s10, $0x1;
	s10 =	sld [smem:$0x3FB8];
	_ =	sdelay $0x3  }
0x37: {  	[smem:$0x3FB8] =	sst s10  }
0x38: {  	s10 =	sld [smem:$0x3FB9]  }
0x39: {  	_ = 	snop;
	(pc) =	sbr.ind lr, $3  }
0x3a: {  	_ = 	snop  }
0x3b: {  	_ = 	snop  }
0x3c: {  	p2 =	seq.s32 s10, $0x1;
	s10 =	sld [smem:$0x3FB8]  }
0x3d: {  	_ =	shalt  }
0x3e: {  	_ =	shalt  }
0x3f: {  	_ =	shalt  }
0x40: {  	_ =	shalt  }
0x41: {  	_ =	shalt  }
0x42: {  	_ =	shalt  }
0x43: {  	_ =	shalt  }
0x44: {  	_ =	shalt  }
0x45: {  	_ =	shalt  }
0x46: {  	_ =	shalt  }
0x47: {  	_ =	shalt  }
0x48: {  	_ =	shalt  }
0x49: {  	_ =	shalt  }
0x4a: {  	_ =	shalt  }
0x4b: {  	_ =	shalt  }
0x4c: {  	_ =	shalt  }
0x4d: {  	_ =	shalt  }
0x4e: {  	_ =	shalt  }
0x4f: {  	_ =	shalt  }
0x50: {  	_ =	shalt  }
0x51: {  	_ =	shalt  }
0x52: {  	_ =	shalt  }
0x53: {  	_ =	shalt  }
0x54: {  	_ =	shalt  }
0x55: {  	_ =	shalt  }
0x56: {  	_ =	shalt  }
0x57: {  	_ =	shalt  }
0x58: {  	_ =	shalt  }
0x59: {  	_ =	shalt  }
0x5a: {  	_ =	shalt  }
0x5b: {  	_ =	shalt  }
0x5c: {  	_ =	shalt  }
0x5d: {  	_ =	shalt  }
0x5e: {  	_ =	shalt  }
0x5f: {  	_ =	shalt  }
0x60: {  	_ =	shalt  }
0x61: {  	_ =	shalt  }
0x62: {  	_ =	shalt  }
0x63: {  	_ =	shalt  }
0x64: {  	_ =	shalt  }
0x65: {  	_ =	shalt  }
0x66: {  	_ =	shalt  }
0x67: {  	_ =	shalt  }
0x68: {  	_ =	shalt  }
0x69: {  	_ =	shalt  }
0x6a: {  	_ =	shalt  }
0x6b: {  	_ =	shalt  }
0x6c: {  	_ =	shalt  }
0x6d: {  	_ =	shalt  }
0x6e: {  	_ =	shalt  }
0x6f: {  	_ =	shalt  }
0x70: {  	_ =	shalt  }
0x71: {  	_ =	shalt  }
0x72: {  	_ =	shalt  }
0x73: {  	_ =	shalt  }
0x74: {  	_ =	shalt  }
0x75: {  	_ =	shalt  }
0x76: {  	_ =	shalt  }
0x77: {  	_ =	shalt  }
0x78: {  	_ =	shalt  }
0x79: {  	_ =	shalt  }
0x7a: {  	_ =	shalt  }
0x7b: {  	_ =	shalt  }
0x7c: {  	_ =	shalt  }
0x7d: {  	_ =	shalt  }
0x7e: {  	_ =	shalt  }
0x7f: {  	_ =	shalt  }
0x80: {  	_ =	shalt  }
0x81: {  	_ =	shalt  }
0x82: {  	_ =	shalt  }
0x83: {  	_ =	shalt  }
0x84: {  	_ =	shalt  }
0x85: {  	_ =	shalt  }
0x86: {  	_ =	shalt  }
0x87: {  	_ =	shalt  }
.Lfunc_end0:
.L_simem_size_0:
called_computation_lowered:
.L_overlay_start_0:
0x88: {  	s2 =	sld [smem:$0x3FD9]  }
0x89: {  	s3 =	sld [smem:$0x3FFE];
	_ =	sdelay $0x1  }
0x8a: {  	s1 =	srdreg.scid  }
0x8b: {  	s0 =	sand.u32 $0x1, s1  }
0x8c: {  	s17 =	sshll.u32 s0, $0xA;
	s2 =	sadd.s32 s3, s2  }
0x8d: {  	s2 =	sadd.s32 s2, s17  }
0x8e: {  	[smem:$0x3FC4] =	sst s2  }
0x8f: {  	_ = 	snop  }
0x90: {  	s2 =	sld [smem:$0x3FC9]  }
0x91: {  	s18 =	sld [smem:$0x3FC8]  }
0x92: {  	s4 =	sld [smem:$0x3FC7];
	(tm) =	ssettm $0x1  }
0x93: {  	s5 =	sld [smem:$0x3FFB];
	_ =	sdelay $0x3  }
0x94: {  	_ =	strace s5  }
0x95: {  	s5 =	sld [smem:$0x3FFC];
	_ =	sdelay $0x3  }
0x96: {  	_ =	strace s5  }
0x97: {  	s5 =	sld [smem:$0x3FFD];
	_ =	sdelay $0x3  }
0x98: {  	_ =	strace s5  }
0x99: {  	_ =	strace $0x8FFFFFFF  }
0x9a: {  	s19 =	sld [smem:$0x3FDB];
	_ =	sdelay $0x1  }
0x9b: {  	s6 =	simm.s32 $_scs_section_size  }
0x9c: {  	s7 =	simm.s32 $_size__tile_overlayer_lowered;
	s8 =	simm.s32 $_tile_overlayer_lowered  }
0x9d: {  	s22 =	simm.s32 $0x1BFF;
	s21 =	sshll.u32 s8, $0x1;
	s5 =	sadd.s32 s6, s19  }
0x9e: {  	s9 =	simm.s32 $0x0;
	s20 =	sshll.u32 s7, $0x1;
	s7 =	sadd.s32 s21, s5  }
0x9f: {  	[timem:s9], [sflag:s22] =	dma.local [hbm:s7], s20  }
0xa0: {  	_ =	swait.ge [sflag:s22], s20  }
0xa1: {  	s6 =	ssub.s32 $0x0, s20;
	[sflag:s22] =	ssyncset.done $0x0  }
0xa2: {  	[sflag:s22] =	ssyncadd.s32 s6;
	_ =	sdelay $0x1  }
0xa3: {  	s23 =	simm.s32 $0x1B8B  }
0xa4: {  	_ =	swait.ge [sflag:s23], $0x1  }
0xa5: {  	[sflag:s23] =	ssyncset.done $0x0  }
0xa6: {  	s25 =	simm.s32 $0x1B8E;
	s24 =	sld [smem:$0x3FFE];
	[sflag:s23] =	ssyncadd.s32 $0xFFFFFFFF  }
0xa7: {  	s26 =	simm.s32 $execute0_lowered;
	[smem:$0x3FD2] =	sst s25  }
0xa8: {  	s7 =	sshll.u32 s26, $0x1;
	_ =	strace $0x80000046;
	[dreg:$0x1] =	wrdreg $0xFFFFFFFF  }
0xa9: {  	s28 =	simm.s32 $_size_execute0_lowered;
	s5 =	sadd.s32 s5, s7;
	[dreg:$0x0] =	wrdreg $0x0  }
0xaa: {  	s7 =	sshll.u32 s28, $0x1;
	[dreg:$0x2] =	wrdreg s5  }
0xab: {  	[dreg:$0x3] =	wrdreg s7  }
0xac: {  	[dreg:$0x4] =	wrdreg $0xC0  }
0xad: {  	_ =	task [dreg:s9], $0x5FFFF  }
0xae: {  	[dreg:$0x1] =	wrdreg $0xFFFFFFFF  }
0xaf: {  	[dreg:$0x0] =	wrdreg $0x60  }
0xb0: {  	[dreg:$0x2] =	wrdreg s2  }
0xb1: {  	[dreg:$0x3] =	wrdreg s4  }
0xb2: {  	[dreg:$0x4] =	wrdreg s18  }
0xb3: {  	[dreg:$0x5] =	wrdreg s24  }
0xb4: {  	[dreg:$0x6] =	wrdreg $0x9  }
0xb5: {  	_ =	task.clear_ibuf [dreg:s9], $0x7FFFF;
	_ =	strace $0x90000046  }
0xb6: {  	s29 =	simm.s32 $0x9;
	_ =	strace $0x80000048  }
0xb7: {  	_ =	swait.ge [sflag:s29], $0x1  }
0xb8: {  	[sflag:s29] =	ssyncadd.s32 $0xFFFFFFFF  }
0xb9: {  	_ =	strace $0x90000048  }
0xba: {  	_ =	sfence  }
0xbb: {  	s30 =	sld [smem:$0x0];
	_ =	sdelay $0x2  }
0xbc: {  	s31 =	sshll.u32 s1, $0xD;
	s1 =	sshrl.u32 s1, $0x2  }
0xbd: {  	s3 =	sand.u32 $0x4000, s31;
	s1 =	sadd.s32 s1, s30  }
0xbe: {  	s0 =	sor.u32 s3, s0;
	s1 =	sshll.u32 s1, $0x11  }
0xbf: {  	s0 =	sor.u32 s1, s0  }
0xc0: {  	s0 =	sadd.s32 $0x8F2B, s0  }
0xc1: {  	[sflag:s0] =	ssyncadd.remote.s32 $0x1  }
0xc2: {  	_ =	sfence.sel $0xFFFF  }
0xc3: {  	[dreg:$0x0] =	wrdreg $0xFFFFFFFF;
	(pc) =	sbr.abs _section_cstart, $3  }
0xc4: {  	[dreg:$0x1] =	wrdreg $0xFFFFFFFF  }
0xc5: {  	_ =	task.clear_ibuf [dreg:s9], $0x2FFFF;
	_ =	strace $0x9FFFFFFF  }
0xc6: {  	(tm) =	ssettm $0x7FFFFFFF  }
0xc7: {  	_ =	shalt  }
tec
execute0_lowered:
.L_overlay_start_1:
0x0: {  	(tag) =	ssettag $0x1  }
0x1: {  	s2 =	rddreg [dreg:$0x0]  }
0x2: {  	s4 =	rddreg [dreg:$0x1]  }
0x3: {  	s0 =	srdreg.scid;
	s13 =	rddreg [dreg:$0x2]  }
0x4: {  	s1 =	stileid.u32;
	s6 =	rddreg [dreg:$0x3];
	s5 =	simm.s32 $0x0  }
0x5: {  	s28 =	simm.s32 $0x11000;
	s29 =	simm.s32 $0x12000;
	s30 =	simm.s32 $0x2  }
0x6: {  	s0 =	sand.u32 $0x1, s0;
	s3 =	sshll.u32 s1, $0x1;
	s7 =	sshll.u32 s1, $0xA  }
0x7: {  	[smem:$0x7FF] =	sst s5;
	s17 =	sshrl.u32 s1, $0x1;
	s1 =	simm.s32 $0x0  }
0x8: {  	s3 =	sor.u32 s0, s3;
	_ =	strace $0x80000047;
	s0 =	ssub.s32 $0x2, s0  }
0x9: {  	s8 =	sshll.u32 s3, $0x4;
	s16 =	sshll.u32 s3, $0xD;
	s3 =	sshll.u32 s3, $0x10  }
0xa: {  	s18 =	sshrl.u32 s0, $0x1;
	s7 =	sor.u32 s7, s8;
	s9 =	sadd.s32 s16, s6  }
0xb: {  	s8 =	sshll.u32 s17, $0x12;
	s0 =	ssub.s32 s0, s18;
	s7 =	sand.u32 $0x3070, s7  }
0xc: {  	s24 =	sadd.s32 $0x1200, s9;
	s0 =	smax.u32 s0, $0x1;
	s10 =	sadd.s32 s7, s6  }
0xd: {  	s6 =	sand.u32 $0x30000, s3;
	s7 =	sshll.u32 s17, $0x16;
	[dreg:$0x8] =	wrdreg s24  }
0xe: {  	[dreg:$0xc] =	wrdreg s0;
	s11 =	sor.u32 s7, s6;
	s25 =	sadd.s32 $0x41200, s10  }
0xf: {  	s12 =	sor.u32 s8, s6;
	s26 =	sadd.s32 $0x45200, s10;
	[dreg:$0x9] =	wrdreg s25  }
0x10: {  	s31 =	sadd.s32 $0x49200, s10;
	s19 =	sshrl.u32 s11, $0x3;
	[dreg:$0xa] =	wrdreg s26  }
0x11: {  	v0 =	vlaneseq.u32;
	s20 =	sshrl.u32 s12, $0x3;
	[dreg:$0xb] =	wrdreg s31;
	s21 =	sadd.s32 s2, s19  }
0x12: {  	v5 =	vmul.u32 $0xFFFFFFFF, v0;
	s25 =	simm.s32 $0x1;
	s22 =	sadd.s32 s4, s20;
	[dreg:$0x5] =	wrdreg s21  }
0x13: {  	v1 =	vimm.f32 $0.0e+00;
	v2 =	vimm.s32 $0x7FFFFFFF;
	s26 =	simm.s32 $0x10000;
	s23 =	sadd.s32 s13, s20;
	[dreg:$0x6] =	wrdreg s22  }
0x14: {  	v3 =	vimm.s32 $0x0;
	v4 =	vimm.f32 $1.000000000e+00;
	v5 =	vadd.s32 $0xF, v5;
	s4 =	simm.s32 $0x400;
	s19 =	simm.s32 $0x0;
	[dreg:$0x7] =	wrdreg s23  }
.LBB2_1:
0x15: {  	s0 =	simm.s32 $0x0  }
.LBB2_2:
0x16: {  	p0 =	sne.s32 s0, $0x3FC0  }
.Ltmp0:
0x17: {  	_ = 	snop;
	(pc) =	sbr.rel @p0 .LBB2_2-.Ltmp0, $4  }
0x18: {  	s3 =	sshra.s32 s0, $0x2  }
0x19: {  	[tilespmem:s3+$0x10000] =	vst v1  }
0x1a: {  	[tilespmem:s3+$0x11000] =	vst v2  }
0x1b: {  	s0 =	sadd.s32 $0x40, s0;
	[tilespmem:s3+$0x12000] =	vst v3  }
0x1c: {  	s3 =	simm.s32 $0x0  }
0x1d: {  	s0 =	sand.u32 $0x70, s3;
	s9 =	sand.u32 $0x7C00, s3  }
0x1e: {  	s0 =	sor.u32 s0, s9  }
0x1f: {  	[tilespmem:s0+$0x80] =	vst v1  }
0x20: {  	[tilespmem:s0+$0x100] =	vst v1  }
0x21: {  	[dreg:$0xd] =	wrdreg s1;
	[tilespmem:s0+$0x180] =	vst v1  }
0x22: {  	s10 =	simm.s32 $0x0;
	s11 =	sand.u32 $0x7, s3;
	s9 =	simm.s32 $0x10;
	[tilespmem:s0+$0x200] =	vst v1  }
.LBB2_4:
0x23: {  	p0 =	sne.s32 s9, $0xFF0;
	s11 =	sshll.u32 s11, $0x4;
	[tilespmem:s0+$0x280] =	vst v1  }
0x24: {  	s11 =	sadd.s32 s11, s3;
	[tilespmem:s0+$0x300] =	vst v1  }
0x25: {  	[tilespmem:s0+$0x0] =	vst v1;
	s11 =	sor.u32 $0x380, s11  }
0x26: {  	[tilespmem:s11+$0x0] =	vst v1  }
0x27: {  	[tilespmem:s0+$0x8000] =	vst v1  }
0x28: {  	[tilespmem:s0+$0x8080] =	vst v1  }
0x29: {  	[tilespmem:s0+$0x8100] =	vst v1  }
0x2a: {  	[tilespmem:s0+$0x8180] =	vst v1  }
0x2b: {  	[tilespmem:s0+$0x8200] =	vst v1  }
0x2c: {  	s3 =	sadd.s32 $0x80, s3;
	[tilespmem:s0+$0x8280] =	vst v1  }
0x2d: {  	s12 =	sand.u32 $0x7C00, s3;
	s11 =	sand.u32 $0x70, s9;
	[tilespmem:s0+$0x8300] =	vst v1  }
.Ltmp1:
0x2e: {  	[tilespmem:s0+$0x8380] =	vst v1;
	s0 =	sor.u32 s11, s12;
	(pc) =	sbr.rel @p0 .LBB2_4-.Ltmp1, $4  }
0x2f: {  	[tilespmem:s0+$0x80] =	vst v1  }
0x30: {  	[tilespmem:s0+$0x100] =	vst v1  }
0x31: {  	s10 =	sadd.s32 $0x1, s10;
	[tilespmem:s0+$0x180] =	vst v1  }
0x32: {  	s9 =	sadd.s32 $0x10, s9;
	s11 =	sand.u32 $0x7, s10;
	[tilespmem:s0+$0x200] =	vst v1  }
0x33: {  	s9 =	sshll.u32 s11, $0x4;
	[tilespmem:s0+$0x280] =	vst v1  }
0x34: {  	[tilespmem:s0+$0x300] =	vst v1;
	s3 =	sadd.s32 s9, s3  }
0x35: {  	[tilespmem:s0+$0x0] =	vst v1;
	s3 =	sor.u32 $0x380, s3  }
0x36: {  	[tilespmem:s3+$0x0] =	vst v1  }
0x37: {  	[tilespmem:s0+$0x8000] =	vst v1  }
0x38: {  	[tilespmem:s0+$0x8080] =	vst v1  }
0x39: {  	[tilespmem:s0+$0x8100] =	vst v1  }
0x3a: {  	[tilespmem:s0+$0x8180] =	vst v1  }
0x3b: {  	[tilespmem:s0+$0x8200] =	vst v1  }
0x3c: {  	[tilespmem:s0+$0x8280] =	vst v1  }
0x3d: {  	[tilespmem:s0+$0x8300] =	vst v1  }
0x3e: {  	s21 =	rddreg [dreg:$0x5];
	s1 =	simm.s32 $0x40000;
	s2 =	simm.s32 $0x13000;
	[tilespmem:s0+$0x8380] =	vst v1  }
0x3f: {  	[tilespmem:s2], [sflag:$0x1] =	stream.strided.gather [hbm4b:s21+s4], $0x4000, s1, s4, $0x38;
	[tilespmem:$0x1C000] =	vst v63  }
0x40: {  	s22 =	rddreg [dreg:$0x6];
	s23 =	simm.s32 $0x1B000  }
0x41: {  	[tilespmem:s23], [sflag:$0x1] =	stream.linear.gather [hbm4b:s22+s19], $0x400, $0x38;
	[tilespmem:$0x1C000] =	vst v63  }
0x42: {  	s24 =	rddreg [dreg:$0x7];
	s31 =	simm.s32 $0x1B800;
	s20 =	simm.s32 $0x0  }
0x43: {  	[tilespmem:s31], [sflag:$0x1] =	stream.linear.gather [hbm4b:s24+s19], $0x400, $0x38;
	[tilespmem:$0x1C000] =	vst v63  }
.LBB2_6:
0x44: {  	s10 =	sshll.u32 s20, $0xB  }
0x45: {  	s3 =	sshll.u32 s20, $0x8;
	s0 =	sand.u32 $0xF000, s10  }
0x46: {  	s11 =	sand.u32 $0x100, s3;
	s21 =	sor.u32 s6, s0  }
0x47: {  	s1 =	rddreg [dreg:$0x0];
	s9 =	sor.u32 $0x80, s11;
	s0 =	sor.u32 s7, s21  }
0x48: {  	s3 =	simm.s32 $0x40000;
	s2 =	sadd.s32 s1, s9;
	s0 =	sshrl.u32 s0, $0x3  }
0x49: {  	s12 =	sor.u32 s8, s21;
	s0 =	sadd.s32 s0, s2;
	s2 =	simm.s32 $0x17000  }
0x4a: {  	[tilespmem:s2], [sflag:$0x2] =	stream.strided.gather [hbm4b:s0+s4], $0x4000, s3, s4, $0x38;
	[tilespmem:$0x1C000] =	vst v63  }
0x4b: {  	s0 =	sshrl.u32 s12, $0x3  }
0x4c: {  	s13 =	rddreg [dreg:$0x1];
	s0 =	sor.u32 s9, s0  }
0x4d: {  	s15 =	simm.s32 $0x1B400;
	s16 =	rddreg [dreg:$0x2];
	s14 =	sadd.s32 s13, s0  }
0x4e: {  	[tilespmem:s15], [sflag:$0x2] =	stream.linear.gather [hbm4b:s14+s19], $0x400, $0x38;
	[tilespmem:$0x1C000] =	vst v63  }
0x4f: {  	s17 =	simm.s32 $0x1BC00;
	s0 =	sadd.s32 s16, s0  }
0x50: {  	[tilespmem:s17], [sflag:$0x2] =	stream.linear.gather [hbm4b:s0+s19], $0x400, $0x38;
	[tilespmem:$0x1C000] =	vst v63  }
0x51: {  	_ =	swait.ge [sflag:s25], $0x4000  }
0x52: {  	[sflag:s25] =	ssyncset.done $0x0  }
0x53: {  	[sflag:s25] =	ssyncadd.s32 $0xFFFFC000  }
0x54: {  	_ =	swait.ge [sflag:s25], $0x400  }
0x55: {  	[sflag:s25] =	ssyncset.done $0x0  }
0x56: {  	[sflag:s25] =	ssyncadd.s32 $0xFFFFFC00  }
0x57: {  	s12 =	sand.u32 $0x60, s19;
	_ =	swait.ge [sflag:s25], $0x400  }
0x58: {  	s13 =	sand.u32 $0x380, s19;
	s14 =	sor.u32 $0x10, s12;
	[sflag:s25] =	ssyncset.done $0x0  }
0x59: {  	s18 =	sor.u32 s13, s14;
	[sflag:s25] =	ssyncadd.s32 $0xFFFFFC00  }
0x5a: {  	v6 =	vld [tilespmem:s18+$0x1B000];
	_ =	sdelay $0x2  }
0x5b: {  	s22 =	simm.s32 $0x1B000  }
0x5c: {  	v7 =	vld [tilespmem:s22+$0x0];
	_ =	sdelay $0x2  }
0x5d: {  	v8 =	vshll.u32 v6, $0x3  }
0x5e: {  	v9 =	vand.u32 $0x7F, v6;
	[tilespmem:v6+s26+$0x0] =	vst.idx.add.f32.msk $0xffff, v4;
	v6 =	vand.u32 $0xFFFFFC00, v8  }
0x5f: {  	v10 =	vld [tilespmem:s18+$0x13000];
	v6 =	vor.u32 v9, v6;
	_ =	sdelay $0x1  }
0x60: {  	v8 =	vshll.u32 v7, $0x3  }
0x61: {  	s23 =	simm.s32 $0x13000;
	[tilespmem:v7+s26+$0x0] =	vst.idx.add.f32.msk $0xffff, v4;
	v7 =	vand.u32 $0x7F, v7;
	v8 =	vand.u32 $0xFFFFFC00, v8  }
0x62: {  	s24 =	sor.u32 $0x13400, s13;
	v9 =	vld [tilespmem:s23+$0x0];
	v7 =	vor.u32 v7, v8  }
0x63: {  	s1 =	sor.u32 s14, s24;
	[tilespmem:v6+s5+$0x0] =	vst.idx.add.f32.msk $0xffff, v10  }
0x64: {  	v10 =	vor.u32 $0x80, v6;
	v8 =	vld [tilespmem:s1+$0x0];
	_ =	sdelay $0x2  }
0x65: {  	s0 =	sor.u32 s12, s24;
	[tilespmem:v7+s5+$0x0] =	vst.idx.add.f32.msk $0xffff, v9  }
0x66: {  	s2 =	sor.u32 $0x13800, s13;
	v11 =	vor.u32 $0x80, v7;
	v9 =	vld [tilespmem:s0+$0x0]  }
0x67: {  	s15 =	sor.u32 s14, s2;
	[tilespmem:v10+s5+$0x0] =	vst.idx.add.f32.msk $0xffff, v8  }
0x68: {  	v10 =	vor.u32 $0x100, v6;
	v8 =	vld [tilespmem:s15+$0x0];
	_ =	sdelay $0x2  }
0x69: {  	s0 =	sor.u32 s12, s2;
	[tilespmem:v11+s5+$0x0] =	vst.idx.add.f32.msk $0xffff, v9  }
0x6a: {  	s16 =	sor.u32 $0x13C00, s13;
	v11 =	vor.u32 $0x100, v7;
	v9 =	vld [tilespmem:s0+$0x0]  }
0x6b: {  	s17 =	sor.u32 s14, s16;
	[tilespmem:v10+s5+$0x0] =	vst.idx.add.f32.msk $0xffff, v8  }
0x6c: {  	v10 =	vor.u32 $0x180, v6;
	v8 =	vld [tilespmem:s17+$0x0];
	_ =	sdelay $0x2  }
0x6d: {  	s0 =	sor.u32 s12, s16;
	[tilespmem:v11+s5+$0x0] =	vst.idx.add.f32.msk $0xffff, v9  }
0x6e: {  	s18 =	sor.u32 $0x14000, s13;
	v11 =	vor.u32 $0x180, v7;
	v9 =	vld [tilespmem:s0+$0x0]  }
0x6f: {  	s22 =	sor.u32 s14, s18;
	[tilespmem:v10+s5+$0x0] =	vst.idx.add.f32.msk $0xffff, v8  }
0x70: {  	v10 =	vor.u32 $0x200, v6;
	v8 =	vld [tilespmem:s22+$0x0];
	_ =	sdelay $0x2  }
0x71: {  	s0 =	sor.u32 s12, s18;
	[tilespmem:v11+s5+$0x0] =	vst.idx.add.f32.msk $0xffff, v9  }
0x72: {  	s23 =	sor.u32 $0x14400, s13;
	v11 =	vor.u32 $0x200, v7;
	v9 =	vld [tilespmem:s0+$0x0]  }
0x73: {  	s24 =	sor.u32 s14, s23;
	[tilespmem:v10+s5+$0x0] =	vst.idx.add.f32.msk $0xffff, v8  }
0x74: {  	v10 =	vor.u32 $0x280, v6;
	v8 =	vld [tilespmem:s24+$0x0];
	_ =	sdelay $0x2  }
0x75: {  	s0 =	sor.u32 s12, s23;
	[tilespmem:v11+s5+$0x0] =	vst.idx.add.f32.msk $0xffff, v9  }
0x76: {  	s1 =	sor.u32 $0x14800, s13;
	v11 =	vor.u32 $0x280, v7;
	v9 =	vld [tilespmem:s0+$0x0]  }
0x77: {  	s2 =	sor.u32 s14, s1;
	[tilespmem:v10+s5+$0x0] =	vst.idx.add.f32.msk $0xffff, v8  }
0x78: {  	v10 =	vor.u32 $0x300, v6;
	v8 =	vld [tilespmem:s2+$0x0];
	_ =	sdelay $0x2  }
0x79: {  	s0 =	sor.u32 s12, s1;
	[tilespmem:v11+s5+$0x0] =	vst.idx.add.f32.msk $0xffff, v9  }
0x7a: {  	s16 =	sor.u32 $0x14C00, s13;
	v11 =	vor.u32 $0x300, v7;
	v9 =	vld [tilespmem:s0+$0x0]  }
0x7b: {  	s17 =	sor.u32 s14, s16;
	[tilespmem:v10+s5+$0x0] =	vst.idx.add.f32.msk $0xffff, v8  }
0x7c: {  	v10 =	vor.u32 $0x380, v6;
	v8 =	vld [tilespmem:s17+$0x0]  }
0x7d: {  	s15 =	simm.s32 $0x1B020  }
0x7e: {  	v12 =	vld [tilespmem:s15+$0x0]  }
0x7f: {  	s0 =	sor.u32 s12, s16;
	[tilespmem:v11+s5+$0x0] =	vst.idx.add.f32.msk $0xffff, v9  }
0x80: {  	s18 =	sor.u32 $0x15000, s13;
	v11 =	vor.u32 $0x380, v7;
	v9 =	vld [tilespmem:s0+$0x0]  }
0x81: {  	s22 =	sor.u32 s14, s18;
	[tilespmem:v10+s5+$0x0] =	vst.idx.add.f32.msk $0xffff, v8  }
0x82: {  	v10 =	vadd.s32 $0x8000, v6;
	v8 =	vld [tilespmem:s22+$0x0];
	_ =	sdelay $0x2  }
0x83: {  	s0 =	sor.u32 s12, s18;
	[tilespmem:v11+s5+$0x0] =	vst.idx.add.f32.msk $0xffff, v9  }
0x84: {  	s23 =	sor.u32 $0x15400, s13;
	v11 =	vadd.s32 $0x8000, v7;
	v9 =	vld [tilespmem:s0+$0x0]  }
0x85: {  	s24 =	sor.u32 s14, s23;
	[tilespmem:v10+s5+$0x0] =	vst.idx.add.f32.msk $0xffff, v8  }
0x86: {  	v10 =	vadd.s32 $0x8080, v6;
	v8 =	vld [tilespmem:s24+$0x0];
	_ =	sdelay $0x1  }
0x87: {  	[tilespmem:v12+s26+$0x0] =	vst.idx.add.f32.msk $0xffff, v4  }
0x88: {  	s31 =	simm.s32 $0x20;
	s17 =	sor.u32 s12, s23;
	[tilespmem:v11+s5+$0x0] =	vst.idx.add.f32.msk $0xffff, v9  }
0x89: {  	v15 =	vadd.s32 $0x8080, v7;
	s15 =	sand.u32 $0x60, s31;
	v9 =	vld [tilespmem:s17+$0x0]  }
0x8a: {  	s3 =	sand.u32 $0x380, s31;
	s16 =	sor.u32 $0x10, s15;
	s0 =	simm.s32 $0x13020;
	[tilespmem:v10+s5+$0x0] =	vst.idx.add.f32.msk $0xffff, v8;
	v8 =	vshll.u32 v12, $0x3  }
0x8b: {  	s18 =	sor.u32 $0x15800, s13;
	v13 =	vld [tilespmem:s0+$0x0];
	s17 =	sor.u32 s3, s16;
	v10 =	vand.u32 $0x7F, v12;
	v8 =	vand.u32 $0xFFFFFC00, v8  }
0x8c: {  	s22 =	sor.u32 s14, s18;
	v14 =	vld [tilespmem:s17+$0x1B000];
	v8 =	vor.u32 v10, v8  }
0x8d: {  	v12 =	vadd.s32 $0x8100, v6;
	v11 =	vld [tilespmem:s22+$0x0]  }
0x8e: {  	s18 =	sor.u32 s12, s18;
	[tilespmem:v15+s5+$0x0] =	vst.idx.add.f32.msk $0xffff, v9  }
0x8f: {  	s23 =	simm.s32 $0x1B040;
	s22 =	simm.s32 $0x2;
	v10 =	vld [tilespmem:s18+$0x0]  }
.LBB2_7:
0x90: {  	v9 =	vld [tilespmem:s23+$0x0]  }
0x91: {  	s18 =	sor.u32 $0x15C00, s13;
	[tilespmem:v8+s5+$0x0] =	vst.idx.add.f32.msk $0xffff, v13;
	v13 =	vadd.s32 $0x8100, v7  }
0x92: {  	s24 =	sor.u32 s12, s18;
	s18 =	sor.u32 s14, s18;
	[tilespmem:v12+s5+$0x0] =	vst.idx.add.f32.msk $0xffff, v11  }
0x93: {  	v15 =	vadd.s32 $0x8180, v6;
	v11 =	vshll.u32 v14, $0x3;
	v12 =	vld [tilespmem:s18+$0x0]  }
0x94: {  	v16 =	vand.u32 $0x7F, v14;
	v11 =	vand.u32 $0xFFFFFC00, v11;
	[tilespmem:v14+s26+$0x0] =	vst.idx.add.f32.msk $0xffff, v4  }
0x95: {  	v11 =	vor.u32 v16, v11;
	v14 =	vld [tilespmem:s17+$0x13000]  }
0x96: {  	[tilespmem:v13+s5+$0x0] =	vst.idx.add.f32.msk $0xffff, v10  }
0x97: {  	s17 =	sor.u32 $0x16000, s13;
	v10 =	vld [tilespmem:s24+$0x0]  }
0x98: {  	v13 =	vadd.s32 $0x8180, v7;
	s24 =	sor.u32 s12, s17;
	s17 =	sor.u32 s14, s17;
	[tilespmem:v15+s5+$0x0] =	vst.idx.add.f32.msk $0xffff, v12  }
0x99: {  	s18 =	sor.u32 $0x13400, s3;
	v15 =	vadd.s32 $0x8200, v6;
	v12 =	vld [tilespmem:s17+$0x0]  }
0x9a: {  	s17 =	sor.u32 s15, s18;
	s18 =	sor.u32 s16, s18;
	[tilespmem:v11+s5+$0x0] =	vst.idx.add.f32.msk $0xffff, v14  }
0x9b: {  	v16 =	vor.u32 $0x80, v11;
	v14 =	vld [tilespmem:s18+$0x0]  }
0x9c: {  	v17 =	vld [tilespmem:s17+$0x0]  }
0x9d: {  	v18 =	vor.u32 $0x80, v8;
	s17 =	sor.u32 $0x16400, s13;
	[tilespmem:v13+s5+$0x0] =	vst.idx.add.f32.msk $0xffff, v10  }
0x9e: {  	s18 =	sor.u32 s12, s17;
	s17 =	sor.u32 s14, s17;
	[tilespmem:v15+s5+$0x0] =	vst.idx.add.f32.msk $0xffff, v12  }
0x9f: {  	s1 =	sor.u32 $0x13800, s3;
	v12 =	vadd.s32 $0x8280, v6;
	v10 =	vld [tilespmem:s17+$0x0]  }
0xa0: {  	s17 =	sor.u32 s15, s1;
	s1 =	sor.u32 s16, s1;
	[tilespmem:v16+s5+$0x0] =	vst.idx.add.f32.msk $0xffff, v14  }
0xa1: {  	v14 =	vor.u32 $0x100, v11;
	v13 =	vld [tilespmem:s1+$0x0]  }
0xa2: {  	[tilespmem:v18+s5+$0x0] =	vst.idx.add.f32.msk $0xffff, v17  }
0xa3: {  	v16 =	vor.u32 $0x100, v8;
	s1 =	sor.u32 $0x16800, s13;
	v15 =	vld [tilespmem:s17+$0x0]  }
0xa4: {  	s17 =	sor.u32 s12, s1;
	s1 =	sor.u32 s14, s1;
	[tilespmem:v12+s5+$0x0] =	vst.idx.add.f32.msk $0xffff, v10  }
0xa5: {  	s2 =	sor.u32 $0x13C00, s3;
	v12 =	vadd.s32 $0x8300, v6;
	v10 =	vld [tilespmem:s1+$0x0]  }
0xa6: {  	s1 =	sor.u32 s15, s2;
	s2 =	sor.u32 s16, s2;
	[tilespmem:v14+s5+$0x0] =	vst.idx.add.f32.msk $0xffff, v13  }
0xa7: {  	v14 =	vor.u32 $0x180, v11;
	v13 =	vld [tilespmem:s2+$0x0]  }
0xa8: {  	[tilespmem:v16+s5+$0x0] =	vst.idx.add.f32.msk $0xffff, v15  }
0xa9: {  	v16 =	vor.u32 $0x180, v8;
	v15 =	vld [tilespmem:s1+$0x0];
	s1 =	sor.u32 $0x16C00, s13;
	s13 =	smov.u32 s3  }
0xaa: {  	s3 =	sor.u32 s12, s1;
	[tilespmem:v12+s5+$0x0] =	vst.idx.add.f32.msk $0xffff, v10;
	s1 =	sor.u32 s14, s1;
	s12 =	smov.u32 s15  }
0xab: {  	s2 =	sor.u32 $0x14000, s13;
	v12 =	vadd.s32 $0x8380, v6;
	v6 =	vmov v11;
	s14 =	smov.u32 s16;
	v10 =	vld [tilespmem:s1+$0x0]  }
0xac: {  	s1 =	sor.u32 s12, s2;
	s2 =	sor.u32 s14, s2;
	[tilespmem:v14+s5+$0x0] =	vst.idx.add.f32.msk $0xffff, v13  }
0xad: {  	v13 =	vor.u32 $0x200, v6;
	v11 =	vld [tilespmem:s2+$0x0]  }
0xae: {  	[tilespmem:v16+s5+$0x0] =	vst.idx.add.f32.msk $0xffff, v15  }
0xaf: {  	v15 =	vor.u32 $0x200, v8;
	v14 =	vld [tilespmem:s1+$0x0]  }
0xb0: {  	[tilespmem:v12+s5+$0x0] =	vst.idx.add.f32.msk $0xffff, v10  }
0xb1: {  	s1 =	sor.u32 $0x14400, s13;
	v12 =	vadd.s32 $0x8200, v7;
	v10 =	vld [tilespmem:s24+$0x0]  }
0xb2: {  	s2 =	sor.u32 s12, s1;
	s1 =	sor.u32 s14, s1;
	[tilespmem:v13+s5+$0x0] =	vst.idx.add.f32.msk $0xffff, v11  }
0xb3: {  	v13 =	vor.u32 $0x280, v6;
	v11 =	vld [tilespmem:s1+$0x0]  }
0xb4: {  	[tilespmem:v15+s5+$0x0] =	vst.idx.add.f32.msk $0xffff, v14  }
0xb5: {  	v15 =	vor.u32 $0x280, v8;
	v14 =	vld [tilespmem:s2+$0x0]  }
0xb6: {  	[tilespmem:v12+s5+$0x0] =	vst.idx.add.f32.msk $0xffff, v10  }
0xb7: {  	s1 =	sor.u32 $0x14800, s13;
	v12 =	vadd.s32 $0x8280, v7;
	v10 =	vld [tilespmem:s18+$0x0]  }
0xb8: {  	s2 =	sor.u32 s12, s1;
	s1 =	sor.u32 s14, s1;
	[tilespmem:v13+s5+$0x0] =	vst.idx.add.f32.msk $0xffff, v11  }
0xb9: {  	v13 =	vor.u32 $0x300, v6;
	v11 =	vld [tilespmem:s1+$0x0]  }
0xba: {  	[tilespmem:v15+s5+$0x0] =	vst.idx.add.f32.msk $0xffff, v14  }
0xbb: {  	v15 =	vor.u32 $0x300, v8;
	v14 =	vld [tilespmem:s2+$0x0]  }
0xbc: {  	[tilespmem:v12+s5+$0x0] =	vst.idx.add.f32.msk $0xffff, v10  }
0xbd: {  	s1 =	sor.u32 $0x14C00, s13;
	v12 =	vadd.s32 $0x8300, v7;
	v10 =	vld [tilespmem:s17+$0x0]  }
0xbe: {  	s2 =	sor.u32 s12, s1;
	s1 =	sor.u32 s14, s1;
	[tilespmem:v13+s5+$0x0] =	vst.idx.add.f32.msk $0xffff, v11  }
0xbf: {  	v13 =	vor.u32 $0x380, v6;
	v11 =	vld [tilespmem:s1+$0x0]  }
0xc0: {  	[tilespmem:v15+s5+$0x0] =	vst.idx.add.f32.msk $0xffff, v14  }
0xc1: {  	v15 =	vor.u32 $0x380, v8;
	v14 =	vld [tilespmem:s2+$0x0]  }
0xc2: {  	[tilespmem:v12+s5+$0x0] =	vst.idx.add.f32.msk $0xffff, v10  }
0xc3: {  	s1 =	sor.u32 $0x15000, s13;
	v12 =	vadd.s32 $0x8380, v7;
	v7 =	vmov v8;
	v10 =	vld [tilespmem:s3+$0x0]  }
0xc4: {  	s2 =	sor.u32 s12, s1;
	s1 =	sor.u32 s14, s1;
	[tilespmem:v13+s5+$0x0] =	vst.idx.add.f32.msk $0xffff, v11  }
0xc5: {  	v11 =	vadd.s32 $0x8000, v6;
	v8 =	vld [tilespmem:s1+$0x0]  }
0xc6: {  	[tilespmem:v15+s5+$0x0] =	vst.idx.add.f32.msk $0xffff, v14  }
0xc7: {  	v14 =	vadd.s32 $0x8000, v7;
	v13 =	vld [tilespmem:s2+$0x0]  }
0xc8: {  	[tilespmem:v12+s5+$0x0] =	vst.idx.add.f32.msk $0xffff, v10  }
0xc9: {  	s1 =	sor.u32 $0x15400, s13;
	[tilespmem:v9+s26+$0x0] =	vst.idx.add.f32.msk $0xffff, v4  }
0xca: {  	s2 =	sor.u32 s12, s1;
	s1 =	sor.u32 s14, s1;
	[tilespmem:v11+s5+$0x0] =	vst.idx.add.f32.msk $0xffff, v8  }
0xcb: {  	s31 =	sadd.s32 $0x20, s31;
	v11 =	vadd.s32 $0x8080, v6;
	v10 =	vld [tilespmem:s1+$0x0]  }
0xcc: {  	s0 =	sadd.s32 $0x20, s0;
	s15 =	sand.u32 $0x60, s31;
	[tilespmem:v14+s5+$0x0] =	vst.idx.add.f32.msk $0xffff, v13  }
0xcd: {  	s22 =	sadd.s32 $0x2, s22;
	s16 =	sor.u32 $0x10, s15;
	s3 =	sand.u32 $0x380, s31;
	v16 =	vadd.s32 $0x8080, v7;
	v15 =	vld [tilespmem:s2+$0x0]  }
0xce: {  	p0 =	slt.u32 s22, $0x3E;
	s17 =	sor.u32 s3, s16;
	v8 =	vshll.u32 v9, $0x3;
	v13 =	vld [tilespmem:s0+$0x0]  }
.Ltmp2:
0xcf: {  	v9 =	vand.u32 $0x7F, v9;
	v8 =	vand.u32 $0xFFFFFC00, v8;
	s1 =	sor.u32 $0x15800, s13;
	v14 =	vld [tilespmem:s17+$0x1B000];
	(pc) =	sbr.rel @p0 .LBB2_7-.Ltmp2, $4  }
0xd0: {  	v8 =	vor.u32 v9, v8;
	s2 =	sor.u32 s12, s1;
	s1 =	sor.u32 s14, s1;
	[tilespmem:v11+s5+$0x0] =	vst.idx.add.f32.msk $0xffff, v10  }
0xd1: {  	v12 =	vadd.s32 $0x8100, v6;
	v11 =	vld [tilespmem:s1+$0x0]  }
0xd2: {  	[tilespmem:v16+s5+$0x0] =	vst.idx.add.f32.msk $0xffff, v15  }
0xd3: {  	s23 =	sadd.s32 $0x20, s23;
	v10 =	vld [tilespmem:s2+$0x0]  }
0xd4: {  	_ =	sdelay $0x2  }
0xd5: {  	v9 =	vshll.u32 v14, $0x3  }
0xd6: {  	v15 =	vand.u32 $0x7F, v14;
	[tilespmem:v14+s26+$0x0] =	vst.idx.add.f32.msk $0xffff, v4;
	v9 =	vand.u32 $0xFFFFFC00, v9  }
0xd7: {  	v14 =	vld [tilespmem:s17+$0x13000];
	v9 =	vor.u32 v15, v9;
	_ =	sdelay $0x1  }
0xd8: {  	s0 =	sor.u32 $0x13400, s3  }
0xd9: {  	[tilespmem:v8+s5+$0x0] =	vst.idx.add.f32.msk $0xffff, v13;
	s1 =	sor.u32 s16, s0;
	s0 =	sor.u32 s15, s0  }
0xda: {  	v16 =	vor.u32 $0x80, v8;
	v13 =	vld [tilespmem:s0+$0x0]  }
0xdb: {  	[tilespmem:v9+s5+$0x0] =	vst.idx.add.f32.msk $0xffff, v14  }
0xdc: {  	v15 =	vor.u32 $0x80, v9;
	v14 =	vld [tilespmem:s1+$0x0];
	_ =	sdelay $0x1  }
0xdd: {  	s17 =	sor.u32 $0x13800, s3  }
0xde: {  	s0 =	sor.u32 s15, s17;
	[tilespmem:v16+s5+$0x0] =	vst.idx.add.f32.msk $0xffff, v13  }
0xdf: {  	v25 =	vor.u32 $0x100, v8;
	v13 =	vld [tilespmem:s0+$0x0]  }
0xe0: {  	s18 =	sor.u32 s16, s17;
	[tilespmem:v15+s5+$0x0] =	vst.idx.add.f32.msk $0xffff, v14  }
0xe1: {  	v24 =	vor.u32 $0x100, v9;
	v14 =	vld [tilespmem:s18+$0x0];
	_ =	sdelay $0x1  }
0xe2: {  	s22 =	sor.u32 $0x13C00, s3  }
0xe3: {  	s0 =	sor.u32 s15, s22;
	[tilespmem:v25+s5+$0x0] =	vst.idx.add.f32.msk $0xffff, v13  }
0xe4: {  	v27 =	vor.u32 $0x180, v8;
	v13 =	vld [tilespmem:s0+$0x0]  }
0xe5: {  	s23 =	sor.u32 s16, s22;
	[tilespmem:v24+s5+$0x0] =	vst.idx.add.f32.msk $0xffff, v14  }
0xe6: {  	v26 =	vor.u32 $0x180, v9;
	v14 =	vld [tilespmem:s23+$0x0];
	_ =	sdelay $0x1  }
0xe7: {  	s24 =	sor.u32 $0x14000, s3  }
0xe8: {  	s0 =	sor.u32 s15, s24;
	[tilespmem:v27+s5+$0x0] =	vst.idx.add.f32.msk $0xffff, v13  }
0xe9: {  	v29 =	vor.u32 $0x200, v8;
	v13 =	vld [tilespmem:s0+$0x0]  }
0xea: {  	s31 =	sor.u32 s16, s24;
	[tilespmem:v26+s5+$0x0] =	vst.idx.add.f32.msk $0xffff, v14  }
0xeb: {  	v28 =	vor.u32 $0x200, v9;
	v14 =	vld [tilespmem:s31+$0x0];
	_ =	sdelay $0x1  }
0xec: {  	s2 =	sor.u32 $0x14400, s3  }
0xed: {  	v32 =	vadd.s32 $0x8100, v7;
	s0 =	sor.u32 s15, s2;
	[tilespmem:v29+s5+$0x0] =	vst.idx.add.f32.msk $0xffff, v13  }
0xee: {  	v31 =	vor.u32 $0x280, v8;
	v13 =	vld [tilespmem:s0+$0x0]  }
0xef: {  	s17 =	sor.u32 s16, s2;
	[tilespmem:v28+s5+$0x0] =	vst.idx.add.f32.msk $0xffff, v14  }
0xf0: {  	v30 =	vor.u32 $0x280, v9;
	v14 =	vld [tilespmem:s17+$0x0]  }
0xf1: {  	[tilespmem:v12+s5+$0x0] =	vst.idx.add.f32.msk $0xffff, v11  }
0xf2: {  	[tilespmem:v32+s5+$0x0] =	vst.idx.add.f32.msk $0xffff, v10;
	s23 =	sor.u32 $0x14800, s3  }
0xf3: {  	s0 =	sor.u32 s15, s23;
	[tilespmem:v31+s5+$0x0] =	vst.idx.add.f32.msk $0xffff, v13  }
0xf4: {  	v34 =	vor.u32 $0x300, v8;
	v13 =	vld [tilespmem:s0+$0x0]  }
0xf5: {  	s18 =	sor.u32 $0x15C00, s13;
	s2 =	sor.u32 s16, s23;
	[tilespmem:v30+s5+$0x0] =	vst.idx.add.f32.msk $0xffff, v14  }
0xf6: {  	v33 =	vor.u32 $0x300, v9;
	s22 =	sor.u32 s14, s18;
	v14 =	vld [tilespmem:s2+$0x0]  }
0xf7: {  	s24 =	sor.u32 s12, s18;
	v12 =	vld [tilespmem:s22+$0x0]  }
0xf8: {  	v35 =	vadd.s32 $0x8180, v6;
	v11 =	vld [tilespmem:s24+$0x0];
	s31 =	sor.u32 $0x14C00, s3  }
0xf9: {  	s0 =	sor.u32 s15, s31;
	[tilespmem:v34+s5+$0x0] =	vst.idx.add.f32.msk $0xffff, v13  }
0xfa: {  	v37 =	vor.u32 $0x380, v8;
	v13 =	vld [tilespmem:s0+$0x0]  }
0xfb: {  	s2 =	sor.u32 s16, s31;
	[tilespmem:v33+s5+$0x0] =	vst.idx.add.f32.msk $0xffff, v14  }
0xfc: {  	v36 =	vor.u32 $0x380, v9;
	s1 =	sor.u32 $0x16000, s13;
	v14 =	vld [tilespmem:s2+$0x0]  }
0xfd: {  	[tilespmem:v35+s5+$0x0] =	vst.idx.add.f32.msk $0xffff, v12;
	s17 =	sor.u32 s14, s1  }
0xfe: {  	v38 =	vadd.s32 $0x8200, v6;
	s18 =	sor.u32 $0x15000, s3;
	v10 =	vld [tilespmem:s17+$0x0]  }
0xff: {  	s0 =	sor.u32 s15, s18;
	[tilespmem:v37+s5+$0x0] =	vst.idx.add.f32.msk $0xffff, v13  }
0x100: {  	v40 =	vadd.s32 $0x8000, v8;
	v13 =	vld [tilespmem:s0+$0x0]  }
0x101: {  	s22 =	sor.u32 s16, s18;
	[tilespmem:v36+s5+$0x0] =	vst.idx.add.f32.msk $0xffff, v14  }
0x102: {  	v39 =	vadd.s32 $0x8000, v9;
	s2 =	sor.u32 $0x16400, s13;
	v14 =	vld [tilespmem:s22+$0x0]  }
0x103: {  	[tilespmem:v38+s5+$0x0] =	vst.idx.add.f32.msk $0xffff, v10;
	s23 =	sor.u32 s14, s2  }
0x104: {  	v41 =	vadd.s32 $0x8280, v6;
	s24 =	sor.u32 $0x15400, s3;
	v10 =	vld [tilespmem:s23+$0x0]  }
0x105: {  	s0 =	sor.u32 s15, s24;
	[tilespmem:v40+s5+$0x0] =	vst.idx.add.f32.msk $0xffff, v13  }
0x106: {  	v43 =	vadd.s32 $0x8080, v8;
	v13 =	vld [tilespmem:s0+$0x0]  }
0x107: {  	s31 =	sor.u32 s16, s24;
	[tilespmem:v39+s5+$0x0] =	vst.idx.add.f32.msk $0xffff, v14  }
0x108: {  	v42 =	vadd.s32 $0x8080, v9;
	s17 =	sor.u32 $0x16800, s13;
	v14 =	vld [tilespmem:s31+$0x0]  }
0x109: {  	s18 =	sor.u32 s14, s17;
	[tilespmem:v41+s5+$0x0] =	vst.idx.add.f32.msk $0xffff, v10  }
0x10a: {  	v44 =	vadd.s32 $0x8180, v7;
	s22 =	sor.u32 $0x15800, s3;
	v12 =	vld [tilespmem:s18+$0x0]  }
0x10b: {  	v17 =	vadd.s32 $0x8300, v6;
	s0 =	sor.u32 s15, s22;
	[tilespmem:v43+s5+$0x0] =	vst.idx.add.f32.msk $0xffff, v13  }
0x10c: {  	v46 =	vadd.s32 $0x8100, v8;
	v13 =	vld [tilespmem:s0+$0x0]  }
0x10d: {  	s18 =	sor.u32 s16, s22;
	[tilespmem:v42+s5+$0x0] =	vst.idx.add.f32.msk $0xffff, v14  }
0x10e: {  	v45 =	vadd.s32 $0x8100, v9;
	v14 =	vld [tilespmem:s18+$0x0]  }
0x10f: {  	[tilespmem:v44+s5+$0x0] =	vst.idx.add.f32.msk $0xffff, v11  }
0x110: {  	s23 =	sor.u32 $0x15C00, s3;
	[tilespmem:v17+s5+$0x0] =	vst.idx.add.f32.msk $0xffff, v12  }
0x111: {  	s0 =	sor.u32 s15, s23;
	[tilespmem:v46+s5+$0x0] =	vst.idx.add.f32.msk $0xffff, v13  }
0x112: {  	v50 =	vadd.s32 $0x8180, v8;
	v49 =	vld [tilespmem:s0+$0x0]  }
0x113: {  	s13 =	sor.u32 $0x16C00, s13;
	s24 =	sor.u32 s16, s23;
	[tilespmem:v45+s5+$0x0] =	vst.idx.add.f32.msk $0xffff, v14  }
0x114: {  	v48 =	vadd.s32 $0x8180, v9;
	s31 =	sor.u32 s14, s13;
	v47 =	vld [tilespmem:s24+$0x0]  }
0x115: {  	v51 =	vld [tilespmem:s31+$0x0];
	s18 =	sor.u32 s12, s1  }
0x116: {  	v53 =	vadd.s32 $0x8200, v7;
	s22 =	sor.u32 $0x16000, s3;
	v52 =	vld [tilespmem:s18+$0x0]  }
0x117: {  	s0 =	sor.u32 s15, s22;
	[tilespmem:v50+s5+$0x0] =	vst.idx.add.f32.msk $0xffff, v49  }
0x118: {  	v55 =	vadd.s32 $0x8200, v8;
	v12 =	vld [tilespmem:s0+$0x0]  }
0x119: {  	s23 =	sor.u32 s16, s22;
	[tilespmem:v48+s5+$0x0] =	vst.idx.add.f32.msk $0xffff, v47  }
0x11a: {  	v54 =	vadd.s32 $0x8200, v9;
	v10 =	vld [tilespmem:s23+$0x0]  }
0x11b: {  	s24 =	sor.u32 s12, s2;
	[tilespmem:v53+s5+$0x0] =	vst.idx.add.f32.msk $0xffff, v52  }
0x11c: {  	v56 =	vadd.s32 $0x8280, v7;
	s31 =	sor.u32 $0x16400, s3;
	v15 =	vld [tilespmem:s24+$0x0]  }
0x11d: {  	s0 =	sor.u32 s15, s31;
	[tilespmem:v55+s5+$0x0] =	vst.idx.add.f32.msk $0xffff, v12  }
0x11e: {  	v58 =	vadd.s32 $0x8280, v8;
	v12 =	vld [tilespmem:s0+$0x0]  }
0x11f: {  	s2 =	sor.u32 s16, s31;
	[tilespmem:v54+s5+$0x0] =	vst.idx.add.f32.msk $0xffff, v10  }
0x120: {  	v57 =	vadd.s32 $0x8280, v9;
	v10 =	vld [tilespmem:s2+$0x0]  }
0x121: {  	s14 =	sor.u32 s12, s17;
	[tilespmem:v56+s5+$0x0] =	vst.idx.add.f32.msk $0xffff, v15  }
0x122: {  	v59 =	vadd.s32 $0x8300, v7;
	s17 =	sor.u32 $0x16800, s3;
	v15 =	vld [tilespmem:s14+$0x0]  }
0x123: {  	s0 =	sor.u32 s15, s17;
	[tilespmem:v58+s5+$0x0] =	vst.idx.add.f32.msk $0xffff, v12  }
0x124: {  	v61 =	vadd.s32 $0x8300, v8;
	v12 =	vld [tilespmem:s0+$0x0]  }
0x125: {  	s18 =	sor.u32 s16, s17;
	[tilespmem:v57+s5+$0x0] =	vst.idx.add.f32.msk $0xffff, v10  }
0x126: {  	v60 =	vadd.s32 $0x8300, v9;
	v10 =	vld [tilespmem:s18+$0x0]  }
0x127: {  	s22 =	sor.u32 s12, s13;
	[tilespmem:v59+s5+$0x0] =	vst.idx.add.f32.msk $0xffff, v15  }
0x128: {  	s23 =	sor.u32 $0x16C00, s3;
	v15 =	vld [tilespmem:s22+$0x0]  }
0x129: {  	v6 =	vadd.s32 $0x8380, v6;
	s0 =	sor.u32 s15, s23;
	[tilespmem:v61+s5+$0x0] =	vst.idx.add.f32.msk $0xffff, v12  }
0x12a: {  	v7 =	vadd.s32 $0x8380, v7;
	v62 =	vld [tilespmem:s0+$0x0]  }
0x12b: {  	v63 =	vadd.s32 $0x8380, v8;
	s24 =	sor.u32 s16, s23;
	[tilespmem:v60+s5+$0x0] =	vst.idx.add.f32.msk $0xffff, v10  }
0x12c: {  	v9 =	vadd.s32 $0x8380, v9;
	v10 =	vld [tilespmem:s24+$0x0];
	_ =	sdelay $0x1  }
0x12d: {  	[tilespmem:v6+s5+$0x0] =	vst.idx.add.f32.msk $0xffff, v51  }
0x12e: {  	[tilespmem:v7+s5+$0x0] =	vst.idx.add.f32.msk $0xffff, v15  }
0x12f: {  	s31 =	ssub.s32 s11, s6;
	[tilespmem:v63+s5+$0x0] =	vst.idx.add.f32.msk $0xffff, v62  }
0x130: {  	s11 =	simm.s32 $0x0;
	s3 =	simm.s32 $0x0;
	s0 =	sadd.s32 s21, s31;
	[tilespmem:v9+s5+$0x0] =	vst.idx.add.f32.msk $0xffff, v10  }
.LBB2_9:
0x131: {  	s1 =	sshrl.u32 s11, $0x1  }
0x132: {  	s2 =	sand.u32 $0x40, s3;
	s12 =	sshll.u32 s1, $0x7  }
0x133: {  	s13 =	sor.u32 s2, s12  }
0x134: {  	v6 =	vld [tilespmem:s13+$0x1B000];
	_ =	sdelay $0x4  }
0x135: {  	v7 =	vperm.xlane v6, v5;
	_ =	sdelay $0x1  }
0x136: {  	(xrf1) =	vunique.msk.u32 $0xffff, v7;
	_ =	sdelay $0xc  }
0x137: {  	v7 =	vld.idx.msk [tilespmem:v6+s28+$0x0], $0xffff  }
0x138: {  	s1 =	sshll.u32 s1, $0x9;
	_, v8, vm0 =	vpop (xrf1)  }
0x139: {  	s1 =	sadd.s32 s0, s1;
	v8 =	vsel vm0, $0x1, v3  }
0x13a: {  	s14 =	sor.u32 s2, s1;
	v8 =	vperm.xlane v8, v5  }
0x13b: {  	v9 =	vor.u32 s14, v0  }
0x13c: {  	vm1 =	vlt.s32 v9, v7;
	vm6 =	veq.s32 v8, $0x1  }
0x13d: {  	vm0 =	vmand vm6, vm1;
	_ =	sdelay $0x1  }
0x13e: {  	v7 =	vld [tilespmem:s13+$0x1B800];
	_ =	sdelay $0x3  }
0x13f: {  	s22 =	sor.u32 $0x10, s2;
	[tilespmem:v6+s28+$0x0] =	vst.idx.msk vm0, v9  }
0x140: {  	s23 =	sor.u32 s12, s22;
	[tilespmem:v6+s29+$0x0] =	vst.idx.msk vm0, v7  }
0x141: {  	v6 =	vld [tilespmem:s23+$0x1B000];
	_ =	sdelay $0x4  }
0x142: {  	v7 =	vperm.xlane v6, v5;
	_ =	sdelay $0x1  }
0x143: {  	(xrf1) =	vunique.msk.u32 $0xffff, v7;
	_ =	sdelay $0xc  }
0x144: {  	v7 =	vld.idx.msk [tilespmem:v6+s28+$0x0], $0xffff  }
0x145: {  	_, v58, vm7 =	vpop (xrf1)  }
0x146: {  	v8 =	vsel vm7, $0x1, v3  }
0x147: {  	s13 =	sor.u32 s22, s1;
	v8 =	vperm.xlane v8, v5  }
0x148: {  	v59 =	vor.u32 s13, v0  }
0x149: {  	vm9 =	vlt.s32 v59, v7;
	vm8 =	veq.s32 v8, $0x1  }
0x14a: {  	vm0 =	vmand vm8, vm9;
	_ =	sdelay $0x1  }
0x14b: {  	v7 =	vld [tilespmem:s23+$0x1B800];
	_ =	sdelay $0x3  }
0x14c: {  	s24 =	sor.u32 $0x20, s2;
	[tilespmem:v6+s28+$0x0] =	vst.idx.msk vm0, v59  }
0x14d: {  	s31 =	sor.u32 s12, s24;
	[tilespmem:v6+s29+$0x0] =	vst.idx.msk vm0, v7  }
0x14e: {  	v6 =	vld [tilespmem:s31+$0x1B000];
	_ =	sdelay $0x4  }
0x14f: {  	v7 =	vperm.xlane v6, v5;
	_ =	sdelay $0x1  }
0x150: {  	(xrf1) =	vunique.msk.u32 $0xffff, v7;
	_ =	sdelay $0xc  }
0x151: {  	v7 =	vld.idx.msk [tilespmem:v6+s28+$0x0], $0xffff  }
0x152: {  	_, v60, vm10 =	vpop (xrf1)  }
0x153: {  	v8 =	vsel vm10, $0x1, v3  }
0x154: {  	s13 =	sor.u32 s24, s1;
	v8 =	vperm.xlane v8, v5  }
0x155: {  	v61 =	vor.u32 s13, v0  }
0x156: {  	vm12 =	vlt.s32 v61, v7;
	vm11 =	veq.s32 v8, $0x1  }
0x157: {  	vm0 =	vmand vm11, vm12;
	_ =	sdelay $0x1  }
0x158: {  	v7 =	vld [tilespmem:s31+$0x1B800];
	_ =	sdelay $0x3  }
0x159: {  	s2 =	sor.u32 $0x30, s2;
	[tilespmem:v6+s28+$0x0] =	vst.idx.msk vm0, v61  }
0x15a: {  	s12 =	sor.u32 s12, s2;
	[tilespmem:v6+s29+$0x0] =	vst.idx.msk vm0, v7  }
0x15b: {  	v6 =	vld [tilespmem:s12+$0x1B000];
	_ =	sdelay $0x4  }
0x15c: {  	v7 =	vperm.xlane v6, v5;
	_ =	sdelay $0x1  }
0x15d: {  	(xrf1) =	vunique.msk.u32 $0xffff, v7;
	_ =	sdelay $0xc  }
0x15e: {  	v7 =	vld.idx.msk [tilespmem:v6+s28+$0x0], $0xffff  }
0x15f: {  	_, v62, vm13 =	vpop (xrf1)  }
0x160: {  	v8 =	vsel vm13, $0x1, v3  }
0x161: {  	s1 =	sor.u32 s2, s1;
	v8 =	vperm.xlane v8, v5  }
0x162: {  	v63 =	vor.u32 s1, v0  }
0x163: {  	vm15 =	vlt.s32 v63, v7;
	vm14 =	veq.s32 v8, $0x1  }
0x164: {  	vm0 =	vmand vm14, vm15;
	_ =	sdelay $0x1  }
0x165: {  	p0 =	sne.s32 s11, $0xF;
	v7 =	vld [tilespmem:s12+$0x1B800]  }
.Ltmp3:
0x166: {  	_ = 	snop;
	(pc) =	sbr.rel @p0 .LBB2_9-.Ltmp3, $3  }
0x167: {  	_ =	sdelay $0x1  }
0x168: {  	[tilespmem:v6+s28+$0x0] =	vst.idx.msk vm0, v63  }
0x169: {  	s3 =	sadd.s32 $0x40, s3;
	s11 =	sadd.s32 $0x1, s11;
	[tilespmem:v6+s29+$0x0] =	vst.idx.msk vm0, v7  }
0x16a: {  	p0 =	seq.s32 s20, $0x1F  }
0x16b: {  	s0 =	sadd.s32 @!p0 $0x800, s10  }
0x16c: {  	s3 =	rddreg [dreg:$0x0];
	s1 =	sand.u32 @!p0 $0x1F000, s0;
	s0 =	sand.u32 @!p0 $0x800, s0  }
0x16d: {  	s10 =	simm.s32 @!p0 $0x40000;
	s1 =	sadd.s32 @!p0 s6, s1;
	s2 =	sor.u32 @!p0 s7, s0  }
0x16e: {  	s11 =	simm.s32 @!p0 $0x13000;
	s2 =	sor.u32 @!p0 s1, s2;
	s1 =	sadd.s32 @!p0 s8, s1  }
0x16f: {  	s2 =	sshrl.u32 @!p0 s2, $0x3;
	s0 =	sor.u32 @!p0 s0, s1;
	s1 =	rddreg [dreg:$0x1]  }
0x170: {  	s2 =	sadd.s32 @!p0 s3, s2;
	s3 =	simm.s32 @!p0 $0x400;
	s0 =	sshrl.u32 @!p0 s0, $0x3  }
0x171: {  	[tilespmem:s11], [sflag:$0x1] =	stream.strided.gather @!p0 [hbm4b:s2+s3], $0x4000, s10, s3, $0x38;
	[tilespmem:$0x1C000] =	vst v63  }
0x172: {  	s1 =	sadd.s32 @!p0 s1, s0;
	s2 =	simm.s32 @!p0 $0x0;
	s3 =	simm.s32 @!p0 $0x1B000  }
0x173: {  	[tilespmem:s3], [sflag:$0x1] =	stream.linear.gather @!p0 [hbm4b:s1+s2], $0x400, $0x38;
	[tilespmem:$0x1C000] =	vst v63  }
0x174: {  	s1 =	rddreg [dreg:$0x2]  }
0x175: {  	s0 =	sadd.s32 @!p0 s1, s0;
	s1 =	simm.s32 @!p0 $0x1B800  }
0x176: {  	[tilespmem:s1], [sflag:$0x1] =	stream.linear.gather @!p0 [hbm4b:s0+s2], $0x400, $0x38;
	[tilespmem:$0x1C000] =	vst v63  }
0x177: {  	_ =	swait.ge [sflag:s30], $0x4000  }
0x178: {  	[sflag:s30] =	ssyncset.done $0x0  }
0x179: {  	[sflag:s30] =	ssyncadd.s32 $0xFFFFC000  }
0x17a: {  	_ =	swait.ge [sflag:s30], $0x400  }
0x17b: {  	[sflag:s30] =	ssyncset.done $0x0  }
0x17c: {  	s18 =	simm.s32 $0x0;
	[sflag:s30] =	ssyncadd.s32 $0xFFFFFC00  }
0x17d: {  	s3 =	sand.u32 $0x60, s18;
	s0 =	sand.u32 $0x380, s18;
	_ =	swait.ge [sflag:s30], $0x400  }
0x17e: {  	s13 =	sor.u32 $0x10, s3;
	s22 =	sor.u32 $0x1B400, s0;
	[sflag:s30] =	ssyncset.done $0x0  }
0x17f: {  	s23 =	sor.u32 s13, s22;
	[sflag:s30] =	ssyncadd.s32 $0xFFFFFC00  }
0x180: {  	v6 =	vld [tilespmem:s23+$0x0]  }
0x181: {  	s1 =	sor.u32 s3, s22  }
0x182: {  	v7 =	vld [tilespmem:s1+$0x0];
	_ =	sdelay $0x4  }
0x183: {  	s24 =	sor.u32 $0x17000, s0;
	v8 =	vshll.u32 v6, $0x3  }
0x184: {  	s31 =	sor.u32 s13, s24;
	v9 =	vand.u32 $0x7F, v6;
	[tilespmem:v6+s26+$0x0] =	vst.idx.add.f32.msk $0xffff, v4;
	v6 =	vand.u32 $0xFFFFFC00, v8  }
0x185: {  	v10 =	vld [tilespmem:s31+$0x0];
	v8 =	vor.u32 v9, v6;
	v6 =	vshll.u32 v7, $0x3  }
0x186: {  	s1 =	sor.u32 s3, s24;
	[tilespmem:v7+s26+$0x0] =	vst.idx.add.f32.msk $0xffff, v4;
	v9 =	vand.u32 $0x7F, v7;
	v6 =	vand.u32 $0xFFFFFC00, v6  }
0x187: {  	v7 =	vor.u32 v9, v6;
	v6 =	vld [tilespmem:s1+$0x0];
	_ =	sdelay $0x1  }
0x188: {  	s10 =	sor.u32 $0x17400, s0  }
0x189: {  	s11 =	sor.u32 s13, s10;
	[tilespmem:v8+s5+$0x0] =	vst.idx.add.f32.msk $0xffff, v10  }
0x18a: {  	v10 =	vor.u32 $0x80, v8;
	v9 =	vld [tilespmem:s11+$0x0]  }
0x18b: {  	s1 =	sor.u32 s3, s10;
	[tilespmem:v7+s5+$0x0] =	vst.idx.add.f32.msk $0xffff, v6  }
0x18c: {  	v6 =	vor.u32 $0x80, v7;
	v11 =	vld [tilespmem:s1+$0x0];
	_ =	sdelay $0x1  }
0x18d: {  	s12 =	sor.u32 $0x17800, s0  }
0x18e: {  	s14 =	sor.u32 s13, s12;
	[tilespmem:v10+s5+$0x0] =	vst.idx.add.f32.msk $0xffff, v9  }
0x18f: {  	v10 =	vor.u32 $0x100, v8;
	v9 =	vld [tilespmem:s14+$0x0]  }
0x190: {  	s1 =	sor.u32 s3, s12;
	[tilespmem:v6+s5+$0x0] =	vst.idx.add.f32.msk $0xffff, v11  }
0x191: {  	v6 =	vor.u32 $0x100, v7;
	v11 =	vld [tilespmem:s1+$0x0];
	_ =	sdelay $0x1  }
0x192: {  	s15 =	sor.u32 $0x17C00, s0  }
0x193: {  	s16 =	sor.u32 s13, s15;
	[tilespmem:v10+s5+$0x0] =	vst.idx.add.f32.msk $0xffff, v9  }
0x194: {  	v10 =	vor.u32 $0x180, v8;
	v9 =	vld [tilespmem:s16+$0x0]  }
0x195: {  	s1 =	sor.u32 s3, s15;
	[tilespmem:v6+s5+$0x0] =	vst.idx.add.f32.msk $0xffff, v11  }
0x196: {  	v6 =	vor.u32 $0x180, v7;
	v11 =	vld [tilespmem:s1+$0x0];
	_ =	sdelay $0x1  }
0x197: {  	s17 =	sor.u32 $0x18000, s0  }
0x198: {  	s18 =	sor.u32 s13, s17;
	[tilespmem:v10+s5+$0x0] =	vst.idx.add.f32.msk $0xffff, v9  }
0x199: {  	v10 =	vor.u32 $0x200, v8;
	v9 =	vld [tilespmem:s18+$0x0]  }
0x19a: {  	s1 =	sor.u32 s3, s17;
	[tilespmem:v6+s5+$0x0] =	vst.idx.add.f32.msk $0xffff, v11  }
0x19b: {  	v6 =	vor.u32 $0x200, v7;
	v11 =	vld [tilespmem:s1+$0x0];
	_ =	sdelay $0x1  }
0x19c: {  	s22 =	sor.u32 $0x18400, s0  }
0x19d: {  	s23 =	sor.u32 s13, s22;
	[tilespmem:v10+s5+$0x0] =	vst.idx.add.f32.msk $0xffff, v9  }
0x19e: {  	v10 =	vor.u32 $0x280, v8;
	v9 =	vld [tilespmem:s23+$0x0]  }
0x19f: {  	s1 =	sor.u32 s3, s22;
	[tilespmem:v6+s5+$0x0] =	vst.idx.add.f32.msk $0xffff, v11  }
0x1a0: {  	v6 =	vor.u32 $0x280, v7;
	v11 =	vld [tilespmem:s1+$0x0];
	_ =	sdelay $0x1  }
0x1a1: {  	s24 =	sor.u32 $0x18800, s0  }
0x1a2: {  	s31 =	sor.u32 s13, s24;
	[tilespmem:v10+s5+$0x0] =	vst.idx.add.f32.msk $0xffff, v9  }
0x1a3: {  	v10 =	vor.u32 $0x300, v8;
	v9 =	vld [tilespmem:s31+$0x0]  }
0x1a4: {  	s1 =	sor.u32 s3, s24;
	[tilespmem:v6+s5+$0x0] =	vst.idx.add.f32.msk $0xffff, v11  }
0x1a5: {  	v6 =	vor.u32 $0x300, v7;
	v11 =	vld [tilespmem:s1+$0x0];
	_ =	sdelay $0x1  }
0x1a6: {  	s10 =	sor.u32 $0x18C00, s0  }
0x1a7: {  	s11 =	sor.u32 s13, s10;
	[tilespmem:v10+s5+$0x0] =	vst.idx.add.f32.msk $0xffff, v9  }
0x1a8: {  	v10 =	vor.u32 $0x380, v8;
	v9 =	vld [tilespmem:s11+$0x0]  }
0x1a9: {  	s1 =	sor.u32 s3, s10;
	[tilespmem:v6+s5+$0x0] =	vst.idx.add.f32.msk $0xffff, v11  }
0x1aa: {  	v6 =	vor.u32 $0x380, v7;
	v11 =	vld [tilespmem:s1+$0x0];
	_ =	sdelay $0x1  }
0x1ab: {  	s12 =	sor.u32 $0x19000, s0  }
0x1ac: {  	s14 =	sor.u32 s13, s12;
	[tilespmem:v10+s5+$0x0] =	vst.idx.add.f32.msk $0xffff, v9  }
0x1ad: {  	v10 =	vadd.s32 $0x8000, v8;
	v9 =	vld [tilespmem:s14+$0x0]  }
0x1ae: {  	s1 =	sor.u32 s3, s12;
	[tilespmem:v6+s5+$0x0] =	vst.idx.add.f32.msk $0xffff, v11  }
0x1af: {  	v6 =	vadd.s32 $0x8000, v7;
	v11 =	vld [tilespmem:s1+$0x0];
	_ =	sdelay $0x1  }
0x1b0: {  	s15 =	sor.u32 $0x19400, s0;
	s17 =	simm.s32 $0x20  }
0x1b1: {  	s16 =	sor.u32 s13, s15;
	s10 =	sand.u32 $0x60, s17;
	s11 =	sand.u32 $0x380, s17;
	[tilespmem:v10+s5+$0x0] =	vst.idx.add.f32.msk $0xffff, v9  }
0x1b2: {  	s2 =	sor.u32 $0x1B400, s11;
	s12 =	sor.u32 $0x10, s10;
	v9 =	vld [tilespmem:s16+$0x0]  }
0x1b3: {  	s18 =	sor.u32 s12, s2;
	v10 =	vadd.s32 $0x8080, v8;
	[tilespmem:v6+s5+$0x0] =	vst.idx.add.f32.msk $0xffff, v11  }
0x1b4: {  	v11 =	vld [tilespmem:s18+$0x0]  }
0x1b5: {  	s1 =	sor.u32 s3, s15  }
0x1b6: {  	v12 =	vadd.s32 $0x8080, v7;
	s2 =	sor.u32 s10, s2;
	v6 =	vld [tilespmem:s1+$0x0]  }
0x1b7: {  	v13 =	vld [tilespmem:s2+$0x0];
	s15 =	sor.u32 $0x19800, s0  }
0x1b8: {  	s22 =	sor.u32 s13, s15;
	[tilespmem:v10+s5+$0x0] =	vst.idx.add.f32.msk $0xffff, v9  }
0x1b9: {  	v10 =	vadd.s32 $0x8100, v8;
	v9 =	vld [tilespmem:s22+$0x0];
	_ =	sdelay $0x1  }
0x1ba: {  	s24 =	sor.u32 $0x17000, s11;
	[tilespmem:v12+s5+$0x0] =	vst.idx.add.f32.msk $0xffff, v6;
	v6 =	vshll.u32 v11, $0x3  }
0x1bb: {  	s31 =	sor.u32 s12, s24;
	v12 =	vand.u32 $0x7F, v11;
	v6 =	vand.u32 $0xFFFFFC00, v6;
	[tilespmem:v11+s26+$0x0] =	vst.idx.add.f32.msk $0xffff, v4  }
0x1bc: {  	s14 =	sor.u32 $0x19C00, s0;
	v6 =	vor.u32 v12, v6;
	v14 =	vld [tilespmem:s31+$0x0]  }
0x1bd: {  	s23 =	sor.u32 s13, s14;
	[tilespmem:v10+s5+$0x0] =	vst.idx.add.f32.msk $0xffff, v9  }
0x1be: {  	v11 =	vshll.u32 v13, $0x3;
	v10 =	vadd.s32 $0x8180, v8;
	v9 =	vld [tilespmem:s23+$0x0]  }
0x1bf: {  	s16 =	sor.u32 s10, s24;
	[tilespmem:v13+s26+$0x0] =	vst.idx.add.f32.msk $0xffff, v4;
	v12 =	vand.u32 $0x7F, v13;
	v11 =	vand.u32 $0xFFFFFC00, v11  }
0x1c0: {  	s18 =	sor.u32 $0x17400, s11;
	v19 =	vor.u32 v12, v11;
	v11 =	vld [tilespmem:s16+$0x0]  }
0x1c1: {  	s22 =	sor.u32 s12, s18;
	[tilespmem:v6+s5+$0x0] =	vst.idx.add.f32.msk $0xffff, v14  }
0x1c2: {  	v13 =	vor.u32 $0x80, v6;
	s16 =	sor.u32 $0x1A000, s0;
	v12 =	vld [tilespmem:s22+$0x0]  }
0x1c3: {  	s17 =	sor.u32 s13, s16;
	[tilespmem:v10+s5+$0x0] =	vst.idx.add.f32.msk $0xffff, v9  }
0x1c4: {  	v10 =	vadd.s32 $0x8200, v8;
	v9 =	vld [tilespmem:s17+$0x0]  }
0x1c5: {  	s23 =	sor.u32 s10, s18;
	[tilespmem:v19+s5+$0x0] =	vst.idx.add.f32.msk $0xffff, v11  }
0x1c6: {  	s31 =	sor.u32 $0x17800, s11;
	v11 =	vor.u32 $0x80, v19;
	v14 =	vld [tilespmem:s23+$0x0]  }
0x1c7: {  	s17 =	sor.u32 s12, s31;
	[tilespmem:v13+s5+$0x0] =	vst.idx.add.f32.msk $0xffff, v12  }
0x1c8: {  	s18 =	sor.u32 $0x1A400, s0;
	v13 =	vor.u32 $0x100, v6;
	v12 =	vld [tilespmem:s17+$0x0]  }
0x1c9: {  	s24 =	sor.u32 s13, s18;
	[tilespmem:v10+s5+$0x0] =	vst.idx.add.f32.msk $0xffff, v9  }
0x1ca: {  	v10 =	vadd.s32 $0x8280, v8;
	v9 =	vld [tilespmem:s24+$0x0]  }
0x1cb: {  	s22 =	sor.u32 s10, s31;
	[tilespmem:v11+s5+$0x0] =	vst.idx.add.f32.msk $0xffff, v14  }
0x1cc: {  	v14 =	vld [tilespmem:s22+$0x0];
	s24 =	sor.u32 $0x17C00, s11  }
0x1cd: {  	v11 =	vor.u32 $0x100, v19;
	s31 =	sor.u32 s12, s24;
	[tilespmem:v13+s5+$0x0] =	vst.idx.add.f32.msk $0xffff, v12  }
0x1ce: {  	s22 =	sor.u32 $0x1A800, s0;
	v12 =	vld [tilespmem:s31+$0x0]  }
0x1cf: {  	s23 =	sor.u32 s13, s22;
	v13 =	vor.u32 $0x180, v6;
	[tilespmem:v10+s5+$0x0] =	vst.idx.add.f32.msk $0xffff, v9  }
0x1d0: {  	v10 =	vadd.s32 $0x8300, v8;
	v9 =	vld [tilespmem:s23+$0x0];
	_ =	sdelay $0x1  }
0x1d1: {  	s2 =	sor.u32 s10, s24;
	[tilespmem:v11+s5+$0x0] =	vst.idx.add.f32.msk $0xffff, v14  }
0x1d2: {  	s17 =	sor.u32 $0x1AC00, s0;
	v11 =	vor.u32 $0x180, v19;
	v14 =	vld [tilespmem:s2+$0x0]  }
0x1d3: {  	s0 =	sor.u32 s13, s17;
	s13 =	sor.u32 $0x18000, s11;
	[tilespmem:v13+s5+$0x0] =	vst.idx.add.f32.msk $0xffff, v12  }
0x1d4: {  	s23 =	sor.u32 s12, s13;
	[tilespmem:v10+s5+$0x0] =	vst.idx.add.f32.msk $0xffff, v9  }
0x1d5: {  	v12 =	vor.u32 $0x200, v6;
	v10 =	vld [tilespmem:s23+$0x0]  }
0x1d6: {  	v8 =	vadd.s32 $0x8380, v8;
	v9 =	vld [tilespmem:s0+$0x0]  }
0x1d7: {  	s24 =	sor.u32 s10, s13;
	[tilespmem:v11+s5+$0x0] =	vst.idx.add.f32.msk $0xffff, v14  }
0x1d8: {  	s31 =	sor.u32 s3, s15;
	v11 =	vor.u32 $0x200, v19;
	v13 =	vld [tilespmem:s24+$0x0]  }
0x1d9: {  	v14 =	vld [tilespmem:s31+$0x0]  }
0x1da: {  	v15 =	vadd.s32 $0x8100, v7;
	s2 =	sor.u32 $0x18400, s11;
	[tilespmem:v12+s5+$0x0] =	vst.idx.add.f32.msk $0xffff, v10  }
0x1db: {  	s13 =	sor.u32 s12, s2;
	[tilespmem:v8+s5+$0x0] =	vst.idx.add.f32.msk $0xffff, v9  }
0x1dc: {  	v8 =	vld [tilespmem:s13+$0x0];
	v9 =	vor.u32 $0x280, v6  }
0x1dd: {  	s0 =	sor.u32 s10, s2;
	[tilespmem:v11+s5+$0x0] =	vst.idx.add.f32.msk $0xffff, v13  }
0x1de: {  	v10 =	vor.u32 $0x280, v19;
	v11 =	vld [tilespmem:s0+$0x0]  }
0x1df: {  	s14 =	sor.u32 s3, s14;
	[tilespmem:v15+s5+$0x0] =	vst.idx.add.f32.msk $0xffff, v14  }
0x1e0: {  	s15 =	sor.u32 $0x18800, s11;
	v12 =	vadd.s32 $0x8180, v7;
	v13 =	vld [tilespmem:s14+$0x0]  }
0x1e1: {  	s23 =	sor.u32 s12, s15;
	[tilespmem:v9+s5+$0x0] =	vst.idx.add.f32.msk $0xffff, v8  }
0x1e2: {  	v9 =	vor.u32 $0x300, v6;
	v8 =	vld [tilespmem:s23+$0x0]  }
0x1e3: {  	s0 =	sor.u32 s10, s15;
	[tilespmem:v10+s5+$0x0] =	vst.idx.add.f32.msk $0xffff, v11  }
0x1e4: {  	v10 =	vor.u32 $0x300, v19;
	v11 =	vld [tilespmem:s0+$0x0]  }
0x1e5: {  	s24 =	sor.u32 s3, s16;
	[tilespmem:v12+s5+$0x0] =	vst.idx.add.f32.msk $0xffff, v13  }
0x1e6: {  	s31 =	sor.u32 $0x18C00, s11;
	v12 =	vadd.s32 $0x8200, v7;
	v13 =	vld [tilespmem:s24+$0x0]  }
0x1e7: {  	s2 =	sor.u32 s12, s31;
	[tilespmem:v9+s5+$0x0] =	vst.idx.add.f32.msk $0xffff, v8  }
0x1e8: {  	v9 =	vor.u32 $0x380, v6;
	v8 =	vld [tilespmem:s2+$0x0]  }
0x1e9: {  	s13 =	sor.u32 s10, s31;
	[tilespmem:v10+s5+$0x0] =	vst.idx.add.f32.msk $0xffff, v11  }
0x1ea: {  	v10 =	vor.u32 $0x380, v19;
	v11 =	vld [tilespmem:s13+$0x0]  }
0x1eb: {  	s14 =	sor.u32 s3, s18;
	[tilespmem:v12+s5+$0x0] =	vst.idx.add.f32.msk $0xffff, v13  }
0x1ec: {  	s15 =	sor.u32 $0x19000, s11;
	v12 =	vadd.s32 $0x8280, v7;
	v13 =	vld [tilespmem:s14+$0x0]  }
0x1ed: {  	s16 =	sor.u32 s12, s15;
	[tilespmem:v9+s5+$0x0] =	vst.idx.add.f32.msk $0xffff, v8  }
0x1ee: {  	v14 =	vadd.s32 $0x8000, v6;
	v9 =	vld [tilespmem:s16+$0x0]  }
0x1ef: {  	s18 =	sor.u32 s10, s15;
	[tilespmem:v10+s5+$0x0] =	vst.idx.add.f32.msk $0xffff, v11  }
0x1f0: {  	v16 =	vadd.s32 $0x8000, v19;
	v18 =	vld [tilespmem:s18+$0x0]  }
0x1f1: {  	v20 =	vadd.s32 $0x8080, v6;
	s23 =	sor.u32 s3, s22;
	[tilespmem:v12+s5+$0x0] =	vst.idx.add.f32.msk $0xffff, v13  }
0x1f2: {  	v15 =	vadd.s32 $0x8080, v19;
	s24 =	sor.u32 $0x19400, s11;
	v13 =	vadd.s32 $0x8100, v19;
	v8 =	vadd.s32 $0x8300, v7;
	v17 =	vld [tilespmem:s23+$0x0]  }
0x1f3: {  	s0 =	simm.s32 $0x2;
	s31 =	sor.u32 s12, s24;
	v12 =	vadd.s32 $0x8180, v19;
	v7 =	vadd.s32 $0x8380, v7;
	v11 =	vadd.s32 $0x8200, v19;
	[tilespmem:v14+s5+$0x0] =	vst.idx.add.f32.msk $0xffff, v9  }
0x1f4: {  	s14 =	sor.u32 s10, s24;
	s13 =	sor.u32 s3, s17;
	s3 =	simm.s32 $0x40;
	v10 =	vadd.s32 $0x8280, v19;
	v14 =	vadd.s32 $0x8300, v19;
	v9 =	vadd.s32 $0x8380, v19;
	v19 =	vld [tilespmem:s31+$0x0]  }
.LBB2_11:
0x1f5: {  	s16 =	sand.u32 $0x60, s3;
	s22 =	sand.u32 $0x380, s3;
	[tilespmem:v16+s5+$0x0] =	vst.idx.add.f32.msk $0xffff, v18  }
0x1f6: {  	s0 =	sadd.s32 $0x2, s0;
	s1 =	sor.u32 $0x1B400, s22;
	s15 =	sor.u32 $0x10, s16;
	v16 =	vld [tilespmem:s14+$0x0]  }
0x1f7: {  	p0 =	slt.u32 s0, $0x3E;
	s2 =	sor.u32 s16, s1;
	s1 =	sor.u32 s15, s1;
	[tilespmem:v8+s5+$0x0] =	vst.idx.add.f32.msk $0xffff, v17;
	v8 =	vmov v14  }
0x1f8: {  	v14 =	vld [tilespmem:s1+$0x0];
	s1 =	sor.u32 $0x19800, s11  }
0x1f9: {  	s14 =	sor.u32 s10, s1;
	[tilespmem:v20+s5+$0x0] =	vst.idx.add.f32.msk $0xffff, v19;
	s1 =	sor.u32 s12, s1  }
0x1fa: {  	v19 =	vadd.s32 $0x8100, v6;
	v17 =	vld [tilespmem:s1+$0x0]  }
0x1fb: {  	v20 =	vld [tilespmem:s2+$0x0]  }
0x1fc: {  	[tilespmem:v15+s5+$0x0] =	vst.idx.add.f32.msk $0xffff, v16  }
0x1fd: {  	v21 =	vld [tilespmem:s14+$0x0]  }
0x1fe: {  	s1 =	sor.u32 $0x19C00, s11;
	v18 =	vld [tilespmem:s13+$0x0]  }
0x1ff: {  	s14 =	sor.u32 s10, s1;
	s1 =	sor.u32 s12, s1;
	[tilespmem:v19+s5+$0x0] =	vst.idx.add.f32.msk $0xffff, v17  }
0x200: {  	s2 =	sor.u32 $0x17000, s22;
	v16 =	vshll.u32 v14, $0x3;
	v19 =	vadd.s32 $0x8180, v6;
	v15 =	vshll.u32 v20, $0x3;
	v17 =	vld [tilespmem:s1+$0x0]  }
0x201: {  	v22 =	vand.u32 $0x7F, v14;
	s1 =	sor.u32 s16, s2;
	s2 =	sor.u32 s15, s2;
	v15 =	vand.u32 $0xFFFFFC00, v15;
	[tilespmem:v14+s26+$0x0] =	vst.idx.add.f32.msk $0xffff, v4;
	v14 =	vand.u32 $0xFFFFFC00, v16  }
0x202: {  	v16 =	vand.u32 $0x7F, v20;
	v23 =	vld [tilespmem:s2+$0x0];
	v22 =	vor.u32 v22, v14  }
0x203: {  	v24 =	vor.u32 v16, v15;
	[tilespmem:v20+s26+$0x0] =	vst.idx.add.f32.msk $0xffff, v4  }
0x204: {  	v25 =	vor.u32 $0x80, v24;
	v26 =	vor.u32 $0x100, v24;
	v27 =	vor.u32 $0x180, v24;
	v14 =	vld [tilespmem:s1+$0x0];
	s1 =	sor.u32 $0x1A000, s11  }
0x205: {  	v28 =	vor.u32 $0x200, v24;
	v29 =	vor.u32 $0x280, v24;
	v20 =	vor.u32 $0x300, v24;
	s23 =	sor.u32 s10, s1;
	[tilespmem:v19+s5+$0x0] =	vst.idx.add.f32.msk $0xffff, v17;
	s1 =	sor.u32 s12, s1  }
0x206: {  	v31 =	vadd.s32 $0x8200, v6;
	s2 =	sor.u32 $0x17400, s22;
	v16 =	vadd.s32 $0x8000, v24;
	v17 =	vor.u32 $0x380, v24;
	v30 =	vld [tilespmem:s1+$0x0]  }
0x207: {  	v15 =	vadd.s32 $0x8080, v24;
	v32 =	vadd.s32 $0x8100, v24;
	v33 =	vadd.s32 $0x8180, v24;
	s1 =	sor.u32 s16, s2;
	s2 =	sor.u32 s15, s2;
	[tilespmem:v22+s5+$0x0] =	vst.idx.add.f32.msk $0xffff, v23  }
0x208: {  	v35 =	vor.u32 $0x80, v22;
	v19 =	vadd.s32 $0x8280, v24;
	v23 =	vadd.s32 $0x8200, v24;
	v34 =	vld [tilespmem:s2+$0x0]  }
0x209: {  	[tilespmem:v24+s5+$0x0] =	vst.idx.add.f32.msk $0xffff, v14;
	v14 =	vadd.s32 $0x8300, v24;
	v24 =	vadd.s32 $0x8380, v24  }
0x20a: {  	v36 =	vld [tilespmem:s1+$0x0];
	s1 =	sor.u32 $0x1A400, s11  }
0x20b: {  	s31 =	sor.u32 s10, s1;
	[tilespmem:v31+s5+$0x0] =	vst.idx.add.f32.msk $0xffff, v30;
	s1 =	sor.u32 s12, s1  }
0x20c: {  	s2 =	sor.u32 $0x17800, s22;
	v31 =	vadd.s32 $0x8280, v6;
	v30 =	vld [tilespmem:s1+$0x0]  }
0x20d: {  	s1 =	sor.u32 s16, s2;
	s2 =	sor.u32 s15, s2;
	[tilespmem:v35+s5+$0x0] =	vst.idx.add.f32.msk $0xffff, v34  }
0x20e: {  	v35 =	vor.u32 $0x100, v22;
	v34 =	vld [tilespmem:s2+$0x0]  }
0x20f: {  	[tilespmem:v25+s5+$0x0] =	vst.idx.add.f32.msk $0xffff, v36  }
0x210: {  	v25 =	vld [tilespmem:s1+$0x0];
	s1 =	sor.u32 $0x1A800, s11  }
0x211: {  	s24 =	sor.u32 s10, s1;
	[tilespmem:v31+s5+$0x0] =	vst.idx.add.f32.msk $0xffff, v30;
	s1 =	sor.u32 s12, s1  }
0x212: {  	s2 =	sor.u32 $0x17C00, s22;
	v31 =	vadd.s32 $0x8300, v6;
	v30 =	vld [tilespmem:s1+$0x0]  }
0x213: {  	s1 =	sor.u32 s16, s2;
	s2 =	sor.u32 s15, s2;
	[tilespmem:v35+s5+$0x0] =	vst.idx.add.f32.msk $0xffff, v34  }
0x214: {  	v35 =	vor.u32 $0x180, v22;
	v34 =	vld [tilespmem:s2+$0x0]  }
0x215: {  	[tilespmem:v26+s5+$0x0] =	vst.idx.add.f32.msk $0xffff, v25  }
0x216: {  	v25 =	vld [tilespmem:s1+$0x0];
	s1 =	sor.u32 $0x1AC00, s11;
	s11 =	smov.u32 s22  }
0x217: {  	s13 =	sor.u32 s10, s1;
	[tilespmem:v31+s5+$0x0] =	vst.idx.add.f32.msk $0xffff, v30;
	s1 =	sor.u32 s12, s1;
	s10 =	smov.u32 s16  }
0x218: {  	s2 =	sor.u32 $0x18000, s11;
	v30 =	vadd.s32 $0x8380, v6;
	v6 =	vmov v22;
	s12 =	smov.u32 s15;
	v26 =	vld [tilespmem:s1+$0x0]  }
0x219: {  	s1 =	sor.u32 s10, s2;
	s2 =	sor.u32 s12, s2;
	[tilespmem:v35+s5+$0x0] =	vst.idx.add.f32.msk $0xffff, v34  }
0x21a: {  	v31 =	vor.u32 $0x200, v6;
	v22 =	vld [tilespmem:s2+$0x0]  }
0x21b: {  	[tilespmem:v27+s5+$0x0] =	vst.idx.add.f32.msk $0xffff, v25  }
0x21c: {  	v25 =	vld [tilespmem:s1+$0x0]  }
0x21d: {  	[tilespmem:v30+s5+$0x0] =	vst.idx.add.f32.msk $0xffff, v26  }
0x21e: {  	s1 =	sor.u32 $0x18400, s11;
	[tilespmem:v13+s5+$0x0] =	vst.idx.add.f32.msk $0xffff, v21;
	v13 =	vmov v32  }
0x21f: {  	s2 =	sor.u32 s10, s1;
	s1 =	sor.u32 s12, s1;
	[tilespmem:v31+s5+$0x0] =	vst.idx.add.f32.msk $0xffff, v22  }
0x220: {  	v22 =	vor.u32 $0x280, v6;
	v21 =	vld [tilespmem:s1+$0x0]  }
0x221: {  	[tilespmem:v28+s5+$0x0] =	vst.idx.add.f32.msk $0xffff, v25  }
0x222: {  	v25 =	vld [tilespmem:s2+$0x0]  }
0x223: {  	v26 =	vld [tilespmem:s14+$0x0]  }
0x224: {  	s1 =	sor.u32 $0x18800, s11;
	[tilespmem:v7+s5+$0x0] =	vst.idx.add.f32.msk $0xffff, v18;
	v7 =	vmov v9;
	v9 =	vmov v24  }
0x225: {  	s2 =	sor.u32 s10, s1;
	s1 =	sor.u32 s12, s1;
	[tilespmem:v22+s5+$0x0] =	vst.idx.add.f32.msk $0xffff, v21  }
0x226: {  	v21 =	vor.u32 $0x300, v6;
	v18 =	vld [tilespmem:s1+$0x0]  }
0x227: {  	[tilespmem:v29+s5+$0x0] =	vst.idx.add.f32.msk $0xffff, v25  }
0x228: {  	v22 =	vld [tilespmem:s2+$0x0]  }
0x229: {  	[tilespmem:v12+s5+$0x0] =	vst.idx.add.f32.msk $0xffff, v26;
	v12 =	vmov v33  }
0x22a: {  	s1 =	sor.u32 $0x18C00, s11;
	v24 =	vld [tilespmem:s23+$0x0]  }
0x22b: {  	s2 =	sor.u32 s10, s1;
	s1 =	sor.u32 s12, s1;
	[tilespmem:v21+s5+$0x0] =	vst.idx.add.f32.msk $0xffff, v18  }
0x22c: {  	v21 =	vor.u32 $0x380, v6;
	v18 =	vld [tilespmem:s1+$0x0]  }
0x22d: {  	[tilespmem:v20+s5+$0x0] =	vst.idx.add.f32.msk $0xffff, v22  }
0x22e: {  	v20 =	vld [tilespmem:s2+$0x0]  }
0x22f: {  	[tilespmem:v11+s5+$0x0] =	vst.idx.add.f32.msk $0xffff, v24;
	v11 =	vmov v23  }
0x230: {  	s1 =	sor.u32 $0x19000, s11;
	v22 =	vld [tilespmem:s31+$0x0]  }
0x231: {  	s2 =	sor.u32 s10, s1;
	s1 =	sor.u32 s12, s1;
	[tilespmem:v21+s5+$0x0] =	vst.idx.add.f32.msk $0xffff, v18  }
0x232: {  	v23 =	vadd.s32 $0x8000, v6;
	v21 =	vld [tilespmem:s1+$0x0]  }
0x233: {  	[tilespmem:v17+s5+$0x0] =	vst.idx.add.f32.msk $0xffff, v20  }
.Ltmp4:
0x234: {  	v18 =	vld [tilespmem:s2+$0x0];
	(pc) =	sbr.rel @p0 .LBB2_11-.Ltmp4, $4  }
0x235: {  	[tilespmem:v10+s5+$0x0] =	vst.idx.add.f32.msk $0xffff, v22;
	v10 =	vmov v19  }
0x236: {  	s1 =	sor.u32 $0x19400, s11;
	v17 =	vld [tilespmem:s24+$0x0]  }
0x237: {  	s14 =	sor.u32 s10, s1;
	s1 =	sor.u32 s12, s1;
	[tilespmem:v23+s5+$0x0] =	vst.idx.add.f32.msk $0xffff, v21  }
0x238: {  	s3 =	sadd.s32 $0x20, s3;
	v20 =	vadd.s32 $0x8080, v6;
	v19 =	vld [tilespmem:s1+$0x0]  }
0x239: {  	_ =	sdelay $0x3  }
0x23a: {  	[tilespmem:v16+s5+$0x0] =	vst.idx.add.f32.msk $0xffff, v18  }
0x23b: {  	v16 =	vld [tilespmem:s14+$0x0];
	_ =	sdelay $0x1  }
0x23c: {  	s0 =	sor.u32 $0x19800, s11  }
0x23d: {  	s1 =	sor.u32 s12, s0;
	[tilespmem:v20+s5+$0x0] =	vst.idx.add.f32.msk $0xffff, v19  }
0x23e: {  	v54 =	vadd.s32 $0x8100, v6;
	v53 =	vld [tilespmem:s1+$0x0]  }
0x23f: {  	s0 =	sor.u32 s10, s0;
	[tilespmem:v15+s5+$0x0] =	vst.idx.add.f32.msk $0xffff, v16  }
0x240: {  	v15 =	vld [tilespmem:s0+$0x0];
	_ =	sdelay $0x1  }
0x241: {  	s2 =	sor.u32 $0x19C00, s11  }
0x242: {  	s3 =	sor.u32 s12, s2;
	[tilespmem:v54+s5+$0x0] =	vst.idx.add.f32.msk $0xffff, v53  }
0x243: {  	v56 =	vadd.s32 $0x8180, v6;
	v55 =	vld [tilespmem:s3+$0x0]  }
0x244: {  	s0 =	sor.u32 s10, s2;
	[tilespmem:v13+s5+$0x0] =	vst.idx.add.f32.msk $0xffff, v15  }
0x245: {  	v13 =	vld [tilespmem:s0+$0x0];
	_ =	sdelay $0x1  }
0x246: {  	s14 =	sor.u32 $0x1A000, s11  }
0x247: {  	s15 =	sor.u32 s12, s14;
	[tilespmem:v56+s5+$0x0] =	vst.idx.add.f32.msk $0xffff, v55  }
0x248: {  	v58 =	vadd.s32 $0x8200, v6;
	v57 =	vld [tilespmem:s15+$0x0]  }
0x249: {  	s0 =	sor.u32 s10, s14;
	[tilespmem:v12+s5+$0x0] =	vst.idx.add.f32.msk $0xffff, v13  }
0x24a: {  	v12 =	vld [tilespmem:s0+$0x0];
	_ =	sdelay $0x1  }
0x24b: {  	s16 =	sor.u32 $0x1A400, s11  }
0x24c: {  	s17 =	sor.u32 s12, s16;
	[tilespmem:v58+s5+$0x0] =	vst.idx.add.f32.msk $0xffff, v57  }
0x24d: {  	v60 =	vadd.s32 $0x8280, v6;
	v59 =	vld [tilespmem:s17+$0x0]  }
0x24e: {  	s0 =	sor.u32 s10, s16;
	[tilespmem:v11+s5+$0x0] =	vst.idx.add.f32.msk $0xffff, v12  }
0x24f: {  	v11 =	vld [tilespmem:s0+$0x0];
	_ =	sdelay $0x1  }
0x250: {  	s18 =	sor.u32 $0x1A800, s11  }
0x251: {  	s22 =	sor.u32 s12, s18;
	[tilespmem:v60+s5+$0x0] =	vst.idx.add.f32.msk $0xffff, v59  }
0x252: {  	v62 =	vadd.s32 $0x8300, v6;
	v61 =	vld [tilespmem:s22+$0x0]  }
0x253: {  	s0 =	sor.u32 s10, s18;
	[tilespmem:v10+s5+$0x0] =	vst.idx.add.f32.msk $0xffff, v11  }
0x254: {  	v10 =	vld [tilespmem:s0+$0x0]  }
0x255: {  	[tilespmem:v8+s5+$0x0] =	vst.idx.add.f32.msk $0xffff, v17  }
0x256: {  	s23 =	sor.u32 $0x1AC00, s11;
	v8 =	vld [tilespmem:s13+$0x0]  }
0x257: {  	s24 =	sor.u32 s12, s23;
	[tilespmem:v62+s5+$0x0] =	vst.idx.add.f32.msk $0xffff, v61  }
0x258: {  	v63 =	vld [tilespmem:s24+$0x0]  }
0x259: {  	v6 =	vadd.s32 $0x8380, v6;
	s0 =	sor.u32 s10, s23;
	[tilespmem:v14+s5+$0x0] =	vst.idx.add.f32.msk $0xffff, v10  }
0x25a: {  	v10 =	vld [tilespmem:s0+$0x0];
	_ =	sdelay $0x2  }
0x25b: {  	[tilespmem:v7+s5+$0x0] =	vst.idx.add.f32.msk $0xffff, v8  }
0x25c: {  	s31 =	ssub.s32 s9, s6;
	[tilespmem:v6+s5+$0x0] =	vst.idx.add.f32.msk $0xffff, v63  }
0x25d: {  	s9 =	simm.s32 $0x0;
	s3 =	simm.s32 $0x0;
	s0 =	sadd.s32 s21, s31;
	[tilespmem:v9+s5+$0x0] =	vst.idx.add.f32.msk $0xffff, v10  }
.LBB2_13:
0x25e: {  	s1 =	sshrl.u32 s9, $0x1  }
0x25f: {  	s2 =	sand.u32 $0x40, s3;
	s10 =	sshll.u32 s1, $0x7  }
0x260: {  	s11 =	sor.u32 s2, s10  }
0x261: {  	v6 =	vld [tilespmem:s11+$0x1B400];
	_ =	sdelay $0x4  }
0x262: {  	v7 =	vperm.xlane v6, v5;
	_ =	sdelay $0x1  }
0x263: {  	(xrf1) =	vunique.msk.u32 $0xffff, v7;
	_ =	sdelay $0xc  }
0x264: {  	v7 =	vld.idx.msk [tilespmem:v6+s28+$0x0], $0xffff  }
0x265: {  	s1 =	sshll.u32 s1, $0x9;
	_, v8, vm0 =	vpop (xrf1)  }
0x266: {  	s1 =	sadd.s32 s0, s1;
	v8 =	vsel vm0, $0x1, v3  }
0x267: {  	s12 =	sor.u32 s2, s1;
	v8 =	vperm.xlane v8, v5  }
0x268: {  	v9 =	vor.u32 s12, v0  }
0x269: {  	vm1 =	vlt.s32 v9, v7;
	vm6 =	veq.s32 v8, $0x1  }
0x26a: {  	vm0 =	vmand vm6, vm1;
	_ =	sdelay $0x1  }
0x26b: {  	v7 =	vld [tilespmem:s11+$0x1BC00];
	_ =	sdelay $0x3  }
0x26c: {  	s22 =	sor.u32 $0x10, s2;
	[tilespmem:v6+s28+$0x0] =	vst.idx.msk vm0, v9  }
0x26d: {  	s23 =	sor.u32 s22, s10;
	[tilespmem:v6+s29+$0x0] =	vst.idx.msk vm0, v7  }
0x26e: {  	v6 =	vld [tilespmem:s23+$0x1B400];
	_ =	sdelay $0x4  }
0x26f: {  	v7 =	vperm.xlane v6, v5;
	_ =	sdelay $0x1  }
0x270: {  	(xrf1) =	vunique.msk.u32 $0xffff, v7;
	_ =	sdelay $0xc  }
0x271: {  	v7 =	vld.idx.msk [tilespmem:v6+s28+$0x0], $0xffff  }
0x272: {  	_, v58, vm7 =	vpop (xrf1)  }
0x273: {  	v8 =	vsel vm7, $0x1, v3  }
0x274: {  	s11 =	sor.u32 s22, s1;
	v8 =	vperm.xlane v8, v5  }
0x275: {  	v59 =	vor.u32 s11, v0  }
0x276: {  	vm9 =	vlt.s32 v59, v7;
	vm8 =	veq.s32 v8, $0x1  }
0x277: {  	vm0 =	vmand vm8, vm9;
	_ =	sdelay $0x1  }
0x278: {  	v7 =	vld [tilespmem:s23+$0x1BC00];
	_ =	sdelay $0x3  }
0x279: {  	s24 =	sor.u32 $0x20, s2;
	[tilespmem:v6+s28+$0x0] =	vst.idx.msk vm0, v59  }
0x27a: {  	s31 =	sor.u32 s24, s10;
	[tilespmem:v6+s29+$0x0] =	vst.idx.msk vm0, v7  }
0x27b: {  	v6 =	vld [tilespmem:s31+$0x1B400];
	_ =	sdelay $0x4  }
0x27c: {  	v7 =	vperm.xlane v6, v5;
	_ =	sdelay $0x1  }
0x27d: {  	(xrf1) =	vunique.msk.u32 $0xffff, v7;
	_ =	sdelay $0xc  }
0x27e: {  	v7 =	vld.idx.msk [tilespmem:v6+s28+$0x0], $0xffff  }
0x27f: {  	_, v60, vm10 =	vpop (xrf1)  }
0x280: {  	v8 =	vsel vm10, $0x1, v3  }
0x281: {  	s11 =	sor.u32 s24, s1;
	v8 =	vperm.xlane v8, v5  }
0x282: {  	v61 =	vor.u32 s11, v0  }
0x283: {  	vm12 =	vlt.s32 v61, v7;
	vm11 =	veq.s32 v8, $0x1  }
0x284: {  	vm0 =	vmand vm11, vm12;
	_ =	sdelay $0x1  }
0x285: {  	v7 =	vld [tilespmem:s31+$0x1BC00];
	_ =	sdelay $0x3  }
0x286: {  	s2 =	sor.u32 $0x30, s2;
	[tilespmem:v6+s28+$0x0] =	vst.idx.msk vm0, v61  }
0x287: {  	s10 =	sor.u32 s2, s10;
	[tilespmem:v6+s29+$0x0] =	vst.idx.msk vm0, v7  }
0x288: {  	v6 =	vld [tilespmem:s10+$0x1B400];
	_ =	sdelay $0x4  }
0x289: {  	v7 =	vperm.xlane v6, v5;
	_ =	sdelay $0x1  }
0x28a: {  	(xrf1) =	vunique.msk.u32 $0xffff, v7;
	_ =	sdelay $0xc  }
0x28b: {  	v7 =	vld.idx.msk [tilespmem:v6+s28+$0x0], $0xffff  }
0x28c: {  	_, v62, vm13 =	vpop (xrf1)  }
0x28d: {  	v8 =	vsel vm13, $0x1, v3  }
0x28e: {  	s1 =	sor.u32 s2, s1;
	v8 =	vperm.xlane v8, v5  }
0x28f: {  	v63 =	vor.u32 s1, v0  }
0x290: {  	vm15 =	vlt.s32 v63, v7;
	vm14 =	veq.s32 v8, $0x1  }
0x291: {  	vm0 =	vmand vm14, vm15;
	_ =	sdelay $0x1  }
0x292: {  	p0 =	sne.s32 s9, $0xF;
	v7 =	vld [tilespmem:s10+$0x1BC00]  }
.Ltmp5:
0x293: {  	_ = 	snop;
	(pc) =	sbr.rel @p0 .LBB2_13-.Ltmp5, $3  }
0x294: {  	_ =	sdelay $0x1  }
0x295: {  	[tilespmem:v6+s28+$0x0] =	vst.idx.msk vm0, v63  }
0x296: {  	s3 =	sadd.s32 $0x40, s3;
	s9 =	sadd.s32 $0x1, s9;
	[tilespmem:v6+s29+$0x0] =	vst.idx.msk vm0, v7  }
0x297: {  	s20 =	sadd.s32 $0x1, s20  }
0x298: {  	p0 =	sne.s32 s20, $0x20  }
.Ltmp6:
0x299: {  	_ = 	snop;
	(pc) =	sbr.rel @p0 .LBB2_6-.Ltmp6, $1  }
0x29a: {  	_ =	sdelay $0x3  }
0x29b: {  	s0 =	rddreg [dreg:$0x8];
	s2 =	simm.s32 $0x3  }
0x29c: {  	[hbm4b:s0+s5] =	stream.linear.scatter [tilespmem:s5], [sflag:$0x3], $0x10000, $0x38;
	[tilespmem:$0x1C000] =	vst v63  }
0x29d: {  	_ =	swait.ge [sflag:s2], $0x10000  }
0x29e: {  	s1 =	simm.s32 $0x400;
	[sflag:s2] =	ssyncset.done $0x0  }
0x29f: {  	s3 =	simm.s32 $0x80;
	s21 =	rddreg [dreg:$0x9];
	[sflag:s2] =	ssyncadd.s32 $0xFFFF0000  }
0x2a0: {  	[hbm4b:s21+s3] =	stream.strided.scatter [tilespmem:s26], [sflag:$0x3], $0x1000, s1, s3, $0x38;
	[tilespmem:$0x1C000] =	vst v63  }
0x2a1: {  	_ =	swait.ge [sflag:s2], $0x1000  }
0x2a2: {  	[sflag:s2] =	ssyncset.done $0x0  }
0x2a3: {  	s22 =	rddreg [dreg:$0xa];
	[sflag:s2] =	ssyncadd.s32 $0xFFFFF000  }
0x2a4: {  	[hbm4b:s22+s3] =	stream.strided.scatter [tilespmem:s28], [sflag:$0x3], $0x1000, s1, s3, $0x38;
	[tilespmem:$0x1C000] =	vst v63  }
0x2a5: {  	_ =	swait.ge [sflag:s2], $0x1000  }
0x2a6: {  	[sflag:s2] =	ssyncset.done $0x0  }
0x2a7: {  	s23 =	rddreg [dreg:$0xb];
	[sflag:s2] =	ssyncadd.s32 $0xFFFFF000  }
0x2a8: {  	[hbm4b:s23+s3] =	stream.strided.scatter [tilespmem:s29], [sflag:$0x3], $0x1000, s1, s3, $0x38;
	[tilespmem:$0x1C000] =	vst v63  }
0x2a9: {  	_ =	swait.ge [sflag:s2], $0x1000  }
0x2aa: {  	s24 =	rddreg [dreg:$0xd]  }
0x2ab: {  	s31 =	rddreg [dreg:$0xc];
	s1 =	sadd.s32 $0x1, s24  }
0x2ac: {  	p0 =	sne.s32 s1, s31  }
.Ltmp7:
0x2ad: {  	_ = 	snop;
	(pc) =	sbr.rel @p0 .LBB2_1-.Ltmp7, $3  }
0x2ae: {  	_ =	sdelay $0x1  }
0x2af: {  	[sflag:s2] =	ssyncset.done $0x0  }
0x2b0: {  	s4 =	simm.s32 $0x400;
	[sflag:s2] =	ssyncadd.s32 $0xFFFFF000  }
0x2b1: {  	_ =	sfence.sel $0x180000  }
0x2b2: {  	[bflag:$0x0] =	sbarrier.arrive $0xFFFF  }
0x2b3: {  	_ =	strace $0x90000047  }
0x2b4: {  	s0 =	stileid.u32;
	[bflag:$0x2] =	sbarrier.arrive $0xFFFF  }
0x2b5: {  	p0 =	sne.s32 s0, $0x0;
	s0 =	rddreg [dreg:$0x4]  }
0x2b6: {  	s0 =	sadd.s32 @!p0 $0x100000, s0  }
0x2b7: {  	[sflag:s0] =	ssyncadd.tile.s32 @!p0 $0x1;
	_ =	shalt  }
.Lfunc_end2:
_tile_overlayer_lowered:
.L_overlay_start_2:
0x2b8: {  	(tag) =	ssettag $0x2  }
0x2b9: {  	s0 =	rddreg [dreg:$0x0];
	s2 =	stileid.u32  }
0x2ba: {  	s1 =	rddreg [dreg:$0x1];
	p0 =	sne.s32 s2, $0x0  }
0x2bb: {  	s3 =	rddreg [dreg:$0x2];
	[bflag:$0x3] =	sbarrier.arrive $0xFFFF;
	s2 =	simm.s32 @!p0 $0x1C03  }
0x2bc: {  	[timem:s3], [sflag:s2] =	dma.local @!p0 [hbm:s0], s1  }
0x2bd: {  	s0 =	simm.s32 @!p0 $0x3  }
0x2be: {  	_ =	swait.ge @!p0 [sflag:s0], s1  }
0x2bf: {  	s1 =	ssub.s32 @!p0 $0x0, s1;
	[sflag:s0] =	ssyncset.done @!p0 $0x0  }
0x2c0: {  	[sflag:s0] =	ssyncadd.s32 @!p0 s1  }
0x2c1: {  	[bflag:$0x3] =	sbarrier.arrive $0xFFFF  }
0x2c2: {  	_ =	shalt  }

</sc_bundles>
